<compile_context>
chip_gen: v7x
topology: tpu7x:2x2x1
jax: 0.10.2.dev20260603
libtpu: 0.0.44.dev20260713+nightly
codegen_flags: <defaults>
</compile_context>

<pallas_src>
import functools

import jax
import jax.numpy as jnp
from jax import lax
from jax.experimental import pallas as pl
from jax.experimental.pallas import tpu as pltpu
from jax.experimental.pallas import tpu_sc as plsc

N = 10000
E = 320000
D = 128
DWA = 80
DWB = 64
NC = 2
NS = 16
EB = 128
EPT = 20480
NB = EPT // EB
NBUF_A = 3
NBUF_B = 4
RPT = 632
RPT_LAST = N - 15 * RPT


def _sc_agg_body(nbuf, table, srcs, dsts, zeros, out,
                 src_v, dst_v, bufs, acc, sg, ss):
    ga = nbuf - 2
    cid = lax.axis_index("c")
    sid = lax.axis_index("s")
    wid = sid * NC + cid

    @pl.when(sid < NS - 1)
    def _():
        pltpu.sync_copy(zeros, acc.at[pl.ds(sid * RPT, RPT)])

    @pl.when(sid == NS - 1)
    def _():
        pltpu.sync_copy(zeros.at[pl.ds(0, RPT_LAST)],
                        acc.at[pl.ds(sid * RPT, RPT_LAST)])

    pltpu.sync_copy(srcs.at[wid], src_v)
    pltpu.sync_copy(dsts.at[wid], dst_v)
    plsc.subcore_barrier()

    do = nbuf - ga
    for j0 in range(ga):
        pltpu.async_copy(table.at[src_v.at[j0]], bufs.at[j0], sg)

    def substep(j, p, jstatic):
        nxt = (p + ga) % nbuf

        def drain():
            pltpu.make_async_copy(
                bufs.at[nxt], acc.at[dst_v.at[j - do]], ss).wait()

        def prefetch():
            pltpu.async_copy(table.at[src_v.at[j + ga]], bufs.at[nxt], sg)

        if jstatic:
            if j >= do:
                drain()
            if j + ga < NB:
                prefetch()
        else:
            pl.when(j >= do)(drain)
            pl.when(j + ga < NB)(prefetch)

        pltpu.make_async_copy(table.at[src_v.at[j]], bufs.at[p], sg).wait()
        pltpu.async_copy(bufs.at[p], acc.at[dst_v.at[j]], ss, add=True)

    def step(k, carry):
        for p in range(nbuf):
            substep(nbuf * k + p, p, False)
        return carry

    nmain = (NB // nbuf) * nbuf
    lax.fori_loop(0, NB // nbuf, step, 0)
    for j in range(nmain, NB):
        substep(j, j % nbuf, True)
    for j in range(NB - do, NB):
        pltpu.make_async_copy(
            bufs.at[j % nbuf], acc.at[dst_v.at[j]], ss).wait()

    plsc.subcore_barrier()

    @pl.when(sid < NS - 1)
    def _():
        pltpu.sync_copy(acc.at[pl.ds(sid * RPT, RPT)],
                        out.at[cid, pl.ds(sid * RPT, RPT)])

    @pl.when(sid == NS - 1)
    def _():
        pltpu.sync_copy(acc.at[pl.ds(sid * RPT, RPT_LAST)],
                        out.at[cid, pl.ds(sid * RPT, RPT_LAST)])


def _make_sc_agg(dw, nbuf):
    mesh = plsc.VectorSubcoreMesh(core_axis_name="c", subcore_axis_name="s",
                                  num_cores=NC, num_subcores=NS)
    return pl.kernel(
        functools.partial(_sc_agg_body, nbuf),
        out_type=jax.ShapeDtypeStruct((NC, N, dw), jnp.float32),
        mesh=mesh,
        scratch_types=[
            pltpu.VMEM((NB, EB), jnp.int32),
            pltpu.VMEM((NB, EB), jnp.int32),
            pltpu.VMEM((nbuf, EB, dw), jnp.float32),
            pltpu.VMEM_SHARED((N, dw), jnp.float32),
            pltpu.SemaphoreType.DMA,
            pltpu.SemaphoreType.DMA,
        ],
        compiler_params=pltpu.CompilerParams(use_tc_tiling_on_sc=False),
    )


_SC_CACHE = {}


def _sc_agg(dw, nbuf):
    if dw not in _SC_CACHE:
        _SC_CACHE[dw] = _make_sc_agg(dw, nbuf)
    return _SC_CACHE[dw]


def _tc_layer1_body(a_ref, b_ref, x_ref, wl_ref, wr_ref, b_ref_, h_ref,
                    inv_ref):
    agg = jnp.concatenate([a_ref[0], b_ref[0, :, :D - DWA]], axis=1)
    deg = jnp.sum(b_ref[0, :, D - DWA:], axis=1, keepdims=True)
    inv = 1.0 / jnp.maximum(deg, 1.0)
    z = jnp.dot(agg * inv, wl_ref[0], preferred_element_type=jnp.float32)
    z = z + jnp.dot(x_ref[0], wr_ref[0], preferred_element_type=jnp.float32)
    h_ref[0] = jnp.tanh(z + b_ref_[0])
    inv_ref[0] = inv


def _tc_layer2_body(a_ref, b_ref, h_ref, inv_ref, wl_ref, wr_ref, b_ref_,
                    out_ref):
    agg = jnp.concatenate([a_ref[0], b_ref[0, :, :D - DWA]], axis=1)
    z = jnp.dot(agg * inv_ref[0], wl_ref[0],
                preferred_element_type=jnp.float32)
    z = z + jnp.dot(h_ref[0], wr_ref[0], preferred_element_type=jnp.float32)
    out_ref[0] = jnp.tanh(z + b_ref_[0])


BLK = 1000


def _make_tc_layer1():
    nblk = N // BLK
    return pl.pallas_call(
        _tc_layer1_body,
        grid=(NC, nblk),
        in_specs=[
            pl.BlockSpec((1, BLK, DWA), lambda g, i: (g, i, 0)),
            pl.BlockSpec((1, BLK, DWB), lambda g, i: (g, i, 0)),
            pl.BlockSpec((1, BLK, D), lambda g, i: (g, i, 0)),
            pl.BlockSpec((1, D, D), lambda g, i: (g, 0, 0)),
            pl.BlockSpec((1, D, D), lambda g, i: (g, 0, 0)),
            pl.BlockSpec((1, 1, D), lambda g, i: (g, 0, 0)),
        ],
        out_specs=[
            pl.BlockSpec((1, BLK, D), lambda g, i: (g, i, 0)),
            pl.BlockSpec((1, BLK, 1), lambda g, i: (g, i, 0)),
        ],
        out_shape=[
            jax.ShapeDtypeStruct((NC, N, D), jnp.float32),
            jax.ShapeDtypeStruct((NC, N, 1), jnp.float32),
        ],
    )


def _make_tc_layer2():
    nblk = N // BLK
    return pl.pallas_call(
        _tc_layer2_body,
        grid=(NC, nblk),
        in_specs=[
            pl.BlockSpec((1, BLK, DWA), lambda g, i: (g, i, 0)),
            pl.BlockSpec((1, BLK, DWB), lambda g, i: (g, i, 0)),
            pl.BlockSpec((1, BLK, D), lambda g, i: (g, i, 0)),
            pl.BlockSpec((1, BLK, 1), lambda g, i: (g, i, 0)),
            pl.BlockSpec((1, D, D), lambda g, i: (g, 0, 0)),
            pl.BlockSpec((1, D, D), lambda g, i: (g, 0, 0)),
            pl.BlockSpec((1, 1, D), lambda g, i: (g, 0, 0)),
        ],
        out_specs=pl.BlockSpec((1, BLK, D), lambda g, i: (g, i, 0)),
        out_shape=jax.ShapeDtypeStruct((NC, N, D), jnp.float32),
    )


def _prep_edges(edge_index0, edge_index1):
    epad = NS * EPT - E
    outs = []
    for g, ei in ((0, edge_index0), (1, edge_index1)):
        src = jnp.concatenate([ei[0], jnp.full((epad,), N, jnp.int32)])
        dst = jnp.concatenate([ei[1], jnp.zeros((epad,), jnp.int32)])
        outs.append((src.reshape(NS, NB, EB) + g * (N + 1),
                     dst.reshape(NS, NB, EB)))
    srcs = jnp.stack([outs[0][0], outs[1][0]],
                     axis=1).reshape(NC * NS, NB, EB)
    dsts = jnp.stack([outs[0][1], outs[1][1]],
                     axis=1).reshape(NC * NS, NB, EB)
    return srcs, dsts


def _tables(feats):
    zrowa = jnp.zeros((NC, 1, DWA), jnp.float32)
    ta = jnp.concatenate([feats[:, :, :DWA], zrowa], axis=1)
    onespad = jnp.concatenate(
        [jnp.ones((NC, N, 1), jnp.float32),
         jnp.zeros((NC, N, DWB - (D - DWA) - 1), jnp.float32)], axis=2)
    tb = jnp.concatenate([feats[:, :, DWA:], onespad], axis=2)
    tb = jnp.concatenate([tb, jnp.zeros((NC, 1, DWB), jnp.float32)], axis=1)
    return ta.reshape(NC * (N + 1), DWA), tb.reshape(NC * (N + 1), DWB)


def kernel(x0, edge_index0, x1, edge_index1,
           g0_W0l, g0_W0r, g0_b0, g0_W1l, g0_W1r, g0_b1,
           g1_W0l, g1_W0r, g1_b0, g1_W1l, g1_W1r, g1_b1):
    srcs, dsts = _prep_edges(edge_index0, edge_index1)
    zeros_a = jnp.zeros((RPT, DWA), jnp.float32)
    zeros_b = jnp.zeros((RPT, DWB), jnp.float32)

    xs = jnp.stack([x0, x1])
    ta, tb = _tables(xs)
    agg_a = _sc_agg(DWA, NBUF_A)(ta, srcs, dsts, zeros_a)
    agg_b = _sc_agg(DWB, NBUF_B)(tb, srcs, dsts, zeros_b)

    wl1 = jnp.stack([g0_W0l, g1_W0l])
    wr1 = jnp.stack([g0_W0r, g1_W0r])
    bb1 = jnp.stack([g0_b0, g1_b0]).reshape(NC, 1, D)
    h, inv = _make_tc_layer1()(agg_a, agg_b, xs, wl1, wr1, bb1)

    ta2, tb2 = _tables(h)
    agg2_a = _sc_agg(DWA, NBUF_A)(ta2, srcs, dsts, zeros_a)
    agg2_b = _sc_agg(DWB, NBUF_B)(tb2, srcs, dsts, zeros_b)

    wl2 = jnp.stack([g0_W1l, g1_W1l])
    wr2 = jnp.stack([g0_W1r, g1_W1r])
    bb2 = jnp.stack([g0_b1, g1_b1]).reshape(NC, 1, D)
    out = _make_tc_layer2()(agg2_a, agg2_b, h, inv, wl2, wr2, bb2)
    return out.reshape(NC * N, D)

# --- scband reference (transcript-rebuilt; emitter-appended) ---
"""Pipeline reference for scband-multi-graph-sage-dropout-50740743635552 (READ-ONLY COPY).

The authoritative reference and input builder live on the scoring server;
editing this copy changes nothing except your own understanding.
"""

import jax, jax.numpy as jnp
import numpy as np

N = 10000
E = 320000
D_IN = 128
D_HID = 128
D_OUT = 128


def setup_inputs(seed: int = 0):
    key = jax.random.key(seed)
    ks = jax.random.split(key, 16)
    s1 = 1.0 / np.sqrt(D_IN)
    s2 = 1.0 / np.sqrt(D_HID)
    inp = {}
    inp["x0"] = jax.random.normal(ks[0], (N, D_IN), dtype=jnp.float32)
    inp["edge_index0"] = jax.random.randint(ks[1], (2, E), 0, N, dtype=jnp.int32)
    inp["x1"] = jax.random.normal(ks[2], (N, D_IN), dtype=jnp.float32)
    inp["edge_index1"] = jax.random.randint(ks[3], (2, E), 0, N, dtype=jnp.int32)
    k = 4
    for g in range(2):
        inp["g%d_W0l" % g] = jax.random.normal(ks[k], (D_IN, D_HID), dtype=jnp.float32) * s1; k += 1
        inp["g%d_W0r" % g] = jax.random.normal(ks[k], (D_IN, D_HID), dtype=jnp.float32) * s1; k += 1
        inp["g%d_b0" % g] = jnp.zeros((D_HID,), dtype=jnp.float32)
        inp["g%d_W1l" % g] = jax.random.normal(ks[k], (D_HID, D_OUT), dtype=jnp.float32) * s2; k += 1
        inp["g%d_W1r" % g] = jax.random.normal(ks[k], (D_HID, D_OUT), dtype=jnp.float32) * s2; k += 1
        inp["g%d_b1" % g] = jnp.zeros((D_OUT,), dtype=jnp.float32)
    return inp


def _sage_conv(x, src, dst, Wl, Wr, b):
    # PyG SAGEConv with aggr='mean': out = lin_l(mean_{j in N(i)} x_j) + lin_r(x_i)
    n = x.shape[0]
    msgs = x[src]
    agg = jax.ops.segment_sum(msgs, dst, num_segments=n)
    deg = jax.ops.segment_sum(jnp.ones((src.shape[0],), dtype=x.dtype), dst, num_segments=n)
    agg = agg / jnp.maximum(deg, 1.0)[:, None]
    return agg @ Wl + x @ Wr + b


def reference(x0, edge_index0, x1, edge_index1, g0_W0l, g0_W0r, g0_b0, g0_W1l, g0_W1r, g0_b1, g1_W0l, g1_W0r, g1_b0, g1_W1l, g1_W1r, g1_b1):
    # Dropout layers are identity in eval mode.
    params = [
        (g0_W0l, g0_W0r, g0_b0, g0_W1l, g0_W1r, g0_b1),
        (g1_W0l, g1_W0r, g1_b0, g1_W1l, g1_W1r, g1_b1),
    ]
    outs = []
    for (x, ei, p) in [(x0, edge_index0, params[0]), (x1, edge_index1, params[1])]:
        src = ei[0]
        dst = ei[1]
        h = jnp.tanh(_sage_conv(x, src, dst, p[0], p[1], p[2]))
        h = jnp.tanh(_sage_conv(h, src, dst, p[3], p[4], p[5]))
        outs.append(h)
    return jnp.concatenate(outs, axis=0)

if __name__ == "__main__":
    import jax
    _d = setup_inputs()
    print(jax.jit(kernel)(*tuple(_d.values())))

</pallas_src>

<mosaic_0001>
#map = affine_map<(d0, d1) -> (0, 0)>
#map1 = affine_map<(d0, d1) -> (0, 0, 0)>
module attributes {stable_mosaic.version = 14 : i64} {
  func.func @_sc_agg_body(%arg0: i32, %arg1: i32, %arg2: memref<20002x80xf32, #tpu.memory_space<hbm>>, %arg3: memref<32x160x128xi32, #tpu.memory_space<hbm>>, %arg4: memref<32x160x128xi32, #tpu.memory_space<hbm>>, %arg5: memref<632x80xf32, #tpu.memory_space<hbm>>, %arg6: memref<2x10000x80xf32, #tpu.memory_space<hbm>>, %arg7: memref<160x128xi32, #tpu.memory_space<vmem>>, %arg8: memref<160x128xi32, #tpu.memory_space<vmem>>, %arg9: memref<3x128x80xf32, #tpu.memory_space<vmem>>, %arg10: memref<10000x80xf32, #tpu.memory_space<vmem_shared>>, %arg11: memref<!tpu.dma_semaphore, #tpu.memory_space<semaphore_mem>>, %arg12: memref<!tpu.dma_semaphore, #tpu.memory_space<semaphore_mem>>) attributes {dimension_semantics = [#tpu.dimension_semantics<core_parallel>, #tpu.dimension_semantics<subcore_parallel>], iteration_bounds = array<i64: 2, 16>, scalar_prefetch = 0 : i64, scratch_operands = 6 : i64, tpu.core_type = #tpu.core_type<sc_vector_subcore>, window_params = [{transform_indices = #map}, {transform_indices = #map1}, {transform_indices = #map1}, {transform_indices = #map}, {transform_indices = #map1}]} {
    %mul3A = arith.constant 2 : i32
    %mul3A_0 = arith.muli %arg1, %mul3A : i32
    %add3A = arith.addi %mul3A_0, %arg0 : i32
    %lt3A = arith.constant 15 : i32
    %lt3A_1 = arith.cmpi slt, %arg1, %lt3A : i32
    %convert_element_type3A = arith.extui %lt3A_1 : i1 to i32
    %cond3A = arith.constant 0 : i32
    %cond3A_2 = arith.cmpi ne, %convert_element_type3A, %cond3A : i32
    scf.if %cond3A_2 {
      %mul3A_93 = arith.constant 632 : i32
      %mul3A_94 = arith.muli %arg1, %mul3A_93 : i32
      "tpu.region"() ({
        %run_scoped3A = tpu.sem_alloc : memref<!tpu.dma_semaphore, #tpu.memory_space<semaphore_mem>>
        %dma_start3A_95 = arith.constant 0 : i32
        %dma_start3A_96 = tpu.memref_slice %arg10[%mul3A_94, %dma_start3A_95] : memref<10000x80xf32, #tpu.memory_space<vmem_shared>> -> memref<632x80xf32, #tpu.memory_space<vmem_shared>>
        tpu.enqueue_dma source(%arg5 : memref<632x80xf32, #tpu.memory_space<hbm>>) target(%dma_start3A_96 : memref<632x80xf32, #tpu.memory_space<vmem_shared>>) target_semaphore(%run_scoped3A : memref<!tpu.dma_semaphore, #tpu.memory_space<semaphore_mem>>)
        %dma_wait3A_97 = arith.constant 0 : i32
        %dma_wait3A_98 = tpu.memref_slice %arg10[%mul3A_94, %dma_wait3A_97] : memref<10000x80xf32, #tpu.memory_space<vmem_shared>> -> memref<632x80xf32, #tpu.memory_space<vmem_shared>>
        tpu.wait_dma2 semaphore(%run_scoped3A : memref<!tpu.dma_semaphore, #tpu.memory_space<semaphore_mem>>) src(%arg5 : memref<632x80xf32, #tpu.memory_space<hbm>>) dst(%dma_wait3A_98 : memref<632x80xf32, #tpu.memory_space<vmem_shared>>)
        tpu.yield
      }) : () -> ()
    } else {
    }
    %eq3A = arith.constant 15 : i32
    %eq3A_3 = arith.cmpi eq, %arg1, %eq3A : i32
    %convert_element_type3A_4 = arith.extui %eq3A_3 : i1 to i32
    %cond3A_5 = arith.constant 0 : i32
    %cond3A_6 = arith.cmpi ne, %convert_element_type3A_4, %cond3A_5 : i32
    scf.if %cond3A_6 {
      %mul3A_93 = arith.constant 632 : i32
      %mul3A_94 = arith.muli %arg1, %mul3A_93 : i32
      "tpu.region"() ({
        %run_scoped3A = tpu.sem_alloc : memref<!tpu.dma_semaphore, #tpu.memory_space<semaphore_mem>>
        %dma_start3A_95 = arith.constant 0 : i32
        %dma_start3A_96 = tpu.memref_slice %arg10[%mul3A_94, %dma_start3A_95] : memref<10000x80xf32, #tpu.memory_space<vmem_shared>> -> memref<520x80xf32, #tpu.memory_space<vmem_shared>>
        %dma_start3A_97 = arith.constant 0 : i32
        %dma_start3A_98 = arith.constant 0 : i32
        %dma_start3A_99 = tpu.memref_slice %arg5[%dma_start3A_97, %dma_start3A_98] : memref<632x80xf32, #tpu.memory_space<hbm>> -> memref<520x80xf32, #tpu.memory_space<hbm>>
        tpu.enqueue_dma source(%dma_start3A_99 : memref<520x80xf32, #tpu.memory_space<hbm>>) target(%dma_start3A_96 : memref<520x80xf32, #tpu.memory_space<vmem_shared>>) target_semaphore(%run_scoped3A : memref<!tpu.dma_semaphore, #tpu.memory_space<semaphore_mem>>)
        %dma_wait3A_100 = arith.constant 0 : i32
        %dma_wait3A_101 = tpu.memref_slice %arg10[%mul3A_94, %dma_wait3A_100] : memref<10000x80xf32, #tpu.memory_space<vmem_shared>> -> memref<520x80xf32, #tpu.memory_space<vmem_shared>>
        %dma_wait3A_102 = arith.constant 0 : i32
        %dma_wait3A_103 = arith.constant 0 : i32
        %dma_wait3A_104 = tpu.memref_slice %arg5[%dma_wait3A_102, %dma_wait3A_103] : memref<632x80xf32, #tpu.memory_space<hbm>> -> memref<520x80xf32, #tpu.memory_space<hbm>>
        tpu.wait_dma2 semaphore(%run_scoped3A : memref<!tpu.dma_semaphore, #tpu.memory_space<semaphore_mem>>) src(%dma_wait3A_104 : memref<520x80xf32, #tpu.memory_space<hbm>>) dst(%dma_wait3A_101 : memref<520x80xf32, #tpu.memory_space<vmem_shared>>)
        tpu.yield
      }) : () -> ()
    } else {
    }
    "tpu.region"() ({
      %run_scoped3A = tpu.sem_alloc : memref<!tpu.dma_semaphore, #tpu.memory_space<semaphore_mem>>
      %dma_start3A_93 = arith.constant 0 : i32
      %dma_start3A_94 = arith.constant 0 : i32
      %dma_start3A_95 = tpu.memref_slice %arg3[%add3A, %dma_start3A_93, %dma_start3A_94] : memref<32x160x128xi32, #tpu.memory_space<hbm>> -> memref<1x160x128xi32, #tpu.memory_space<hbm>>
      %dma_start3A_96 = tpu.memref_squeeze %dma_start3A_95 : memref<1x160x128xi32, #tpu.memory_space<hbm>> -> memref<160x128xi32, #tpu.memory_space<hbm>>
      %dma_start3A_97 = arith.constant 0 : i32
      %dma_start3A_98 = arith.constant 0 : i32
      %dma_start3A_99 = tpu.memref_slice %arg3[%add3A, %dma_start3A_97, %dma_start3A_98] : memref<32x160x128xi32, #tpu.memory_space<hbm>> -> memref<1x160x128xi32, #tpu.memory_space<hbm>>
      %dma_start3A_100 = tpu.memref_squeeze %dma_start3A_99 : memref<1x160x128xi32, #tpu.memory_space<hbm>> -> memref<160x128xi32, #tpu.memory_space<hbm>>
      tpu.enqueue_dma source(%dma_start3A_100 : memref<160x128xi32, #tpu.memory_space<hbm>>) target(%arg7 : memref<160x128xi32, #tpu.memory_space<vmem>>) target_semaphore(%run_scoped3A : memref<!tpu.dma_semaphore, #tpu.memory_space<semaphore_mem>>)
      %dma_wait3A_101 = arith.constant 0 : i32
      %dma_wait3A_102 = arith.constant 0 : i32
      %dma_wait3A_103 = tpu.memref_slice %arg3[%add3A, %dma_wait3A_101, %dma_wait3A_102] : memref<32x160x128xi32, #tpu.memory_space<hbm>> -> memref<1x160x128xi32, #tpu.memory_space<hbm>>
      %dma_wait3A_104 = tpu.memref_squeeze %dma_wait3A_103 : memref<1x160x128xi32, #tpu.memory_space<hbm>> -> memref<160x128xi32, #tpu.memory_space<hbm>>
      %dma_wait3A_105 = arith.constant 0 : i32
      %dma_wait3A_106 = arith.constant 0 : i32
      %dma_wait3A_107 = tpu.memref_slice %arg3[%add3A, %dma_wait3A_105, %dma_wait3A_106] : memref<32x160x128xi32, #tpu.memory_space<hbm>> -> memref<1x160x128xi32, #tpu.memory_space<hbm>>
      %dma_wait3A_108 = tpu.memref_squeeze %dma_wait3A_107 : memref<1x160x128xi32, #tpu.memory_space<hbm>> -> memref<160x128xi32, #tpu.memory_space<hbm>>
      tpu.wait_dma2 semaphore(%run_scoped3A : memref<!tpu.dma_semaphore, #tpu.memory_space<semaphore_mem>>) src(%dma_wait3A_108 : memref<160x128xi32, #tpu.memory_space<hbm>>) dst(%arg7 : memref<160x128xi32, #tpu.memory_space<vmem>>)
      tpu.yield
    }) : () -> ()
    "tpu.region"() ({
      %run_scoped3A = tpu.sem_alloc : memref<!tpu.dma_semaphore, #tpu.memory_space<semaphore_mem>>
      %dma_start3A_93 = arith.constant 0 : i32
      %dma_start3A_94 = arith.constant 0 : i32
      %dma_start3A_95 = tpu.memref_slice %arg4[%add3A, %dma_start3A_93, %dma_start3A_94] : memref<32x160x128xi32, #tpu.memory_space<hbm>> -> memref<1x160x128xi32, #tpu.memory_space<hbm>>
      %dma_start3A_96 = tpu.memref_squeeze %dma_start3A_95 : memref<1x160x128xi32, #tpu.memory_space<hbm>> -> memref<160x128xi32, #tpu.memory_space<hbm>>
      %dma_start3A_97 = arith.constant 0 : i32
      %dma_start3A_98 = arith.constant 0 : i32
      %dma_start3A_99 = tpu.memref_slice %arg4[%add3A, %dma_start3A_97, %dma_start3A_98] : memref<32x160x128xi32, #tpu.memory_space<hbm>> -> memref<1x160x128xi32, #tpu.memory_space<hbm>>
      %dma_start3A_100 = tpu.memref_squeeze %dma_start3A_99 : memref<1x160x128xi32, #tpu.memory_space<hbm>> -> memref<160x128xi32, #tpu.memory_space<hbm>>
      tpu.enqueue_dma source(%dma_start3A_100 : memref<160x128xi32, #tpu.memory_space<hbm>>) target(%arg8 : memref<160x128xi32, #tpu.memory_space<vmem>>) target_semaphore(%run_scoped3A : memref<!tpu.dma_semaphore, #tpu.memory_space<semaphore_mem>>)
      %dma_wait3A_101 = arith.constant 0 : i32
      %dma_wait3A_102 = arith.constant 0 : i32
      %dma_wait3A_103 = tpu.memref_slice %arg4[%add3A, %dma_wait3A_101, %dma_wait3A_102] : memref<32x160x128xi32, #tpu.memory_space<hbm>> -> memref<1x160x128xi32, #tpu.memory_space<hbm>>
      %dma_wait3A_104 = tpu.memref_squeeze %dma_wait3A_103 : memref<1x160x128xi32, #tpu.memory_space<hbm>> -> memref<160x128xi32, #tpu.memory_space<hbm>>
      %dma_wait3A_105 = arith.constant 0 : i32
      %dma_wait3A_106 = arith.constant 0 : i32
      %dma_wait3A_107 = tpu.memref_slice %arg4[%add3A, %dma_wait3A_105, %dma_wait3A_106] : memref<32x160x128xi32, #tpu.memory_space<hbm>> -> memref<1x160x128xi32, #tpu.memory_space<hbm>>
      %dma_wait3A_108 = tpu.memref_squeeze %dma_wait3A_107 : memref<1x160x128xi32, #tpu.memory_space<hbm>> -> memref<160x128xi32, #tpu.memory_space<hbm>>
      tpu.wait_dma2 semaphore(%run_scoped3A : memref<!tpu.dma_semaphore, #tpu.memory_space<semaphore_mem>>) src(%dma_wait3A_108 : memref<160x128xi32, #tpu.memory_space<hbm>>) dst(%arg8 : memref<160x128xi32, #tpu.memory_space<vmem>>)
      tpu.yield
    }) : () -> ()
    %barrier3A = arith.constant 0 : index
    tpu.barrier barrier_id(%barrier3A)
    %dma_start3A = arith.constant 0 : i32
    %dma_start3A_7 = arith.constant 0 : i32
    %dma_start3A_8 = arith.constant 0 : i32
    %dma_start3A_9 = arith.constant 0 : i32
    %dma_start3A_10 = tpu.memref_slice %arg9[%dma_start3A_7, %dma_start3A_8, %dma_start3A_9] : memref<3x128x80xf32, #tpu.memory_space<vmem>> -> memref<1x128x80xf32, #tpu.memory_space<vmem>>
    %dma_start3A_11 = tpu.memref_squeeze %dma_start3A_10 : memref<1x128x80xf32, #tpu.memory_space<vmem>> -> memref<128x80xf32, #tpu.memory_space<vmem>>
    %dma_start3A_12 = arith.constant 0 : i32
    %dma_start3A_13 = tpu.memref_slice %arg7[%dma_start3A, %dma_start3A_12] : memref<160x128xi32, #tpu.memory_space<vmem>> -> memref<1x128xi32, #tpu.memory_space<vmem>>
    %dma_start3A_14 = tpu.memref_squeeze %dma_start3A_13 : memref<1x128xi32, #tpu.memory_space<vmem>> -> memref<128xi32, #tpu.memory_space<vmem>>
    %dma_start3A_15 = arith.constant 0 : i32
    %dma_start3A_16 = arith.constant 0 : i32
    %dma_start3A_17 = tpu.memref_slice %arg2[%dma_start3A_15, %dma_start3A_16] : memref<20002x80xf32, #tpu.memory_space<hbm>> -> memref<20002x80xf32, #tpu.memory_space<hbm>>
    tpu.enqueue_indirect_dma source(%dma_start3A_17 : memref<20002x80xf32, #tpu.memory_space<hbm>>) target(%dma_start3A_11 : memref<128x80xf32, #tpu.memory_space<vmem>>) offsets(%dma_start3A_14 : memref<128xi32, #tpu.memory_space<vmem>>) semaphore(%arg11 : memref<!tpu.dma_semaphore, #tpu.memory_space<semaphore_mem>>)
    %scan3A = arith.constant 0 : i32
    %scan3A_18 = arith.constant 0 : i32
    %scan3A_19 = arith.constant 53 : i32
    %scan3A_20 = arith.addi %scan3A_18, %scan3A_19 : i32
    %scan3A_21 = arith.constant 1 : i32
    scf.for %scan3A_93 = %scan3A_18 to %scan3A_20 step %scan3A_21  : i32 {
      %mul3A_94 = arith.constant 3 : i32
      %mul3A_95 = arith.muli %mul3A_94, %scan3A_93 : i32
      %add3A_96 = arith.constant 0 : i32
      %add3A_97 = arith.addi %mul3A_95, %add3A_96 : i32
      %ge3A = arith.constant 2 : i32
      %ge3A_98 = arith.cmpi sge, %add3A_97, %ge3A : i32
      %convert_element_type3A_99 = arith.extui %ge3A_98 : i1 to i32
      %cond3A_100 = arith.constant 0 : i32
      %cond3A_101 = arith.cmpi ne, %convert_element_type3A_99, %cond3A_100 : i32
      scf.if %cond3A_101 {
        %sub3A = arith.constant 2 : i32
        %sub3A_207 = arith.subi %add3A_97, %sub3A : i32
        %dma_wait3A_208 = arith.constant 1 : i32
        %dma_wait3A_209 = arith.constant 0 : i32
        %dma_wait3A_210 = arith.constant 0 : i32
        %dma_wait3A_211 = tpu.memref_slice %arg9[%dma_wait3A_208, %dma_wait3A_209, %dma_wait3A_210] : memref<3x128x80xf32, #tpu.memory_space<vmem>> -> memref<1x128x80xf32, #tpu.memory_space<vmem>>
        %dma_wait3A_212 = tpu.memref_squeeze %dma_wait3A_211 : memref<1x128x80xf32, #tpu.memory_space<vmem>> -> memref<128x80xf32, #tpu.memory_space<vmem>>
        %dma_wait3A_213 = arith.constant 0 : i32
        %dma_wait3A_214 = tpu.memref_slice %arg8[%sub3A_207, %dma_wait3A_213] : memref<160x128xi32, #tpu.memory_space<vmem>> -> memref<1x128xi32, #tpu.memory_space<vmem>>
        %dma_wait3A_215 = tpu.memref_squeeze %dma_wait3A_214 : memref<1x128xi32, #tpu.memory_space<vmem>> -> memref<128xi32, #tpu.memory_space<vmem>>
        %dma_wait3A_216 = arith.constant 0 : i32
        %dma_wait3A_217 = arith.constant 0 : i32
        %dma_wait3A_218 = tpu.memref_slice %arg10[%dma_wait3A_216, %dma_wait3A_217] : memref<10000x80xf32, #tpu.memory_space<vmem_shared>> -> memref<10000x80xf32, #tpu.memory_space<vmem_shared>>
        tpu.wait_indirect_dma semaphore(%arg12 : memref<!tpu.dma_semaphore, #tpu.memory_space<semaphore_mem>>) src(%dma_wait3A_212 : memref<128x80xf32, #tpu.memory_space<vmem>>) dst(%dma_wait3A_218 : memref<10000x80xf32, #tpu.memory_space<vmem_shared>>)
      } else {
      }
      %add3A_102 = arith.constant 1 : i32
      %add3A_103 = arith.addi %add3A_97, %add3A_102 : i32
      %lt3A_104 = arith.constant 160 : i32
      %lt3A_105 = arith.cmpi slt, %add3A_103, %lt3A_104 : i32
      %convert_element_type3A_106 = arith.extui %lt3A_105 : i1 to i32
      %cond3A_107 = arith.constant 0 : i32
      %cond3A_108 = arith.cmpi ne, %convert_element_type3A_106, %cond3A_107 : i32
      scf.if %cond3A_108 {
        %add3A_207 = arith.constant 1 : i32
        %add3A_208 = arith.addi %add3A_97, %add3A_207 : i32
        %dma_start3A_209 = arith.constant 1 : i32
        %dma_start3A_210 = arith.constant 0 : i32
        %dma_start3A_211 = arith.constant 0 : i32
        %dma_start3A_212 = tpu.memref_slice %arg9[%dma_start3A_209, %dma_start3A_210, %dma_start3A_211] : memref<3x128x80xf32, #tpu.memory_space<vmem>> -> memref<1x128x80xf32, #tpu.memory_space<vmem>>
        %dma_start3A_213 = tpu.memref_squeeze %dma_start3A_212 : memref<1x128x80xf32, #tpu.memory_space<vmem>> -> memref<128x80xf32, #tpu.memory_space<vmem>>
        %dma_start3A_214 = arith.constant 0 : i32
        %dma_start3A_215 = tpu.memref_slice %arg7[%add3A_208, %dma_start3A_214] : memref<160x128xi32, #tpu.memory_space<vmem>> -> memref<1x128xi32, #tpu.memory_space<vmem>>
        %dma_start3A_216 = tpu.memref_squeeze %dma_start3A_215 : memref<1x128xi32, #tpu.memory_space<vmem>> -> memref<128xi32, #tpu.memory_space<vmem>>
        %dma_start3A_217 = arith.constant 0 : i32
        %dma_start3A_218 = arith.constant 0 : i32
        %dma_start3A_219 = tpu.memref_slice %arg2[%dma_start3A_217, %dma_start3A_218] : memref<20002x80xf32, #tpu.memory_space<hbm>> -> memref<20002x80xf32, #tpu.memory_space<hbm>>
        tpu.enqueue_indirect_dma source(%dma_start3A_219 : memref<20002x80xf32, #tpu.memory_space<hbm>>) target(%dma_start3A_213 : memref<128x80xf32, #tpu.memory_space<vmem>>) offsets(%dma_start3A_216 : memref<128xi32, #tpu.memory_space<vmem>>) semaphore(%arg11 : memref<!tpu.dma_semaphore, #tpu.memory_space<semaphore_mem>>)
      } else {
      }
      %dma_wait3A_109 = arith.constant 0 : i32
      %dma_wait3A_110 = arith.constant 0 : i32
      %dma_wait3A_111 = arith.constant 0 : i32
      %dma_wait3A_112 = tpu.memref_slice %arg9[%dma_wait3A_109, %dma_wait3A_110, %dma_wait3A_111] : memref<3x128x80xf32, #tpu.memory_space<vmem>> -> memref<1x128x80xf32, #tpu.memory_space<vmem>>
      %dma_wait3A_113 = tpu.memref_squeeze %dma_wait3A_112 : memref<1x128x80xf32, #tpu.memory_space<vmem>> -> memref<128x80xf32, #tpu.memory_space<vmem>>
      %dma_wait3A_114 = arith.constant 0 : i32
      %dma_wait3A_115 = tpu.memref_slice %arg7[%add3A_97, %dma_wait3A_114] : memref<160x128xi32, #tpu.memory_space<vmem>> -> memref<1x128xi32, #tpu.memory_space<vmem>>
      %dma_wait3A_116 = tpu.memref_squeeze %dma_wait3A_115 : memref<1x128xi32, #tpu.memory_space<vmem>> -> memref<128xi32, #tpu.memory_space<vmem>>
      %dma_wait3A_117 = arith.constant 0 : i32
      %dma_wait3A_118 = arith.constant 0 : i32
      %dma_wait3A_119 = tpu.memref_slice %arg2[%dma_wait3A_117, %dma_wait3A_118] : memref<20002x80xf32, #tpu.memory_space<hbm>> -> memref<20002x80xf32, #tpu.memory_space<hbm>>
      tpu.wait_indirect_dma semaphore(%arg11 : memref<!tpu.dma_semaphore, #tpu.memory_space<semaphore_mem>>) src(%dma_wait3A_119 : memref<20002x80xf32, #tpu.memory_space<hbm>>) dst(%dma_wait3A_113 : memref<128x80xf32, #tpu.memory_space<vmem>>)
      %dma_start3A_120 = arith.constant 0 : i32
      %dma_start3A_121 = arith.constant 0 : i32
      %dma_start3A_122 = arith.constant 0 : i32
      %dma_start3A_123 = tpu.memref_slice %arg9[%dma_start3A_120, %dma_start3A_121, %dma_start3A_122] : memref<3x128x80xf32, #tpu.memory_space<vmem>> -> memref<1x128x80xf32, #tpu.memory_space<vmem>>
      %dma_start3A_124 = tpu.memref_squeeze %dma_start3A_123 : memref<1x128x80xf32, #tpu.memory_space<vmem>> -> memref<128x80xf32, #tpu.memory_space<vmem>>
      %dma_start3A_125 = arith.constant 0 : i32
      %dma_start3A_126 = tpu.memref_slice %arg8[%add3A_97, %dma_start3A_125] : memref<160x128xi32, #tpu.memory_space<vmem>> -> memref<1x128xi32, #tpu.memory_space<vmem>>
      %dma_start3A_127 = tpu.memref_squeeze %dma_start3A_126 : memref<1x128xi32, #tpu.memory_space<vmem>> -> memref<128xi32, #tpu.memory_space<vmem>>
      %dma_start3A_128 = arith.constant 0 : i32
      %dma_start3A_129 = arith.constant 0 : i32
      %dma_start3A_130 = tpu.memref_slice %arg10[%dma_start3A_128, %dma_start3A_129] : memref<10000x80xf32, #tpu.memory_space<vmem_shared>> -> memref<10000x80xf32, #tpu.memory_space<vmem_shared>>
      tpu.enqueue_indirect_dma source(%dma_start3A_124 : memref<128x80xf32, #tpu.memory_space<vmem>>) target(%dma_start3A_130 : memref<10000x80xf32, #tpu.memory_space<vmem_shared>>) offsets(%dma_start3A_127 : memref<128xi32, #tpu.memory_space<vmem>>) semaphore(%arg12 : memref<!tpu.dma_semaphore, #tpu.memory_space<semaphore_mem>>) {add = true}
      %mul3A_131 = arith.constant 3 : i32
      %mul3A_132 = arith.muli %mul3A_131, %scan3A_93 : i32
      %add3A_133 = arith.constant 1 : i32
      %add3A_134 = arith.addi %mul3A_132, %add3A_133 : i32
      %ge3A_135 = arith.constant 2 : i32
      %ge3A_136 = arith.cmpi sge, %add3A_134, %ge3A_135 : i32
      %convert_element_type3A_137 = arith.extui %ge3A_136 : i1 to i32
      %cond3A_138 = arith.constant 0 : i32
      %cond3A_139 = arith.cmpi ne, %convert_element_type3A_137, %cond3A_138 : i32
      scf.if %cond3A_139 {
        %sub3A = arith.constant 2 : i32
        %sub3A_207 = arith.subi %add3A_134, %sub3A : i32
        %dma_wait3A_208 = arith.constant 2 : i32
        %dma_wait3A_209 = arith.constant 0 : i32
        %dma_wait3A_210 = arith.constant 0 : i32
        %dma_wait3A_211 = tpu.memref_slice %arg9[%dma_wait3A_208, %dma_wait3A_209, %dma_wait3A_210] : memref<3x128x80xf32, #tpu.memory_space<vmem>> -> memref<1x128x80xf32, #tpu.memory_space<vmem>>
        %dma_wait3A_212 = tpu.memref_squeeze %dma_wait3A_211 : memref<1x128x80xf32, #tpu.memory_space<vmem>> -> memref<128x80xf32, #tpu.memory_space<vmem>>
        %dma_wait3A_213 = arith.constant 0 : i32
        %dma_wait3A_214 = tpu.memref_slice %arg8[%sub3A_207, %dma_wait3A_213] : memref<160x128xi32, #tpu.memory_space<vmem>> -> memref<1x128xi32, #tpu.memory_space<vmem>>
        %dma_wait3A_215 = tpu.memref_squeeze %dma_wait3A_214 : memref<1x128xi32, #tpu.memory_space<vmem>> -> memref<128xi32, #tpu.memory_space<vmem>>
        %dma_wait3A_216 = arith.constant 0 : i32
        %dma_wait3A_217 = arith.constant 0 : i32
        %dma_wait3A_218 = tpu.memref_slice %arg10[%dma_wait3A_216, %dma_wait3A_217] : memref<10000x80xf32, #tpu.memory_space<vmem_shared>> -> memref<10000x80xf32, #tpu.memory_space<vmem_shared>>
        tpu.wait_indirect_dma semaphore(%arg12 : memref<!tpu.dma_semaphore, #tpu.memory_space<semaphore_mem>>) src(%dma_wait3A_212 : memref<128x80xf32, #tpu.memory_space<vmem>>) dst(%dma_wait3A_218 : memref<10000x80xf32, #tpu.memory_space<vmem_shared>>)
      } else {
      }
      %add3A_140 = arith.constant 1 : i32
      %add3A_141 = arith.addi %add3A_134, %add3A_140 : i32
      %lt3A_142 = arith.constant 160 : i32
      %lt3A_143 = arith.cmpi slt, %add3A_141, %lt3A_142 : i32
      %convert_element_type3A_144 = arith.extui %lt3A_143 : i1 to i32
      %cond3A_145 = arith.constant 0 : i32
      %cond3A_146 = arith.cmpi ne, %convert_element_type3A_144, %cond3A_145 : i32
      scf.if %cond3A_146 {
        %add3A_207 = arith.constant 1 : i32
        %add3A_208 = arith.addi %add3A_134, %add3A_207 : i32
        %dma_start3A_209 = arith.constant 2 : i32
        %dma_start3A_210 = arith.constant 0 : i32
        %dma_start3A_211 = arith.constant 0 : i32
        %dma_start3A_212 = tpu.memref_slice %arg9[%dma_start3A_209, %dma_start3A_210, %dma_start3A_211] : memref<3x128x80xf32, #tpu.memory_space<vmem>> -> memref<1x128x80xf32, #tpu.memory_space<vmem>>
        %dma_start3A_213 = tpu.memref_squeeze %dma_start3A_212 : memref<1x128x80xf32, #tpu.memory_space<vmem>> -> memref<128x80xf32, #tpu.memory_space<vmem>>
        %dma_start3A_214 = arith.constant 0 : i32
        %dma_start3A_215 = tpu.memref_slice %arg7[%add3A_208, %dma_start3A_214] : memref<160x128xi32, #tpu.memory_space<vmem>> -> memref<1x128xi32, #tpu.memory_space<vmem>>
        %dma_start3A_216 = tpu.memref_squeeze %dma_start3A_215 : memref<1x128xi32, #tpu.memory_space<vmem>> -> memref<128xi32, #tpu.memory_space<vmem>>
        %dma_start3A_217 = arith.constant 0 : i32
        %dma_start3A_218 = arith.constant 0 : i32
        %dma_start3A_219 = tpu.memref_slice %arg2[%dma_start3A_217, %dma_start3A_218] : memref<20002x80xf32, #tpu.memory_space<hbm>> -> memref<20002x80xf32, #tpu.memory_space<hbm>>
        tpu.enqueue_indirect_dma source(%dma_start3A_219 : memref<20002x80xf32, #tpu.memory_space<hbm>>) target(%dma_start3A_213 : memref<128x80xf32, #tpu.memory_space<vmem>>) offsets(%dma_start3A_216 : memref<128xi32, #tpu.memory_space<vmem>>) semaphore(%arg11 : memref<!tpu.dma_semaphore, #tpu.memory_space<semaphore_mem>>)
      } else {
      }
      %dma_wait3A_147 = arith.constant 1 : i32
      %dma_wait3A_148 = arith.constant 0 : i32
      %dma_wait3A_149 = arith.constant 0 : i32
      %dma_wait3A_150 = tpu.memref_slice %arg9[%dma_wait3A_147, %dma_wait3A_148, %dma_wait3A_149] : memref<3x128x80xf32, #tpu.memory_space<vmem>> -> memref<1x128x80xf32, #tpu.memory_space<vmem>>
      %dma_wait3A_151 = tpu.memref_squeeze %dma_wait3A_150 : memref<1x128x80xf32, #tpu.memory_space<vmem>> -> memref<128x80xf32, #tpu.memory_space<vmem>>
      %dma_wait3A_152 = arith.constant 0 : i32
      %dma_wait3A_153 = tpu.memref_slice %arg7[%add3A_134, %dma_wait3A_152] : memref<160x128xi32, #tpu.memory_space<vmem>> -> memref<1x128xi32, #tpu.memory_space<vmem>>
      %dma_wait3A_154 = tpu.memref_squeeze %dma_wait3A_153 : memref<1x128xi32, #tpu.memory_space<vmem>> -> memref<128xi32, #tpu.memory_space<vmem>>
      %dma_wait3A_155 = arith.constant 0 : i32
      %dma_wait3A_156 = arith.constant 0 : i32
      %dma_wait3A_157 = tpu.memref_slice %arg2[%dma_wait3A_155, %dma_wait3A_156] : memref<20002x80xf32, #tpu.memory_space<hbm>> -> memref<20002x80xf32, #tpu.memory_space<hbm>>
      tpu.wait_indirect_dma semaphore(%arg11 : memref<!tpu.dma_semaphore, #tpu.memory_space<semaphore_mem>>) src(%dma_wait3A_157 : memref<20002x80xf32, #tpu.memory_space<hbm>>) dst(%dma_wait3A_151 : memref<128x80xf32, #tpu.memory_space<vmem>>)
      %dma_start3A_158 = arith.constant 1 : i32
      %dma_start3A_159 = arith.constant 0 : i32
      %dma_start3A_160 = arith.constant 0 : i32
      %dma_start3A_161 = tpu.memref_slice %arg9[%dma_start3A_158, %dma_start3A_159, %dma_start3A_160] : memref<3x128x80xf32, #tpu.memory_space<vmem>> -> memref<1x128x80xf32, #tpu.memory_space<vmem>>
      %dma_start3A_162 = tpu.memref_squeeze %dma_start3A_161 : memref<1x128x80xf32, #tpu.memory_space<vmem>> -> memref<128x80xf32, #tpu.memory_space<vmem>>
      %dma_start3A_163 = arith.constant 0 : i32
      %dma_start3A_164 = tpu.memref_slice %arg8[%add3A_134, %dma_start3A_163] : memref<160x128xi32, #tpu.memory_space<vmem>> -> memref<1x128xi32, #tpu.memory_space<vmem>>
      %dma_start3A_165 = tpu.memref_squeeze %dma_start3A_164 : memref<1x128xi32, #tpu.memory_space<vmem>> -> memref<128xi32, #tpu.memory_space<vmem>>
      %dma_start3A_166 = arith.constant 0 : i32
      %dma_start3A_167 = arith.constant 0 : i32
      %dma_start3A_168 = tpu.memref_slice %arg10[%dma_start3A_166, %dma_start3A_167] : memref<10000x80xf32, #tpu.memory_space<vmem_shared>> -> memref<10000x80xf32, #tpu.memory_space<vmem_shared>>
      tpu.enqueue_indirect_dma source(%dma_start3A_162 : memref<128x80xf32, #tpu.memory_space<vmem>>) target(%dma_start3A_168 : memref<10000x80xf32, #tpu.memory_space<vmem_shared>>) offsets(%dma_start3A_165 : memref<128xi32, #tpu.memory_space<vmem>>) semaphore(%arg12 : memref<!tpu.dma_semaphore, #tpu.memory_space<semaphore_mem>>) {add = true}
      %mul3A_169 = arith.constant 3 : i32
      %mul3A_170 = arith.muli %mul3A_169, %scan3A_93 : i32
      %add3A_171 = arith.constant 2 : i32
      %add3A_172 = arith.addi %mul3A_170, %add3A_171 : i32
      %ge3A_173 = arith.constant 2 : i32
      %ge3A_174 = arith.cmpi sge, %add3A_172, %ge3A_173 : i32
      %convert_element_type3A_175 = arith.extui %ge3A_174 : i1 to i32
      %cond3A_176 = arith.constant 0 : i32
      %cond3A_177 = arith.cmpi ne, %convert_element_type3A_175, %cond3A_176 : i32
      scf.if %cond3A_177 {
        %sub3A = arith.constant 2 : i32
        %sub3A_207 = arith.subi %add3A_172, %sub3A : i32
        %dma_wait3A_208 = arith.constant 0 : i32
        %dma_wait3A_209 = arith.constant 0 : i32
        %dma_wait3A_210 = arith.constant 0 : i32
        %dma_wait3A_211 = tpu.memref_slice %arg9[%dma_wait3A_208, %dma_wait3A_209, %dma_wait3A_210] : memref<3x128x80xf32, #tpu.memory_space<vmem>> -> memref<1x128x80xf32, #tpu.memory_space<vmem>>
        %dma_wait3A_212 = tpu.memref_squeeze %dma_wait3A_211 : memref<1x128x80xf32, #tpu.memory_space<vmem>> -> memref<128x80xf32, #tpu.memory_space<vmem>>
        %dma_wait3A_213 = arith.constant 0 : i32
        %dma_wait3A_214 = tpu.memref_slice %arg8[%sub3A_207, %dma_wait3A_213] : memref<160x128xi32, #tpu.memory_space<vmem>> -> memref<1x128xi32, #tpu.memory_space<vmem>>
        %dma_wait3A_215 = tpu.memref_squeeze %dma_wait3A_214 : memref<1x128xi32, #tpu.memory_space<vmem>> -> memref<128xi32, #tpu.memory_space<vmem>>
        %dma_wait3A_216 = arith.constant 0 : i32
        %dma_wait3A_217 = arith.constant 0 : i32
        %dma_wait3A_218 = tpu.memref_slice %arg10[%dma_wait3A_216, %dma_wait3A_217] : memref<10000x80xf32, #tpu.memory_space<vmem_shared>> -> memref<10000x80xf32, #tpu.memory_space<vmem_shared>>
        tpu.wait_indirect_dma semaphore(%arg12 : memref<!tpu.dma_semaphore, #tpu.memory_space<semaphore_mem>>) src(%dma_wait3A_212 : memref<128x80xf32, #tpu.memory_space<vmem>>) dst(%dma_wait3A_218 : memref<10000x80xf32, #tpu.memory_space<vmem_shared>>)
      } else {
      }
      %add3A_178 = arith.constant 1 : i32
      %add3A_179 = arith.addi %add3A_172, %add3A_178 : i32
      %lt3A_180 = arith.constant 160 : i32
      %lt3A_181 = arith.cmpi slt, %add3A_179, %lt3A_180 : i32
      %convert_element_type3A_182 = arith.extui %lt3A_181 : i1 to i32
      %cond3A_183 = arith.constant 0 : i32
      %cond3A_184 = arith.cmpi ne, %convert_element_type3A_182, %cond3A_183 : i32
      scf.if %cond3A_184 {
        %add3A_207 = arith.constant 1 : i32
        %add3A_208 = arith.addi %add3A_172, %add3A_207 : i32
        %dma_start3A_209 = arith.constant 0 : i32
        %dma_start3A_210 = arith.constant 0 : i32
        %dma_start3A_211 = arith.constant 0 : i32
        %dma_start3A_212 = tpu.memref_slice %arg9[%dma_start3A_209, %dma_start3A_210, %dma_start3A_211] : memref<3x128x80xf32, #tpu.memory_space<vmem>> -> memref<1x128x80xf32, #tpu.memory_space<vmem>>
        %dma_start3A_213 = tpu.memref_squeeze %dma_start3A_212 : memref<1x128x80xf32, #tpu.memory_space<vmem>> -> memref<128x80xf32, #tpu.memory_space<vmem>>
        %dma_start3A_214 = arith.constant 0 : i32
        %dma_start3A_215 = tpu.memref_slice %arg7[%add3A_208, %dma_start3A_214] : memref<160x128xi32, #tpu.memory_space<vmem>> -> memref<1x128xi32, #tpu.memory_space<vmem>>
        %dma_start3A_216 = tpu.memref_squeeze %dma_start3A_215 : memref<1x128xi32, #tpu.memory_space<vmem>> -> memref<128xi32, #tpu.memory_space<vmem>>
        %dma_start3A_217 = arith.constant 0 : i32
        %dma_start3A_218 = arith.constant 0 : i32
        %dma_start3A_219 = tpu.memref_slice %arg2[%dma_start3A_217, %dma_start3A_218] : memref<20002x80xf32, #tpu.memory_space<hbm>> -> memref<20002x80xf32, #tpu.memory_space<hbm>>
        tpu.enqueue_indirect_dma source(%dma_start3A_219 : memref<20002x80xf32, #tpu.memory_space<hbm>>) target(%dma_start3A_213 : memref<128x80xf32, #tpu.memory_space<vmem>>) offsets(%dma_start3A_216 : memref<128xi32, #tpu.memory_space<vmem>>) semaphore(%arg11 : memref<!tpu.dma_semaphore, #tpu.memory_space<semaphore_mem>>)
      } else {
      }
      %dma_wait3A_185 = arith.constant 2 : i32
      %dma_wait3A_186 = arith.constant 0 : i32
      %dma_wait3A_187 = arith.constant 0 : i32
      %dma_wait3A_188 = tpu.memref_slice %arg9[%dma_wait3A_185, %dma_wait3A_186, %dma_wait3A_187] : memref<3x128x80xf32, #tpu.memory_space<vmem>> -> memref<1x128x80xf32, #tpu.memory_space<vmem>>
      %dma_wait3A_189 = tpu.memref_squeeze %dma_wait3A_188 : memref<1x128x80xf32, #tpu.memory_space<vmem>> -> memref<128x80xf32, #tpu.memory_space<vmem>>
      %dma_wait3A_190 = arith.constant 0 : i32
      %dma_wait3A_191 = tpu.memref_slice %arg7[%add3A_172, %dma_wait3A_190] : memref<160x128xi32, #tpu.memory_space<vmem>> -> memref<1x128xi32, #tpu.memory_space<vmem>>
      %dma_wait3A_192 = tpu.memref_squeeze %dma_wait3A_191 : memref<1x128xi32, #tpu.memory_space<vmem>> -> memref<128xi32, #tpu.memory_space<vmem>>
      %dma_wait3A_193 = arith.constant 0 : i32
      %dma_wait3A_194 = arith.constant 0 : i32
      %dma_wait3A_195 = tpu.memref_slice %arg2[%dma_wait3A_193, %dma_wait3A_194] : memref<20002x80xf32, #tpu.memory_space<hbm>> -> memref<20002x80xf32, #tpu.memory_space<hbm>>
      tpu.wait_indirect_dma semaphore(%arg11 : memref<!tpu.dma_semaphore, #tpu.memory_space<semaphore_mem>>) src(%dma_wait3A_195 : memref<20002x80xf32, #tpu.memory_space<hbm>>) dst(%dma_wait3A_189 : memref<128x80xf32, #tpu.memory_space<vmem>>)
      %dma_start3A_196 = arith.constant 2 : i32
      %dma_start3A_197 = arith.constant 0 : i32
      %dma_start3A_198 = arith.constant 0 : i32
      %dma_start3A_199 = tpu.memref_slice %arg9[%dma_start3A_196, %dma_start3A_197, %dma_start3A_198] : memref<3x128x80xf32, #tpu.memory_space<vmem>> -> memref<1x128x80xf32, #tpu.memory_space<vmem>>
      %dma_start3A_200 = tpu.memref_squeeze %dma_start3A_199 : memref<1x128x80xf32, #tpu.memory_space<vmem>> -> memref<128x80xf32, #tpu.memory_space<vmem>>
      %dma_start3A_201 = arith.constant 0 : i32
      %dma_start3A_202 = tpu.memref_slice %arg8[%add3A_172, %dma_start3A_201] : memref<160x128xi32, #tpu.memory_space<vmem>> -> memref<1x128xi32, #tpu.memory_space<vmem>>
      %dma_start3A_203 = tpu.memref_squeeze %dma_start3A_202 : memref<1x128xi32, #tpu.memory_space<vmem>> -> memref<128xi32, #tpu.memory_space<vmem>>
      %dma_start3A_204 = arith.constant 0 : i32
      %dma_start3A_205 = arith.constant 0 : i32
      %dma_start3A_206 = tpu.memref_slice %arg10[%dma_start3A_204, %dma_start3A_205] : memref<10000x80xf32, #tpu.memory_space<vmem_shared>> -> memref<10000x80xf32, #tpu.memory_space<vmem_shared>>
      tpu.enqueue_indirect_dma source(%dma_start3A_200 : memref<128x80xf32, #tpu.memory_space<vmem>>) target(%dma_start3A_206 : memref<10000x80xf32, #tpu.memory_space<vmem_shared>>) offsets(%dma_start3A_203 : memref<128xi32, #tpu.memory_space<vmem>>) semaphore(%arg12 : memref<!tpu.dma_semaphore, #tpu.memory_space<semaphore_mem>>) {add = true}
    }
    %scan3A_22 = arith.constant 53 : i32
    %dma_wait3A = arith.constant 1 : i32
    %dma_wait3A_23 = arith.constant 157 : i32
    %dma_wait3A_24 = arith.constant 0 : i32
    %dma_wait3A_25 = arith.constant 0 : i32
    %dma_wait3A_26 = tpu.memref_slice %arg9[%dma_wait3A, %dma_wait3A_24, %dma_wait3A_25] : memref<3x128x80xf32, #tpu.memory_space<vmem>> -> memref<1x128x80xf32, #tpu.memory_space<vmem>>
    %dma_wait3A_27 = tpu.memref_squeeze %dma_wait3A_26 : memref<1x128x80xf32, #tpu.memory_space<vmem>> -> memref<128x80xf32, #tpu.memory_space<vmem>>
    %dma_wait3A_28 = arith.constant 0 : i32
    %dma_wait3A_29 = tpu.memref_slice %arg8[%dma_wait3A_23, %dma_wait3A_28] : memref<160x128xi32, #tpu.memory_space<vmem>> -> memref<1x128xi32, #tpu.memory_space<vmem>>
    %dma_wait3A_30 = tpu.memref_squeeze %dma_wait3A_29 : memref<1x128xi32, #tpu.memory_space<vmem>> -> memref<128xi32, #tpu.memory_space<vmem>>
    %dma_wait3A_31 = arith.constant 0 : i32
    %dma_wait3A_32 = arith.constant 0 : i32
    %dma_wait3A_33 = tpu.memref_slice %arg10[%dma_wait3A_31, %dma_wait3A_32] : memref<10000x80xf32, #tpu.memory_space<vmem_shared>> -> memref<10000x80xf32, #tpu.memory_space<vmem_shared>>
    tpu.wait_indirect_dma semaphore(%arg12 : memref<!tpu.dma_semaphore, #tpu.memory_space<semaphore_mem>>) src(%dma_wait3A_27 : memref<128x80xf32, #tpu.memory_space<vmem>>) dst(%dma_wait3A_33 : memref<10000x80xf32, #tpu.memory_space<vmem_shared>>)
    %dma_wait3A_34 = arith.constant 159 : i32
    %dma_wait3A_35 = arith.constant 0 : i32
    %dma_wait3A_36 = arith.constant 0 : i32
    %dma_wait3A_37 = arith.constant 0 : i32
    %dma_wait3A_38 = tpu.memref_slice %arg9[%dma_wait3A_35, %dma_wait3A_36, %dma_wait3A_37] : memref<3x128x80xf32, #tpu.memory_space<vmem>> -> memref<1x128x80xf32, #tpu.memory_space<vmem>>
    %dma_wait3A_39 = tpu.memref_squeeze %dma_wait3A_38 : memref<1x128x80xf32, #tpu.memory_space<vmem>> -> memref<128x80xf32, #tpu.memory_space<vmem>>
    %dma_wait3A_40 = arith.constant 0 : i32
    %dma_wait3A_41 = tpu.memref_slice %arg7[%dma_wait3A_34, %dma_wait3A_40] : memref<160x128xi32, #tpu.memory_space<vmem>> -> memref<1x128xi32, #tpu.memory_space<vmem>>
    %dma_wait3A_42 = tpu.memref_squeeze %dma_wait3A_41 : memref<1x128xi32, #tpu.memory_space<vmem>> -> memref<128xi32, #tpu.memory_space<vmem>>
    %dma_wait3A_43 = arith.constant 0 : i32
    %dma_wait3A_44 = arith.constant 0 : i32
    %dma_wait3A_45 = tpu.memref_slice %arg2[%dma_wait3A_43, %dma_wait3A_44] : memref<20002x80xf32, #tpu.memory_space<hbm>> -> memref<20002x80xf32, #tpu.memory_space<hbm>>
    tpu.wait_indirect_dma semaphore(%arg11 : memref<!tpu.dma_semaphore, #tpu.memory_space<semaphore_mem>>) src(%dma_wait3A_45 : memref<20002x80xf32, #tpu.memory_space<hbm>>) dst(%dma_wait3A_39 : memref<128x80xf32, #tpu.memory_space<vmem>>)
    %dma_start3A_46 = arith.constant 0 : i32
    %dma_start3A_47 = arith.constant 159 : i32
    %dma_start3A_48 = arith.constant 0 : i32
    %dma_start3A_49 = arith.constant 0 : i32
    %dma_start3A_50 = tpu.memref_slice %arg9[%dma_start3A_46, %dma_start3A_48, %dma_start3A_49] : memref<3x128x80xf32, #tpu.memory_space<vmem>> -> memref<1x128x80xf32, #tpu.memory_space<vmem>>
    %dma_start3A_51 = tpu.memref_squeeze %dma_start3A_50 : memref<1x128x80xf32, #tpu.memory_space<vmem>> -> memref<128x80xf32, #tpu.memory_space<vmem>>
    %dma_start3A_52 = arith.constant 0 : i32
    %dma_start3A_53 = tpu.memref_slice %arg8[%dma_start3A_47, %dma_start3A_52] : memref<160x128xi32, #tpu.memory_space<vmem>> -> memref<1x128xi32, #tpu.memory_space<vmem>>
    %dma_start3A_54 = tpu.memref_squeeze %dma_start3A_53 : memref<1x128xi32, #tpu.memory_space<vmem>> -> memref<128xi32, #tpu.memory_space<vmem>>
    %dma_start3A_55 = arith.constant 0 : i32
    %dma_start3A_56 = arith.constant 0 : i32
    %dma_start3A_57 = tpu.memref_slice %arg10[%dma_start3A_55, %dma_start3A_56] : memref<10000x80xf32, #tpu.memory_space<vmem_shared>> -> memref<10000x80xf32, #tpu.memory_space<vmem_shared>>
    tpu.enqueue_indirect_dma source(%dma_start3A_51 : memref<128x80xf32, #tpu.memory_space<vmem>>) target(%dma_start3A_57 : memref<10000x80xf32, #tpu.memory_space<vmem_shared>>) offsets(%dma_start3A_54 : memref<128xi32, #tpu.memory_space<vmem>>) semaphore(%arg12 : memref<!tpu.dma_semaphore, #tpu.memory_space<semaphore_mem>>) {add = true}
    %dma_wait3A_58 = arith.constant 2 : i32
    %dma_wait3A_59 = arith.constant 158 : i32
    %dma_wait3A_60 = arith.constant 0 : i32
    %dma_wait3A_61 = arith.constant 0 : i32
    %dma_wait3A_62 = tpu.memref_slice %arg9[%dma_wait3A_58, %dma_wait3A_60, %dma_wait3A_61] : memref<3x128x80xf32, #tpu.memory_space<vmem>> -> memref<1x128x80xf32, #tpu.memory_space<vmem>>
    %dma_wait3A_63 = tpu.memref_squeeze %dma_wait3A_62 : memref<1x128x80xf32, #tpu.memory_space<vmem>> -> memref<128x80xf32, #tpu.memory_space<vmem>>
    %dma_wait3A_64 = arith.constant 0 : i32
    %dma_wait3A_65 = tpu.memref_slice %arg8[%dma_wait3A_59, %dma_wait3A_64] : memref<160x128xi32, #tpu.memory_space<vmem>> -> memref<1x128xi32, #tpu.memory_space<vmem>>
    %dma_wait3A_66 = tpu.memref_squeeze %dma_wait3A_65 : memref<1x128xi32, #tpu.memory_space<vmem>> -> memref<128xi32, #tpu.memory_space<vmem>>
    %dma_wait3A_67 = arith.constant 0 : i32
    %dma_wait3A_68 = arith.constant 0 : i32
    %dma_wait3A_69 = tpu.memref_slice %arg10[%dma_wait3A_67, %dma_wait3A_68] : memref<10000x80xf32, #tpu.memory_space<vmem_shared>> -> memref<10000x80xf32, #tpu.memory_space<vmem_shared>>
    tpu.wait_indirect_dma semaphore(%arg12 : memref<!tpu.dma_semaphore, #tpu.memory_space<semaphore_mem>>) src(%dma_wait3A_63 : memref<128x80xf32, #tpu.memory_space<vmem>>) dst(%dma_wait3A_69 : memref<10000x80xf32, #tpu.memory_space<vmem_shared>>)
    %dma_wait3A_70 = arith.constant 0 : i32
    %dma_wait3A_71 = arith.constant 159 : i32
    %dma_wait3A_72 = arith.constant 0 : i32
    %dma_wait3A_73 = arith.constant 0 : i32
    %dma_wait3A_74 = tpu.memref_slice %arg9[%dma_wait3A_70, %dma_wait3A_72, %dma_wait3A_73] : memref<3x128x80xf32, #tpu.memory_space<vmem>> -> memref<1x128x80xf32, #tpu.memory_space<vmem>>
    %dma_wait3A_75 = tpu.memref_squeeze %dma_wait3A_74 : memref<1x128x80xf32, #tpu.memory_space<vmem>> -> memref<128x80xf32, #tpu.memory_space<vmem>>
    %dma_wait3A_76 = arith.constant 0 : i32
    %dma_wait3A_77 = tpu.memref_slice %arg8[%dma_wait3A_71, %dma_wait3A_76] : memref<160x128xi32, #tpu.memory_space<vmem>> -> memref<1x128xi32, #tpu.memory_space<vmem>>
    %dma_wait3A_78 = tpu.memref_squeeze %dma_wait3A_77 : memref<1x128xi32, #tpu.memory_space<vmem>> -> memref<128xi32, #tpu.memory_space<vmem>>
    %dma_wait3A_79 = arith.constant 0 : i32
    %dma_wait3A_80 = arith.constant 0 : i32
    %dma_wait3A_81 = tpu.memref_slice %arg10[%dma_wait3A_79, %dma_wait3A_80] : memref<10000x80xf32, #tpu.memory_space<vmem_shared>> -> memref<10000x80xf32, #tpu.memory_space<vmem_shared>>
    tpu.wait_indirect_dma semaphore(%arg12 : memref<!tpu.dma_semaphore, #tpu.memory_space<semaphore_mem>>) src(%dma_wait3A_75 : memref<128x80xf32, #tpu.memory_space<vmem>>) dst(%dma_wait3A_81 : memref<10000x80xf32, #tpu.memory_space<vmem_shared>>)
    %barrier3A_82 = arith.constant 0 : index
    tpu.barrier barrier_id(%barrier3A_82)
    %lt3A_83 = arith.constant 15 : i32
    %lt3A_84 = arith.cmpi slt, %arg1, %lt3A_83 : i32
    %convert_element_type3A_85 = arith.extui %lt3A_84 : i1 to i32
    %cond3A_86 = arith.constant 0 : i32
    %cond3A_87 = arith.cmpi ne, %convert_element_type3A_85, %cond3A_86 : i32
    scf.if %cond3A_87 {
      %mul3A_93 = arith.constant 632 : i32
      %mul3A_94 = arith.muli %arg1, %mul3A_93 : i32
      %mul3A_95 = arith.constant 632 : i32
      %mul3A_96 = arith.muli %arg1, %mul3A_95 : i32
      "tpu.region"() ({
        %run_scoped3A = tpu.sem_alloc : memref<!tpu.dma_semaphore, #tpu.memory_space<semaphore_mem>>
        %dma_start3A_97 = arith.constant 0 : i32
        %dma_start3A_98 = tpu.memref_slice %arg6[%arg0, %mul3A_96, %dma_start3A_97] : memref<2x10000x80xf32, #tpu.memory_space<hbm>> -> memref<1x632x80xf32, #tpu.memory_space<hbm>>
        %dma_start3A_99 = tpu.memref_squeeze %dma_start3A_98 : memref<1x632x80xf32, #tpu.memory_space<hbm>> -> memref<632x80xf32, #tpu.memory_space<hbm>>
        %dma_start3A_100 = arith.constant 0 : i32
        %dma_start3A_101 = tpu.memref_slice %arg10[%mul3A_94, %dma_start3A_100] : memref<10000x80xf32, #tpu.memory_space<vmem_shared>> -> memref<632x80xf32, #tpu.memory_space<vmem_shared>>
        tpu.enqueue_dma source(%dma_start3A_101 : memref<632x80xf32, #tpu.memory_space<vmem_shared>>) target(%dma_start3A_99 : memref<632x80xf32, #tpu.memory_space<hbm>>) target_semaphore(%run_scoped3A : memref<!tpu.dma_semaphore, #tpu.memory_space<semaphore_mem>>)
        %dma_wait3A_102 = arith.constant 0 : i32
        %dma_wait3A_103 = tpu.memref_slice %arg6[%arg0, %mul3A_96, %dma_wait3A_102] : memref<2x10000x80xf32, #tpu.memory_space<hbm>> -> memref<1x632x80xf32, #tpu.memory_space<hbm>>
        %dma_wait3A_104 = tpu.memref_squeeze %dma_wait3A_103 : memref<1x632x80xf32, #tpu.memory_space<hbm>> -> memref<632x80xf32, #tpu.memory_space<hbm>>
        %dma_wait3A_105 = arith.constant 0 : i32
        %dma_wait3A_106 = tpu.memref_slice %arg10[%mul3A_94, %dma_wait3A_105] : memref<10000x80xf32, #tpu.memory_space<vmem_shared>> -> memref<632x80xf32, #tpu.memory_space<vmem_shared>>
        tpu.wait_dma2 semaphore(%run_scoped3A : memref<!tpu.dma_semaphore, #tpu.memory_space<semaphore_mem>>) src(%dma_wait3A_106 : memref<632x80xf32, #tpu.memory_space<vmem_shared>>) dst(%dma_wait3A_104 : memref<632x80xf32, #tpu.memory_space<hbm>>)
        tpu.yield
      }) : () -> ()
    } else {
    }
    %eq3A_88 = arith.constant 15 : i32
    %eq3A_89 = arith.cmpi eq, %arg1, %eq3A_88 : i32
    %convert_element_type3A_90 = arith.extui %eq3A_89 : i1 to i32
    %cond3A_91 = arith.constant 0 : i32
    %cond3A_92 = arith.cmpi ne, %convert_element_type3A_90, %cond3A_91 : i32
    scf.if %cond3A_92 {
      %mul3A_93 = arith.constant 632 : i32
      %mul3A_94 = arith.muli %arg1, %mul3A_93 : i32
      %mul3A_95 = arith.constant 632 : i32
      %mul3A_96 = arith.muli %arg1, %mul3A_95 : i32
      "tpu.region"() ({
        %run_scoped3A = tpu.sem_alloc : memref<!tpu.dma_semaphore, #tpu.memory_space<semaphore_mem>>
        %dma_start3A_97 = arith.constant 0 : i32
        %dma_start3A_98 = tpu.memref_slice %arg6[%arg0, %mul3A_96, %dma_start3A_97] : memref<2x10000x80xf32, #tpu.memory_space<hbm>> -> memref<1x520x80xf32, #tpu.memory_space<hbm>>
        %dma_start3A_99 = tpu.memref_squeeze %dma_start3A_98 : memref<1x520x80xf32, #tpu.memory_space<hbm>> -> memref<520x80xf32, #tpu.memory_space<hbm>>
        %dma_start3A_100 = arith.constant 0 : i32
        %dma_start3A_101 = tpu.memref_slice %arg10[%mul3A_94, %dma_start3A_100] : memref<10000x80xf32, #tpu.memory_space<vmem_shared>> -> memref<520x80xf32, #tpu.memory_space<vmem_shared>>
        tpu.enqueue_dma source(%dma_start3A_101 : memref<520x80xf32, #tpu.memory_space<vmem_shared>>) target(%dma_start3A_99 : memref<520x80xf32, #tpu.memory_space<hbm>>) target_semaphore(%run_scoped3A : memref<!tpu.dma_semaphore, #tpu.memory_space<semaphore_mem>>)
        %dma_wait3A_102 = arith.constant 0 : i32
        %dma_wait3A_103 = tpu.memref_slice %arg6[%arg0, %mul3A_96, %dma_wait3A_102] : memref<2x10000x80xf32, #tpu.memory_space<hbm>> -> memref<1x520x80xf32, #tpu.memory_space<hbm>>
        %dma_wait3A_104 = tpu.memref_squeeze %dma_wait3A_103 : memref<1x520x80xf32, #tpu.memory_space<hbm>> -> memref<520x80xf32, #tpu.memory_space<hbm>>
        %dma_wait3A_105 = arith.constant 0 : i32
        %dma_wait3A_106 = tpu.memref_slice %arg10[%mul3A_94, %dma_wait3A_105] : memref<10000x80xf32, #tpu.memory_space<vmem_shared>> -> memref<520x80xf32, #tpu.memory_space<vmem_shared>>
        tpu.wait_dma2 semaphore(%run_scoped3A : memref<!tpu.dma_semaphore, #tpu.memory_space<semaphore_mem>>) src(%dma_wait3A_106 : memref<520x80xf32, #tpu.memory_space<vmem_shared>>) dst(%dma_wait3A_104 : memref<520x80xf32, #tpu.memory_space<hbm>>)
        tpu.yield
      }) : () -> ()
    } else {
    }
    return
  }
}

#map = affine_map<(d0, d1) -> (0, 0)>
#map1 = affine_map<(d0, d1) -> (0, 0, 0)>
module attributes {stable_mosaic.version = 14 : i64} {
  func.func @_sc_agg_body(%arg0: i32, %arg1: i32, %arg2: memref<20002x64xf32, #tpu.memory_space<hbm>>, %arg3: memref<32x160x128xi32, #tpu.memory_space<hbm>>, %arg4: memref<32x160x128xi32, #tpu.memory_space<hbm>>, %arg5: memref<632x64xf32, #tpu.memory_space<hbm>>, %arg6: memref<2x10000x64xf32, #tpu.memory_space<hbm>>, %arg7: memref<160x128xi32, #tpu.memory_space<vmem>>, %arg8: memref<160x128xi32, #tpu.memory_space<vmem>>, %arg9: memref<4x128x64xf32, #tpu.memory_space<vmem>>, %arg10: memref<10000x64xf32, #tpu.memory_space<vmem_shared>>, %arg11: memref<!tpu.dma_semaphore, #tpu.memory_space<semaphore_mem>>, %arg12: memref<!tpu.dma_semaphore, #tpu.memory_space<semaphore_mem>>) attributes {dimension_semantics = [#tpu.dimension_semantics<core_parallel>, #tpu.dimension_semantics<subcore_parallel>], iteration_bounds = array<i64: 2, 16>, scalar_prefetch = 0 : i64, scratch_operands = 6 : i64, tpu.core_type = #tpu.core_type<sc_vector_subcore>, window_params = [{transform_indices = #map}, {transform_indices = #map1}, {transform_indices = #map1}, {transform_indices = #map}, {transform_indices = #map1}]} {
    %mul3A = arith.constant 2 : i32
    %mul3A_0 = arith.muli %arg1, %mul3A : i32
    %add3A = arith.addi %mul3A_0, %arg0 : i32
    %lt3A = arith.constant 15 : i32
    %lt3A_1 = arith.cmpi slt, %arg1, %lt3A : i32
    %convert_element_type3A = arith.extui %lt3A_1 : i1 to i32
    %cond3A = arith.constant 0 : i32
    %cond3A_2 = arith.cmpi ne, %convert_element_type3A, %cond3A : i32
    scf.if %cond3A_2 {
      %mul3A_69 = arith.constant 632 : i32
      %mul3A_70 = arith.muli %arg1, %mul3A_69 : i32
      "tpu.region"() ({
        %run_scoped3A = tpu.sem_alloc : memref<!tpu.dma_semaphore, #tpu.memory_space<semaphore_mem>>
        %dma_start3A_71 = arith.constant 0 : i32
        %dma_start3A_72 = tpu.memref_slice %arg10[%mul3A_70, %dma_start3A_71] : memref<10000x64xf32, #tpu.memory_space<vmem_shared>> -> memref<632x64xf32, #tpu.memory_space<vmem_shared>>
        tpu.enqueue_dma source(%arg5 : memref<632x64xf32, #tpu.memory_space<hbm>>) target(%dma_start3A_72 : memref<632x64xf32, #tpu.memory_space<vmem_shared>>) target_semaphore(%run_scoped3A : memref<!tpu.dma_semaphore, #tpu.memory_space<semaphore_mem>>)
        %dma_wait3A_73 = arith.constant 0 : i32
        %dma_wait3A_74 = tpu.memref_slice %arg10[%mul3A_70, %dma_wait3A_73] : memref<10000x64xf32, #tpu.memory_space<vmem_shared>> -> memref<632x64xf32, #tpu.memory_space<vmem_shared>>
        tpu.wait_dma2 semaphore(%run_scoped3A : memref<!tpu.dma_semaphore, #tpu.memory_space<semaphore_mem>>) src(%arg5 : memref<632x64xf32, #tpu.memory_space<hbm>>) dst(%dma_wait3A_74 : memref<632x64xf32, #tpu.memory_space<vmem_shared>>)
        tpu.yield
      }) : () -> ()
    } else {
    }
    %eq3A = arith.constant 15 : i32
    %eq3A_3 = arith.cmpi eq, %arg1, %eq3A : i32
    %convert_element_type3A_4 = arith.extui %eq3A_3 : i1 to i32
    %cond3A_5 = arith.constant 0 : i32
    %cond3A_6 = arith.cmpi ne, %convert_element_type3A_4, %cond3A_5 : i32
    scf.if %cond3A_6 {
      %mul3A_69 = arith.constant 632 : i32
      %mul3A_70 = arith.muli %arg1, %mul3A_69 : i32
      "tpu.region"() ({
        %run_scoped3A = tpu.sem_alloc : memref<!tpu.dma_semaphore, #tpu.memory_space<semaphore_mem>>
        %dma_start3A_71 = arith.constant 0 : i32
        %dma_start3A_72 = tpu.memref_slice %arg10[%mul3A_70, %dma_start3A_71] : memref<10000x64xf32, #tpu.memory_space<vmem_shared>> -> memref<520x64xf32, #tpu.memory_space<vmem_shared>>
        %dma_start3A_73 = arith.constant 0 : i32
        %dma_start3A_74 = arith.constant 0 : i32
        %dma_start3A_75 = tpu.memref_slice %arg5[%dma_start3A_73, %dma_start3A_74] : memref<632x64xf32, #tpu.memory_space<hbm>> -> memref<520x64xf32, #tpu.memory_space<hbm>>
        tpu.enqueue_dma source(%dma_start3A_75 : memref<520x64xf32, #tpu.memory_space<hbm>>) target(%dma_start3A_72 : memref<520x64xf32, #tpu.memory_space<vmem_shared>>) target_semaphore(%run_scoped3A : memref<!tpu.dma_semaphore, #tpu.memory_space<semaphore_mem>>)
        %dma_wait3A_76 = arith.constant 0 : i32
        %dma_wait3A_77 = tpu.memref_slice %arg10[%mul3A_70, %dma_wait3A_76] : memref<10000x64xf32, #tpu.memory_space<vmem_shared>> -> memref<520x64xf32, #tpu.memory_space<vmem_shared>>
        %dma_wait3A_78 = arith.constant 0 : i32
        %dma_wait3A_79 = arith.constant 0 : i32
        %dma_wait3A_80 = tpu.memref_slice %arg5[%dma_wait3A_78, %dma_wait3A_79] : memref<632x64xf32, #tpu.memory_space<hbm>> -> memref<520x64xf32, #tpu.memory_space<hbm>>
        tpu.wait_dma2 semaphore(%run_scoped3A : memref<!tpu.dma_semaphore, #tpu.memory_space<semaphore_mem>>) src(%dma_wait3A_80 : memref<520x64xf32, #tpu.memory_space<hbm>>) dst(%dma_wait3A_77 : memref<520x64xf32, #tpu.memory_space<vmem_shared>>)
        tpu.yield
      }) : () -> ()
    } else {
    }
    "tpu.region"() ({
      %run_scoped3A = tpu.sem_alloc : memref<!tpu.dma_semaphore, #tpu.memory_space<semaphore_mem>>
      %dma_start3A_69 = arith.constant 0 : i32
      %dma_start3A_70 = arith.constant 0 : i32
      %dma_start3A_71 = tpu.memref_slice %arg3[%add3A, %dma_start3A_69, %dma_start3A_70] : memref<32x160x128xi32, #tpu.memory_space<hbm>> -> memref<1x160x128xi32, #tpu.memory_space<hbm>>
      %dma_start3A_72 = tpu.memref_squeeze %dma_start3A_71 : memref<1x160x128xi32, #tpu.memory_space<hbm>> -> memref<160x128xi32, #tpu.memory_space<hbm>>
      %dma_start3A_73 = arith.constant 0 : i32
      %dma_start3A_74 = arith.constant 0 : i32
      %dma_start3A_75 = tpu.memref_slice %arg3[%add3A, %dma_start3A_73, %dma_start3A_74] : memref<32x160x128xi32, #tpu.memory_space<hbm>> -> memref<1x160x128xi32, #tpu.memory_space<hbm>>
      %dma_start3A_76 = tpu.memref_squeeze %dma_start3A_75 : memref<1x160x128xi32, #tpu.memory_space<hbm>> -> memref<160x128xi32, #tpu.memory_space<hbm>>
      tpu.enqueue_dma source(%dma_start3A_76 : memref<160x128xi32, #tpu.memory_space<hbm>>) target(%arg7 : memref<160x128xi32, #tpu.memory_space<vmem>>) target_semaphore(%run_scoped3A : memref<!tpu.dma_semaphore, #tpu.memory_space<semaphore_mem>>)
      %dma_wait3A_77 = arith.constant 0 : i32
      %dma_wait3A_78 = arith.constant 0 : i32
      %dma_wait3A_79 = tpu.memref_slice %arg3[%add3A, %dma_wait3A_77, %dma_wait3A_78] : memref<32x160x128xi32, #tpu.memory_space<hbm>> -> memref<1x160x128xi32, #tpu.memory_space<hbm>>
      %dma_wait3A_80 = tpu.memref_squeeze %dma_wait3A_79 : memref<1x160x128xi32, #tpu.memory_space<hbm>> -> memref<160x128xi32, #tpu.memory_space<hbm>>
      %dma_wait3A_81 = arith.constant 0 : i32
      %dma_wait3A_82 = arith.constant 0 : i32
      %dma_wait3A_83 = tpu.memref_slice %arg3[%add3A, %dma_wait3A_81, %dma_wait3A_82] : memref<32x160x128xi32, #tpu.memory_space<hbm>> -> memref<1x160x128xi32, #tpu.memory_space<hbm>>
      %dma_wait3A_84 = tpu.memref_squeeze %dma_wait3A_83 : memref<1x160x128xi32, #tpu.memory_space<hbm>> -> memref<160x128xi32, #tpu.memory_space<hbm>>
      tpu.wait_dma2 semaphore(%run_scoped3A : memref<!tpu.dma_semaphore, #tpu.memory_space<semaphore_mem>>) src(%dma_wait3A_84 : memref<160x128xi32, #tpu.memory_space<hbm>>) dst(%arg7 : memref<160x128xi32, #tpu.memory_space<vmem>>)
      tpu.yield
    }) : () -> ()
    "tpu.region"() ({
      %run_scoped3A = tpu.sem_alloc : memref<!tpu.dma_semaphore, #tpu.memory_space<semaphore_mem>>
      %dma_start3A_69 = arith.constant 0 : i32
      %dma_start3A_70 = arith.constant 0 : i32
      %dma_start3A_71 = tpu.memref_slice %arg4[%add3A, %dma_start3A_69, %dma_start3A_70] : memref<32x160x128xi32, #tpu.memory_space<hbm>> -> memref<1x160x128xi32, #tpu.memory_space<hbm>>
      %dma_start3A_72 = tpu.memref_squeeze %dma_start3A_71 : memref<1x160x128xi32, #tpu.memory_space<hbm>> -> memref<160x128xi32, #tpu.memory_space<hbm>>
      %dma_start3A_73 = arith.constant 0 : i32
      %dma_start3A_74 = arith.constant 0 : i32
      %dma_start3A_75 = tpu.memref_slice %arg4[%add3A, %dma_start3A_73, %dma_start3A_74] : memref<32x160x128xi32, #tpu.memory_space<hbm>> -> memref<1x160x128xi32, #tpu.memory_space<hbm>>
      %dma_start3A_76 = tpu.memref_squeeze %dma_start3A_75 : memref<1x160x128xi32, #tpu.memory_space<hbm>> -> memref<160x128xi32, #tpu.memory_space<hbm>>
      tpu.enqueue_dma source(%dma_start3A_76 : memref<160x128xi32, #tpu.memory_space<hbm>>) target(%arg8 : memref<160x128xi32, #tpu.memory_space<vmem>>) target_semaphore(%run_scoped3A : memref<!tpu.dma_semaphore, #tpu.memory_space<semaphore_mem>>)
      %dma_wait3A_77 = arith.constant 0 : i32
      %dma_wait3A_78 = arith.constant 0 : i32
      %dma_wait3A_79 = tpu.memref_slice %arg4[%add3A, %dma_wait3A_77, %dma_wait3A_78] : memref<32x160x128xi32, #tpu.memory_space<hbm>> -> memref<1x160x128xi32, #tpu.memory_space<hbm>>
      %dma_wait3A_80 = tpu.memref_squeeze %dma_wait3A_79 : memref<1x160x128xi32, #tpu.memory_space<hbm>> -> memref<160x128xi32, #tpu.memory_space<hbm>>
      %dma_wait3A_81 = arith.constant 0 : i32
      %dma_wait3A_82 = arith.constant 0 : i32
      %dma_wait3A_83 = tpu.memref_slice %arg4[%add3A, %dma_wait3A_81, %dma_wait3A_82] : memref<32x160x128xi32, #tpu.memory_space<hbm>> -> memref<1x160x128xi32, #tpu.memory_space<hbm>>
      %dma_wait3A_84 = tpu.memref_squeeze %dma_wait3A_83 : memref<1x160x128xi32, #tpu.memory_space<hbm>> -> memref<160x128xi32, #tpu.memory_space<hbm>>
      tpu.wait_dma2 semaphore(%run_scoped3A : memref<!tpu.dma_semaphore, #tpu.memory_space<semaphore_mem>>) src(%dma_wait3A_84 : memref<160x128xi32, #tpu.memory_space<hbm>>) dst(%arg8 : memref<160x128xi32, #tpu.memory_space<vmem>>)
      tpu.yield
    }) : () -> ()
    %barrier3A = arith.constant 0 : index
    tpu.barrier barrier_id(%barrier3A)
    %dma_start3A = arith.constant 0 : i32
    %dma_start3A_7 = arith.constant 0 : i32
    %dma_start3A_8 = arith.constant 0 : i32
    %dma_start3A_9 = arith.constant 0 : i32
    %dma_start3A_10 = tpu.memref_slice %arg9[%dma_start3A_7, %dma_start3A_8, %dma_start3A_9] : memref<4x128x64xf32, #tpu.memory_space<vmem>> -> memref<1x128x64xf32, #tpu.memory_space<vmem>>
    %dma_start3A_11 = tpu.memref_squeeze %dma_start3A_10 : memref<1x128x64xf32, #tpu.memory_space<vmem>> -> memref<128x64xf32, #tpu.memory_space<vmem>>
    %dma_start3A_12 = arith.constant 0 : i32
    %dma_start3A_13 = tpu.memref_slice %arg7[%dma_start3A, %dma_start3A_12] : memref<160x128xi32, #tpu.memory_space<vmem>> -> memref<1x128xi32, #tpu.memory_space<vmem>>
    %dma_start3A_14 = tpu.memref_squeeze %dma_start3A_13 : memref<1x128xi32, #tpu.memory_space<vmem>> -> memref<128xi32, #tpu.memory_space<vmem>>
    %dma_start3A_15 = arith.constant 0 : i32
    %dma_start3A_16 = arith.constant 0 : i32
    %dma_start3A_17 = tpu.memref_slice %arg2[%dma_start3A_15, %dma_start3A_16] : memref<20002x64xf32, #tpu.memory_space<hbm>> -> memref<20002x64xf32, #tpu.memory_space<hbm>>
    tpu.enqueue_indirect_dma source(%dma_start3A_17 : memref<20002x64xf32, #tpu.memory_space<hbm>>) target(%dma_start3A_11 : memref<128x64xf32, #tpu.memory_space<vmem>>) offsets(%dma_start3A_14 : memref<128xi32, #tpu.memory_space<vmem>>) semaphore(%arg11 : memref<!tpu.dma_semaphore, #tpu.memory_space<semaphore_mem>>)
    %dma_start3A_18 = arith.constant 1 : i32
    %dma_start3A_19 = arith.constant 1 : i32
    %dma_start3A_20 = arith.constant 0 : i32
    %dma_start3A_21 = arith.constant 0 : i32
    %dma_start3A_22 = tpu.memref_slice %arg9[%dma_start3A_19, %dma_start3A_20, %dma_start3A_21] : memref<4x128x64xf32, #tpu.memory_space<vmem>> -> memref<1x128x64xf32, #tpu.memory_space<vmem>>
    %dma_start3A_23 = tpu.memref_squeeze %dma_start3A_22 : memref<1x128x64xf32, #tpu.memory_space<vmem>> -> memref<128x64xf32, #tpu.memory_space<vmem>>
    %dma_start3A_24 = arith.constant 0 : i32
    %dma_start3A_25 = tpu.memref_slice %arg7[%dma_start3A_18, %dma_start3A_24] : memref<160x128xi32, #tpu.memory_space<vmem>> -> memref<1x128xi32, #tpu.memory_space<vmem>>
    %dma_start3A_26 = tpu.memref_squeeze %dma_start3A_25 : memref<1x128xi32, #tpu.memory_space<vmem>> -> memref<128xi32, #tpu.memory_space<vmem>>
    %dma_start3A_27 = arith.constant 0 : i32
    %dma_start3A_28 = arith.constant 0 : i32
    %dma_start3A_29 = tpu.memref_slice %arg2[%dma_start3A_27, %dma_start3A_28] : memref<20002x64xf32, #tpu.memory_space<hbm>> -> memref<20002x64xf32, #tpu.memory_space<hbm>>
    tpu.enqueue_indirect_dma source(%dma_start3A_29 : memref<20002x64xf32, #tpu.memory_space<hbm>>) target(%dma_start3A_23 : memref<128x64xf32, #tpu.memory_space<vmem>>) offsets(%dma_start3A_26 : memref<128xi32, #tpu.memory_space<vmem>>) semaphore(%arg11 : memref<!tpu.dma_semaphore, #tpu.memory_space<semaphore_mem>>)
    %scan3A = arith.constant 0 : i32
    %scan3A_30 = arith.constant 0 : i32
    %scan3A_31 = arith.constant 40 : i32
    %scan3A_32 = arith.addi %scan3A_30, %scan3A_31 : i32
    %scan3A_33 = arith.constant 1 : i32
    scf.for %scan3A_69 = %scan3A_30 to %scan3A_32 step %scan3A_33  : i32 {
      %mul3A_70 = arith.constant 4 : i32
      %mul3A_71 = arith.muli %mul3A_70, %scan3A_69 : i32
      %add3A_72 = arith.constant 0 : i32
      %add3A_73 = arith.addi %mul3A_71, %add3A_72 : i32
      %ge3A = arith.constant 2 : i32
      %ge3A_74 = arith.cmpi sge, %add3A_73, %ge3A : i32
      %convert_element_type3A_75 = arith.extui %ge3A_74 : i1 to i32
      %cond3A_76 = arith.constant 0 : i32
      %cond3A_77 = arith.cmpi ne, %convert_element_type3A_75, %cond3A_76 : i32
      scf.if %cond3A_77 {
        %sub3A = arith.constant 2 : i32
        %sub3A_221 = arith.subi %add3A_73, %sub3A : i32
        %dma_wait3A_222 = arith.constant 2 : i32
        %dma_wait3A_223 = arith.constant 0 : i32
        %dma_wait3A_224 = arith.constant 0 : i32
        %dma_wait3A_225 = tpu.memref_slice %arg9[%dma_wait3A_222, %dma_wait3A_223, %dma_wait3A_224] : memref<4x128x64xf32, #tpu.memory_space<vmem>> -> memref<1x128x64xf32, #tpu.memory_space<vmem>>
        %dma_wait3A_226 = tpu.memref_squeeze %dma_wait3A_225 : memref<1x128x64xf32, #tpu.memory_space<vmem>> -> memref<128x64xf32, #tpu.memory_space<vmem>>
        %dma_wait3A_227 = arith.constant 0 : i32
        %dma_wait3A_228 = tpu.memref_slice %arg8[%sub3A_221, %dma_wait3A_227] : memref<160x128xi32, #tpu.memory_space<vmem>> -> memref<1x128xi32, #tpu.memory_space<vmem>>
        %dma_wait3A_229 = tpu.memref_squeeze %dma_wait3A_228 : memref<1x128xi32, #tpu.memory_space<vmem>> -> memref<128xi32, #tpu.memory_space<vmem>>
        %dma_wait3A_230 = arith.constant 0 : i32
        %dma_wait3A_231 = arith.constant 0 : i32
        %dma_wait3A_232 = tpu.memref_slice %arg10[%dma_wait3A_230, %dma_wait3A_231] : memref<10000x64xf32, #tpu.memory_space<vmem_shared>> -> memref<10000x64xf32, #tpu.memory_space<vmem_shared>>
        tpu.wait_indirect_dma semaphore(%arg12 : memref<!tpu.dma_semaphore, #tpu.memory_space<semaphore_mem>>) src(%dma_wait3A_226 : memref<128x64xf32, #tpu.memory_space<vmem>>) dst(%dma_wait3A_232 : memref<10000x64xf32, #tpu.memory_space<vmem_shared>>)
      } else {
      }
      %add3A_78 = arith.constant 2 : i32
      %add3A_79 = arith.addi %add3A_73, %add3A_78 : i32
      %lt3A_80 = arith.constant 160 : i32
      %lt3A_81 = arith.cmpi slt, %add3A_79, %lt3A_80 : i32
      %convert_element_type3A_82 = arith.extui %lt3A_81 : i1 to i32
      %cond3A_83 = arith.constant 0 : i32
      %cond3A_84 = arith.cmpi ne, %convert_element_type3A_82, %cond3A_83 : i32
      scf.if %cond3A_84 {
        %add3A_221 = arith.constant 2 : i32
        %add3A_222 = arith.addi %add3A_73, %add3A_221 : i32
        %dma_start3A_223 = arith.constant 2 : i32
        %dma_start3A_224 = arith.constant 0 : i32
        %dma_start3A_225 = arith.constant 0 : i32
        %dma_start3A_226 = tpu.memref_slice %arg9[%dma_start3A_223, %dma_start3A_224, %dma_start3A_225] : memref<4x128x64xf32, #tpu.memory_space<vmem>> -> memref<1x128x64xf32, #tpu.memory_space<vmem>>
        %dma_start3A_227 = tpu.memref_squeeze %dma_start3A_226 : memref<1x128x64xf32, #tpu.memory_space<vmem>> -> memref<128x64xf32, #tpu.memory_space<vmem>>
        %dma_start3A_228 = arith.constant 0 : i32
        %dma_start3A_229 = tpu.memref_slice %arg7[%add3A_222, %dma_start3A_228] : memref<160x128xi32, #tpu.memory_space<vmem>> -> memref<1x128xi32, #tpu.memory_space<vmem>>
        %dma_start3A_230 = tpu.memref_squeeze %dma_start3A_229 : memref<1x128xi32, #tpu.memory_space<vmem>> -> memref<128xi32, #tpu.memory_space<vmem>>
        %dma_start3A_231 = arith.constant 0 : i32
        %dma_start3A_232 = arith.constant 0 : i32
        %dma_start3A_233 = tpu.memref_slice %arg2[%dma_start3A_231, %dma_start3A_232] : memref<20002x64xf32, #tpu.memory_space<hbm>> -> memref<20002x64xf32, #tpu.memory_space<hbm>>
        tpu.enqueue_indirect_dma source(%dma_start3A_233 : memref<20002x64xf32, #tpu.memory_space<hbm>>) target(%dma_start3A_227 : memref<128x64xf32, #tpu.memory_space<vmem>>) offsets(%dma_start3A_230 : memref<128xi32, #tpu.memory_space<vmem>>) semaphore(%arg11 : memref<!tpu.dma_semaphore, #tpu.memory_space<semaphore_mem>>)
      } else {
      }
      %dma_wait3A_85 = arith.constant 0 : i32
      %dma_wait3A_86 = arith.constant 0 : i32
      %dma_wait3A_87 = arith.constant 0 : i32
      %dma_wait3A_88 = tpu.memref_slice %arg9[%dma_wait3A_85, %dma_wait3A_86, %dma_wait3A_87] : memref<4x128x64xf32, #tpu.memory_space<vmem>> -> memref<1x128x64xf32, #tpu.memory_space<vmem>>
      %dma_wait3A_89 = tpu.memref_squeeze %dma_wait3A_88 : memref<1x128x64xf32, #tpu.memory_space<vmem>> -> memref<128x64xf32, #tpu.memory_space<vmem>>
      %dma_wait3A_90 = arith.constant 0 : i32
      %dma_wait3A_91 = tpu.memref_slice %arg7[%add3A_73, %dma_wait3A_90] : memref<160x128xi32, #tpu.memory_space<vmem>> -> memref<1x128xi32, #tpu.memory_space<vmem>>
      %dma_wait3A_92 = tpu.memref_squeeze %dma_wait3A_91 : memref<1x128xi32, #tpu.memory_space<vmem>> -> memref<128xi32, #tpu.memory_space<vmem>>
      %dma_wait3A_93 = arith.constant 0 : i32
      %dma_wait3A_94 = arith.constant 0 : i32
      %dma_wait3A_95 = tpu.memref_slice %arg2[%dma_wait3A_93, %dma_wait3A_94] : memref<20002x64xf32, #tpu.memory_space<hbm>> -> memref<20002x64xf32, #tpu.memory_space<hbm>>
      tpu.wait_indirect_dma semaphore(%arg11 : memref<!tpu.dma_semaphore, #tpu.memory_space<semaphore_mem>>) src(%dma_wait3A_95 : memref<20002x64xf32, #tpu.memory_space<hbm>>) dst(%dma_wait3A_89 : memref<128x64xf32, #tpu.memory_space<vmem>>)
      %dma_start3A_96 = arith.constant 0 : i32
      %dma_start3A_97 = arith.constant 0 : i32
      %dma_start3A_98 = arith.constant 0 : i32
      %dma_start3A_99 = tpu.memref_slice %arg9[%dma_start3A_96, %dma_start3A_97, %dma_start3A_98] : memref<4x128x64xf32, #tpu.memory_space<vmem>> -> memref<1x128x64xf32, #tpu.memory_space<vmem>>
      %dma_start3A_100 = tpu.memref_squeeze %dma_start3A_99 : memref<1x128x64xf32, #tpu.memory_space<vmem>> -> memref<128x64xf32, #tpu.memory_space<vmem>>
      %dma_start3A_101 = arith.constant 0 : i32
      %dma_start3A_102 = tpu.memref_slice %arg8[%add3A_73, %dma_start3A_101] : memref<160x128xi32, #tpu.memory_space<vmem>> -> memref<1x128xi32, #tpu.memory_space<vmem>>
      %dma_start3A_103 = tpu.memref_squeeze %dma_start3A_102 : memref<1x128xi32, #tpu.memory_space<vmem>> -> memref<128xi32, #tpu.memory_space<vmem>>
      %dma_start3A_104 = arith.constant 0 : i32
      %dma_start3A_105 = arith.constant 0 : i32
      %dma_start3A_106 = tpu.memref_slice %arg10[%dma_start3A_104, %dma_start3A_105] : memref<10000x64xf32, #tpu.memory_space<vmem_shared>> -> memref<10000x64xf32, #tpu.memory_space<vmem_shared>>
      tpu.enqueue_indirect_dma source(%dma_start3A_100 : memref<128x64xf32, #tpu.memory_space<vmem>>) target(%dma_start3A_106 : memref<10000x64xf32, #tpu.memory_space<vmem_shared>>) offsets(%dma_start3A_103 : memref<128xi32, #tpu.memory_space<vmem>>) semaphore(%arg12 : memref<!tpu.dma_semaphore, #tpu.memory_space<semaphore_mem>>) {add = true}
      %mul3A_107 = arith.constant 4 : i32
      %mul3A_108 = arith.muli %mul3A_107, %scan3A_69 : i32
      %add3A_109 = arith.constant 1 : i32
      %add3A_110 = arith.addi %mul3A_108, %add3A_109 : i32
      %ge3A_111 = arith.constant 2 : i32
      %ge3A_112 = arith.cmpi sge, %add3A_110, %ge3A_111 : i32
      %convert_element_type3A_113 = arith.extui %ge3A_112 : i1 to i32
      %cond3A_114 = arith.constant 0 : i32
      %cond3A_115 = arith.cmpi ne, %convert_element_type3A_113, %cond3A_114 : i32
      scf.if %cond3A_115 {
        %sub3A = arith.constant 2 : i32
        %sub3A_221 = arith.subi %add3A_110, %sub3A : i32
        %dma_wait3A_222 = arith.constant 3 : i32
        %dma_wait3A_223 = arith.constant 0 : i32
        %dma_wait3A_224 = arith.constant 0 : i32
        %dma_wait3A_225 = tpu.memref_slice %arg9[%dma_wait3A_222, %dma_wait3A_223, %dma_wait3A_224] : memref<4x128x64xf32, #tpu.memory_space<vmem>> -> memref<1x128x64xf32, #tpu.memory_space<vmem>>
        %dma_wait3A_226 = tpu.memref_squeeze %dma_wait3A_225 : memref<1x128x64xf32, #tpu.memory_space<vmem>> -> memref<128x64xf32, #tpu.memory_space<vmem>>
        %dma_wait3A_227 = arith.constant 0 : i32
        %dma_wait3A_228 = tpu.memref_slice %arg8[%sub3A_221, %dma_wait3A_227] : memref<160x128xi32, #tpu.memory_space<vmem>> -> memref<1x128xi32, #tpu.memory_space<vmem>>
        %dma_wait3A_229 = tpu.memref_squeeze %dma_wait3A_228 : memref<1x128xi32, #tpu.memory_space<vmem>> -> memref<128xi32, #tpu.memory_space<vmem>>
        %dma_wait3A_230 = arith.constant 0 : i32
        %dma_wait3A_231 = arith.constant 0 : i32
        %dma_wait3A_232 = tpu.memref_slice %arg10[%dma_wait3A_230, %dma_wait3A_231] : memref<10000x64xf32, #tpu.memory_space<vmem_shared>> -> memref<10000x64xf32, #tpu.memory_space<vmem_shared>>
        tpu.wait_indirect_dma semaphore(%arg12 : memref<!tpu.dma_semaphore, #tpu.memory_space<semaphore_mem>>) src(%dma_wait3A_226 : memref<128x64xf32, #tpu.memory_space<vmem>>) dst(%dma_wait3A_232 : memref<10000x64xf32, #tpu.memory_space<vmem_shared>>)
      } else {
      }
      %add3A_116 = arith.constant 2 : i32
      %add3A_117 = arith.addi %add3A_110, %add3A_116 : i32
      %lt3A_118 = arith.constant 160 : i32
      %lt3A_119 = arith.cmpi slt, %add3A_117, %lt3A_118 : i32
      %convert_element_type3A_120 = arith.extui %lt3A_119 : i1 to i32
      %cond3A_121 = arith.constant 0 : i32
      %cond3A_122 = arith.cmpi ne, %convert_element_type3A_120, %cond3A_121 : i32
      scf.if %cond3A_122 {
        %add3A_221 = arith.constant 2 : i32
        %add3A_222 = arith.addi %add3A_110, %add3A_221 : i32
        %dma_start3A_223 = arith.constant 3 : i32
        %dma_start3A_224 = arith.constant 0 : i32
        %dma_start3A_225 = arith.constant 0 : i32
        %dma_start3A_226 = tpu.memref_slice %arg9[%dma_start3A_223, %dma_start3A_224, %dma_start3A_225] : memref<4x128x64xf32, #tpu.memory_space<vmem>> -> memref<1x128x64xf32, #tpu.memory_space<vmem>>
        %dma_start3A_227 = tpu.memref_squeeze %dma_start3A_226 : memref<1x128x64xf32, #tpu.memory_space<vmem>> -> memref<128x64xf32, #tpu.memory_space<vmem>>
        %dma_start3A_228 = arith.constant 0 : i32
        %dma_start3A_229 = tpu.memref_slice %arg7[%add3A_222, %dma_start3A_228] : memref<160x128xi32, #tpu.memory_space<vmem>> -> memref<1x128xi32, #tpu.memory_space<vmem>>
        %dma_start3A_230 = tpu.memref_squeeze %dma_start3A_229 : memref<1x128xi32, #tpu.memory_space<vmem>> -> memref<128xi32, #tpu.memory_space<vmem>>
        %dma_start3A_231 = arith.constant 0 : i32
        %dma_start3A_232 = arith.constant 0 : i32
        %dma_start3A_233 = tpu.memref_slice %arg2[%dma_start3A_231, %dma_start3A_232] : memref<20002x64xf32, #tpu.memory_space<hbm>> -> memref<20002x64xf32, #tpu.memory_space<hbm>>
        tpu.enqueue_indirect_dma source(%dma_start3A_233 : memref<20002x64xf32, #tpu.memory_space<hbm>>) target(%dma_start3A_227 : memref<128x64xf32, #tpu.memory_space<vmem>>) offsets(%dma_start3A_230 : memref<128xi32, #tpu.memory_space<vmem>>) semaphore(%arg11 : memref<!tpu.dma_semaphore, #tpu.memory_space<semaphore_mem>>)
      } else {
      }
      %dma_wait3A_123 = arith.constant 1 : i32
      %dma_wait3A_124 = arith.constant 0 : i32
      %dma_wait3A_125 = arith.constant 0 : i32
      %dma_wait3A_126 = tpu.memref_slice %arg9[%dma_wait3A_123, %dma_wait3A_124, %dma_wait3A_125] : memref<4x128x64xf32, #tpu.memory_space<vmem>> -> memref<1x128x64xf32, #tpu.memory_space<vmem>>
      %dma_wait3A_127 = tpu.memref_squeeze %dma_wait3A_126 : memref<1x128x64xf32, #tpu.memory_space<vmem>> -> memref<128x64xf32, #tpu.memory_space<vmem>>
      %dma_wait3A_128 = arith.constant 0 : i32
      %dma_wait3A_129 = tpu.memref_slice %arg7[%add3A_110, %dma_wait3A_128] : memref<160x128xi32, #tpu.memory_space<vmem>> -> memref<1x128xi32, #tpu.memory_space<vmem>>
      %dma_wait3A_130 = tpu.memref_squeeze %dma_wait3A_129 : memref<1x128xi32, #tpu.memory_space<vmem>> -> memref<128xi32, #tpu.memory_space<vmem>>
      %dma_wait3A_131 = arith.constant 0 : i32
      %dma_wait3A_132 = arith.constant 0 : i32
      %dma_wait3A_133 = tpu.memref_slice %arg2[%dma_wait3A_131, %dma_wait3A_132] : memref<20002x64xf32, #tpu.memory_space<hbm>> -> memref<20002x64xf32, #tpu.memory_space<hbm>>
      tpu.wait_indirect_dma semaphore(%arg11 : memref<!tpu.dma_semaphore, #tpu.memory_space<semaphore_mem>>) src(%dma_wait3A_133 : memref<20002x64xf32, #tpu.memory_space<hbm>>) dst(%dma_wait3A_127 : memref<128x64xf32, #tpu.memory_space<vmem>>)
      %dma_start3A_134 = arith.constant 1 : i32
      %dma_start3A_135 = arith.constant 0 : i32
      %dma_start3A_136 = arith.constant 0 : i32
      %dma_start3A_137 = tpu.memref_slice %arg9[%dma_start3A_134, %dma_start3A_135, %dma_start3A_136] : memref<4x128x64xf32, #tpu.memory_space<vmem>> -> memref<1x128x64xf32, #tpu.memory_space<vmem>>
      %dma_start3A_138 = tpu.memref_squeeze %dma_start3A_137 : memref<1x128x64xf32, #tpu.memory_space<vmem>> -> memref<128x64xf32, #tpu.memory_space<vmem>>
      %dma_start3A_139 = arith.constant 0 : i32
      %dma_start3A_140 = tpu.memref_slice %arg8[%add3A_110, %dma_start3A_139] : memref<160x128xi32, #tpu.memory_space<vmem>> -> memref<1x128xi32, #tpu.memory_space<vmem>>
      %dma_start3A_141 = tpu.memref_squeeze %dma_start3A_140 : memref<1x128xi32, #tpu.memory_space<vmem>> -> memref<128xi32, #tpu.memory_space<vmem>>
      %dma_start3A_142 = arith.constant 0 : i32
      %dma_start3A_143 = arith.constant 0 : i32
      %dma_start3A_144 = tpu.memref_slice %arg10[%dma_start3A_142, %dma_start3A_143] : memref<10000x64xf32, #tpu.memory_space<vmem_shared>> -> memref<10000x64xf32, #tpu.memory_space<vmem_shared>>
      tpu.enqueue_indirect_dma source(%dma_start3A_138 : memref<128x64xf32, #tpu.memory_space<vmem>>) target(%dma_start3A_144 : memref<10000x64xf32, #tpu.memory_space<vmem_shared>>) offsets(%dma_start3A_141 : memref<128xi32, #tpu.memory_space<vmem>>) semaphore(%arg12 : memref<!tpu.dma_semaphore, #tpu.memory_space<semaphore_mem>>) {add = true}
      %mul3A_145 = arith.constant 4 : i32
      %mul3A_146 = arith.muli %mul3A_145, %scan3A_69 : i32
      %add3A_147 = arith.constant 2 : i32
      %add3A_148 = arith.addi %mul3A_146, %add3A_147 : i32
      %ge3A_149 = arith.constant 2 : i32
      %ge3A_150 = arith.cmpi sge, %add3A_148, %ge3A_149 : i32
      %convert_element_type3A_151 = arith.extui %ge3A_150 : i1 to i32
      %cond3A_152 = arith.constant 0 : i32
      %cond3A_153 = arith.cmpi ne, %convert_element_type3A_151, %cond3A_152 : i32
      scf.if %cond3A_153 {
        %sub3A = arith.constant 2 : i32
        %sub3A_221 = arith.subi %add3A_148, %sub3A : i32
        %dma_wait3A_222 = arith.constant 0 : i32
        %dma_wait3A_223 = arith.constant 0 : i32
        %dma_wait3A_224 = arith.constant 0 : i32
        %dma_wait3A_225 = tpu.memref_slice %arg9[%dma_wait3A_222, %dma_wait3A_223, %dma_wait3A_224] : memref<4x128x64xf32, #tpu.memory_space<vmem>> -> memref<1x128x64xf32, #tpu.memory_space<vmem>>
        %dma_wait3A_226 = tpu.memref_squeeze %dma_wait3A_225 : memref<1x128x64xf32, #tpu.memory_space<vmem>> -> memref<128x64xf32, #tpu.memory_space<vmem>>
        %dma_wait3A_227 = arith.constant 0 : i32
        %dma_wait3A_228 = tpu.memref_slice %arg8[%sub3A_221, %dma_wait3A_227] : memref<160x128xi32, #tpu.memory_space<vmem>> -> memref<1x128xi32, #tpu.memory_space<vmem>>
        %dma_wait3A_229 = tpu.memref_squeeze %dma_wait3A_228 : memref<1x128xi32, #tpu.memory_space<vmem>> -> memref<128xi32, #tpu.memory_space<vmem>>
        %dma_wait3A_230 = arith.constant 0 : i32
        %dma_wait3A_231 = arith.constant 0 : i32
        %dma_wait3A_232 = tpu.memref_slice %arg10[%dma_wait3A_230, %dma_wait3A_231] : memref<10000x64xf32, #tpu.memory_space<vmem_shared>> -> memref<10000x64xf32, #tpu.memory_space<vmem_shared>>
        tpu.wait_indirect_dma semaphore(%arg12 : memref<!tpu.dma_semaphore, #tpu.memory_space<semaphore_mem>>) src(%dma_wait3A_226 : memref<128x64xf32, #tpu.memory_space<vmem>>) dst(%dma_wait3A_232 : memref<10000x64xf32, #tpu.memory_space<vmem_shared>>)
      } else {
      }
      %add3A_154 = arith.constant 2 : i32
      %add3A_155 = arith.addi %add3A_148, %add3A_154 : i32
      %lt3A_156 = arith.constant 160 : i32
      %lt3A_157 = arith.cmpi slt, %add3A_155, %lt3A_156 : i32
      %convert_element_type3A_158 = arith.extui %lt3A_157 : i1 to i32
      %cond3A_159 = arith.constant 0 : i32
      %cond3A_160 = arith.cmpi ne, %convert_element_type3A_158, %cond3A_159 : i32
      scf.if %cond3A_160 {
        %add3A_221 = arith.constant 2 : i32
        %add3A_222 = arith.addi %add3A_148, %add3A_221 : i32
        %dma_start3A_223 = arith.constant 0 : i32
        %dma_start3A_224 = arith.constant 0 : i32
        %dma_start3A_225 = arith.constant 0 : i32
        %dma_start3A_226 = tpu.memref_slice %arg9[%dma_start3A_223, %dma_start3A_224, %dma_start3A_225] : memref<4x128x64xf32, #tpu.memory_space<vmem>> -> memref<1x128x64xf32, #tpu.memory_space<vmem>>
        %dma_start3A_227 = tpu.memref_squeeze %dma_start3A_226 : memref<1x128x64xf32, #tpu.memory_space<vmem>> -> memref<128x64xf32, #tpu.memory_space<vmem>>
        %dma_start3A_228 = arith.constant 0 : i32
        %dma_start3A_229 = tpu.memref_slice %arg7[%add3A_222, %dma_start3A_228] : memref<160x128xi32, #tpu.memory_space<vmem>> -> memref<1x128xi32, #tpu.memory_space<vmem>>
        %dma_start3A_230 = tpu.memref_squeeze %dma_start3A_229 : memref<1x128xi32, #tpu.memory_space<vmem>> -> memref<128xi32, #tpu.memory_space<vmem>>
        %dma_start3A_231 = arith.constant 0 : i32
        %dma_start3A_232 = arith.constant 0 : i32
        %dma_start3A_233 = tpu.memref_slice %arg2[%dma_start3A_231, %dma_start3A_232] : memref<20002x64xf32, #tpu.memory_space<hbm>> -> memref<20002x64xf32, #tpu.memory_space<hbm>>
        tpu.enqueue_indirect_dma source(%dma_start3A_233 : memref<20002x64xf32, #tpu.memory_space<hbm>>) target(%dma_start3A_227 : memref<128x64xf32, #tpu.memory_space<vmem>>) offsets(%dma_start3A_230 : memref<128xi32, #tpu.memory_space<vmem>>) semaphore(%arg11 : memref<!tpu.dma_semaphore, #tpu.memory_space<semaphore_mem>>)
      } else {
      }
      %dma_wait3A_161 = arith.constant 2 : i32
      %dma_wait3A_162 = arith.constant 0 : i32
      %dma_wait3A_163 = arith.constant 0 : i32
      %dma_wait3A_164 = tpu.memref_slice %arg9[%dma_wait3A_161, %dma_wait3A_162, %dma_wait3A_163] : memref<4x128x64xf32, #tpu.memory_space<vmem>> -> memref<1x128x64xf32, #tpu.memory_space<vmem>>
      %dma_wait3A_165 = tpu.memref_squeeze %dma_wait3A_164 : memref<1x128x64xf32, #tpu.memory_space<vmem>> -> memref<128x64xf32, #tpu.memory_space<vmem>>
      %dma_wait3A_166 = arith.constant 0 : i32
      %dma_wait3A_167 = tpu.memref_slice %arg7[%add3A_148, %dma_wait3A_166] : memref<160x128xi32, #tpu.memory_space<vmem>> -> memref<1x128xi32, #tpu.memory_space<vmem>>
      %dma_wait3A_168 = tpu.memref_squeeze %dma_wait3A_167 : memref<1x128xi32, #tpu.memory_space<vmem>> -> memref<128xi32, #tpu.memory_space<vmem>>
      %dma_wait3A_169 = arith.constant 0 : i32
      %dma_wait3A_170 = arith.constant 0 : i32
      %dma_wait3A_171 = tpu.memref_slice %arg2[%dma_wait3A_169, %dma_wait3A_170] : memref<20002x64xf32, #tpu.memory_space<hbm>> -> memref<20002x64xf32, #tpu.memory_space<hbm>>
      tpu.wait_indirect_dma semaphore(%arg11 : memref<!tpu.dma_semaphore, #tpu.memory_space<semaphore_mem>>) src(%dma_wait3A_171 : memref<20002x64xf32, #tpu.memory_space<hbm>>) dst(%dma_wait3A_165 : memref<128x64xf32, #tpu.memory_space<vmem>>)
      %dma_start3A_172 = arith.constant 2 : i32
      %dma_start3A_173 = arith.constant 0 : i32
      %dma_start3A_174 = arith.constant 0 : i32
      %dma_start3A_175 = tpu.memref_slice %arg9[%dma_start3A_172, %dma_start3A_173, %dma_start3A_174] : memref<4x128x64xf32, #tpu.memory_space<vmem>> -> memref<1x128x64xf32, #tpu.memory_space<vmem>>
      %dma_start3A_176 = tpu.memref_squeeze %dma_start3A_175 : memref<1x128x64xf32, #tpu.memory_space<vmem>> -> memref<128x64xf32, #tpu.memory_space<vmem>>
      %dma_start3A_177 = arith.constant 0 : i32
      %dma_start3A_178 = tpu.memref_slice %arg8[%add3A_148, %dma_start3A_177] : memref<160x128xi32, #tpu.memory_space<vmem>> -> memref<1x128xi32, #tpu.memory_space<vmem>>
      %dma_start3A_179 = tpu.memref_squeeze %dma_start3A_178 : memref<1x128xi32, #tpu.memory_space<vmem>> -> memref<128xi32, #tpu.memory_space<vmem>>
      %dma_start3A_180 = arith.constant 0 : i32
      %dma_start3A_181 = arith.constant 0 : i32
      %dma_start3A_182 = tpu.memref_slice %arg10[%dma_start3A_180, %dma_start3A_181] : memref<10000x64xf32, #tpu.memory_space<vmem_shared>> -> memref<10000x64xf32, #tpu.memory_space<vmem_shared>>
      tpu.enqueue_indirect_dma source(%dma_start3A_176 : memref<128x64xf32, #tpu.memory_space<vmem>>) target(%dma_start3A_182 : memref<10000x64xf32, #tpu.memory_space<vmem_shared>>) offsets(%dma_start3A_179 : memref<128xi32, #tpu.memory_space<vmem>>) semaphore(%arg12 : memref<!tpu.dma_semaphore, #tpu.memory_space<semaphore_mem>>) {add = true}
      %mul3A_183 = arith.constant 4 : i32
      %mul3A_184 = arith.muli %mul3A_183, %scan3A_69 : i32
      %add3A_185 = arith.constant 3 : i32
      %add3A_186 = arith.addi %mul3A_184, %add3A_185 : i32
      %ge3A_187 = arith.constant 2 : i32
      %ge3A_188 = arith.cmpi sge, %add3A_186, %ge3A_187 : i32
      %convert_element_type3A_189 = arith.extui %ge3A_188 : i1 to i32
      %cond3A_190 = arith.constant 0 : i32
      %cond3A_191 = arith.cmpi ne, %convert_element_type3A_189, %cond3A_190 : i32
      scf.if %cond3A_191 {
        %sub3A = arith.constant 2 : i32
        %sub3A_221 = arith.subi %add3A_186, %sub3A : i32
        %dma_wait3A_222 = arith.constant 1 : i32
        %dma_wait3A_223 = arith.constant 0 : i32
        %dma_wait3A_224 = arith.constant 0 : i32
        %dma_wait3A_225 = tpu.memref_slice %arg9[%dma_wait3A_222, %dma_wait3A_223, %dma_wait3A_224] : memref<4x128x64xf32, #tpu.memory_space<vmem>> -> memref<1x128x64xf32, #tpu.memory_space<vmem>>
        %dma_wait3A_226 = tpu.memref_squeeze %dma_wait3A_225 : memref<1x128x64xf32, #tpu.memory_space<vmem>> -> memref<128x64xf32, #tpu.memory_space<vmem>>
        %dma_wait3A_227 = arith.constant 0 : i32
        %dma_wait3A_228 = tpu.memref_slice %arg8[%sub3A_221, %dma_wait3A_227] : memref<160x128xi32, #tpu.memory_space<vmem>> -> memref<1x128xi32, #tpu.memory_space<vmem>>
        %dma_wait3A_229 = tpu.memref_squeeze %dma_wait3A_228 : memref<1x128xi32, #tpu.memory_space<vmem>> -> memref<128xi32, #tpu.memory_space<vmem>>
        %dma_wait3A_230 = arith.constant 0 : i32
        %dma_wait3A_231 = arith.constant 0 : i32
        %dma_wait3A_232 = tpu.memref_slice %arg10[%dma_wait3A_230, %dma_wait3A_231] : memref<10000x64xf32, #tpu.memory_space<vmem_shared>> -> memref<10000x64xf32, #tpu.memory_space<vmem_shared>>
        tpu.wait_indirect_dma semaphore(%arg12 : memref<!tpu.dma_semaphore, #tpu.memory_space<semaphore_mem>>) src(%dma_wait3A_226 : memref<128x64xf32, #tpu.memory_space<vmem>>) dst(%dma_wait3A_232 : memref<10000x64xf32, #tpu.memory_space<vmem_shared>>)
      } else {
      }
      %add3A_192 = arith.constant 2 : i32
      %add3A_193 = arith.addi %add3A_186, %add3A_192 : i32
      %lt3A_194 = arith.constant 160 : i32
      %lt3A_195 = arith.cmpi slt, %add3A_193, %lt3A_194 : i32
      %convert_element_type3A_196 = arith.extui %lt3A_195 : i1 to i32
      %cond3A_197 = arith.constant 0 : i32
      %cond3A_198 = arith.cmpi ne, %convert_element_type3A_196, %cond3A_197 : i32
      scf.if %cond3A_198 {
        %add3A_221 = arith.constant 2 : i32
        %add3A_222 = arith.addi %add3A_186, %add3A_221 : i32
        %dma_start3A_223 = arith.constant 1 : i32
        %dma_start3A_224 = arith.constant 0 : i32
        %dma_start3A_225 = arith.constant 0 : i32
        %dma_start3A_226 = tpu.memref_slice %arg9[%dma_start3A_223, %dma_start3A_224, %dma_start3A_225] : memref<4x128x64xf32, #tpu.memory_space<vmem>> -> memref<1x128x64xf32, #tpu.memory_space<vmem>>
        %dma_start3A_227 = tpu.memref_squeeze %dma_start3A_226 : memref<1x128x64xf32, #tpu.memory_space<vmem>> -> memref<128x64xf32, #tpu.memory_space<vmem>>
        %dma_start3A_228 = arith.constant 0 : i32
        %dma_start3A_229 = tpu.memref_slice %arg7[%add3A_222, %dma_start3A_228] : memref<160x128xi32, #tpu.memory_space<vmem>> -> memref<1x128xi32, #tpu.memory_space<vmem>>
        %dma_start3A_230 = tpu.memref_squeeze %dma_start3A_229 : memref<1x128xi32, #tpu.memory_space<vmem>> -> memref<128xi32, #tpu.memory_space<vmem>>
        %dma_start3A_231 = arith.constant 0 : i32
        %dma_start3A_232 = arith.constant 0 : i32
        %dma_start3A_233 = tpu.memref_slice %arg2[%dma_start3A_231, %dma_start3A_232] : memref<20002x64xf32, #tpu.memory_space<hbm>> -> memref<20002x64xf32, #tpu.memory_space<hbm>>
        tpu.enqueue_indirect_dma source(%dma_start3A_233 : memref<20002x64xf32, #tpu.memory_space<hbm>>) target(%dma_start3A_227 : memref<128x64xf32, #tpu.memory_space<vmem>>) offsets(%dma_start3A_230 : memref<128xi32, #tpu.memory_space<vmem>>) semaphore(%arg11 : memref<!tpu.dma_semaphore, #tpu.memory_space<semaphore_mem>>)
      } else {
      }
      %dma_wait3A_199 = arith.constant 3 : i32
      %dma_wait3A_200 = arith.constant 0 : i32
      %dma_wait3A_201 = arith.constant 0 : i32
      %dma_wait3A_202 = tpu.memref_slice %arg9[%dma_wait3A_199, %dma_wait3A_200, %dma_wait3A_201] : memref<4x128x64xf32, #tpu.memory_space<vmem>> -> memref<1x128x64xf32, #tpu.memory_space<vmem>>
      %dma_wait3A_203 = tpu.memref_squeeze %dma_wait3A_202 : memref<1x128x64xf32, #tpu.memory_space<vmem>> -> memref<128x64xf32, #tpu.memory_space<vmem>>
      %dma_wait3A_204 = arith.constant 0 : i32
      %dma_wait3A_205 = tpu.memref_slice %arg7[%add3A_186, %dma_wait3A_204] : memref<160x128xi32, #tpu.memory_space<vmem>> -> memref<1x128xi32, #tpu.memory_space<vmem>>
      %dma_wait3A_206 = tpu.memref_squeeze %dma_wait3A_205 : memref<1x128xi32, #tpu.memory_space<vmem>> -> memref<128xi32, #tpu.memory_space<vmem>>
      %dma_wait3A_207 = arith.constant 0 : i32
      %dma_wait3A_208 = arith.constant 0 : i32
      %dma_wait3A_209 = tpu.memref_slice %arg2[%dma_wait3A_207, %dma_wait3A_208] : memref<20002x64xf32, #tpu.memory_space<hbm>> -> memref<20002x64xf32, #tpu.memory_space<hbm>>
      tpu.wait_indirect_dma semaphore(%arg11 : memref<!tpu.dma_semaphore, #tpu.memory_space<semaphore_mem>>) src(%dma_wait3A_209 : memref<20002x64xf32, #tpu.memory_space<hbm>>) dst(%dma_wait3A_203 : memref<128x64xf32, #tpu.memory_space<vmem>>)
      %dma_start3A_210 = arith.constant 3 : i32
      %dma_start3A_211 = arith.constant 0 : i32
      %dma_start3A_212 = arith.constant 0 : i32
      %dma_start3A_213 = tpu.memref_slice %arg9[%dma_start3A_210, %dma_start3A_211, %dma_start3A_212] : memref<4x128x64xf32, #tpu.memory_space<vmem>> -> memref<1x128x64xf32, #tpu.memory_space<vmem>>
      %dma_start3A_214 = tpu.memref_squeeze %dma_start3A_213 : memref<1x128x64xf32, #tpu.memory_space<vmem>> -> memref<128x64xf32, #tpu.memory_space<vmem>>
      %dma_start3A_215 = arith.constant 0 : i32
      %dma_start3A_216 = tpu.memref_slice %arg8[%add3A_186, %dma_start3A_215] : memref<160x128xi32, #tpu.memory_space<vmem>> -> memref<1x128xi32, #tpu.memory_space<vmem>>
      %dma_start3A_217 = tpu.memref_squeeze %dma_start3A_216 : memref<1x128xi32, #tpu.memory_space<vmem>> -> memref<128xi32, #tpu.memory_space<vmem>>
      %dma_start3A_218 = arith.constant 0 : i32
      %dma_start3A_219 = arith.constant 0 : i32
      %dma_start3A_220 = tpu.memref_slice %arg10[%dma_start3A_218, %dma_start3A_219] : memref<10000x64xf32, #tpu.memory_space<vmem_shared>> -> memref<10000x64xf32, #tpu.memory_space<vmem_shared>>
      tpu.enqueue_indirect_dma source(%dma_start3A_214 : memref<128x64xf32, #tpu.memory_space<vmem>>) target(%dma_start3A_220 : memref<10000x64xf32, #tpu.memory_space<vmem_shared>>) offsets(%dma_start3A_217 : memref<128xi32, #tpu.memory_space<vmem>>) semaphore(%arg12 : memref<!tpu.dma_semaphore, #tpu.memory_space<semaphore_mem>>) {add = true}
    }
    %scan3A_34 = arith.constant 40 : i32
    %dma_wait3A = arith.constant 2 : i32
    %dma_wait3A_35 = arith.constant 158 : i32
    %dma_wait3A_36 = arith.constant 0 : i32
    %dma_wait3A_37 = arith.constant 0 : i32
    %dma_wait3A_38 = tpu.memref_slice %arg9[%dma_wait3A, %dma_wait3A_36, %dma_wait3A_37] : memref<4x128x64xf32, #tpu.memory_space<vmem>> -> memref<1x128x64xf32, #tpu.memory_space<vmem>>
    %dma_wait3A_39 = tpu.memref_squeeze %dma_wait3A_38 : memref<1x128x64xf32, #tpu.memory_space<vmem>> -> memref<128x64xf32, #tpu.memory_space<vmem>>
    %dma_wait3A_40 = arith.constant 0 : i32
    %dma_wait3A_41 = tpu.memref_slice %arg8[%dma_wait3A_35, %dma_wait3A_40] : memref<160x128xi32, #tpu.memory_space<vmem>> -> memref<1x128xi32, #tpu.memory_space<vmem>>
    %dma_wait3A_42 = tpu.memref_squeeze %dma_wait3A_41 : memref<1x128xi32, #tpu.memory_space<vmem>> -> memref<128xi32, #tpu.memory_space<vmem>>
    %dma_wait3A_43 = arith.constant 0 : i32
    %dma_wait3A_44 = arith.constant 0 : i32
    %dma_wait3A_45 = tpu.memref_slice %arg10[%dma_wait3A_43, %dma_wait3A_44] : memref<10000x64xf32, #tpu.memory_space<vmem_shared>> -> memref<10000x64xf32, #tpu.memory_space<vmem_shared>>
    tpu.wait_indirect_dma semaphore(%arg12 : memref<!tpu.dma_semaphore, #tpu.memory_space<semaphore_mem>>) src(%dma_wait3A_39 : memref<128x64xf32, #tpu.memory_space<vmem>>) dst(%dma_wait3A_45 : memref<10000x64xf32, #tpu.memory_space<vmem_shared>>)
    %dma_wait3A_46 = arith.constant 3 : i32
    %dma_wait3A_47 = arith.constant 159 : i32
    %dma_wait3A_48 = arith.constant 0 : i32
    %dma_wait3A_49 = arith.constant 0 : i32
    %dma_wait3A_50 = tpu.memref_slice %arg9[%dma_wait3A_46, %dma_wait3A_48, %dma_wait3A_49] : memref<4x128x64xf32, #tpu.memory_space<vmem>> -> memref<1x128x64xf32, #tpu.memory_space<vmem>>
    %dma_wait3A_51 = tpu.memref_squeeze %dma_wait3A_50 : memref<1x128x64xf32, #tpu.memory_space<vmem>> -> memref<128x64xf32, #tpu.memory_space<vmem>>
    %dma_wait3A_52 = arith.constant 0 : i32
    %dma_wait3A_53 = tpu.memref_slice %arg8[%dma_wait3A_47, %dma_wait3A_52] : memref<160x128xi32, #tpu.memory_space<vmem>> -> memref<1x128xi32, #tpu.memory_space<vmem>>
    %dma_wait3A_54 = tpu.memref_squeeze %dma_wait3A_53 : memref<1x128xi32, #tpu.memory_space<vmem>> -> memref<128xi32, #tpu.memory_space<vmem>>
    %dma_wait3A_55 = arith.constant 0 : i32
    %dma_wait3A_56 = arith.constant 0 : i32
    %dma_wait3A_57 = tpu.memref_slice %arg10[%dma_wait3A_55, %dma_wait3A_56] : memref<10000x64xf32, #tpu.memory_space<vmem_shared>> -> memref<10000x64xf32, #tpu.memory_space<vmem_shared>>
    tpu.wait_indirect_dma semaphore(%arg12 : memref<!tpu.dma_semaphore, #tpu.memory_space<semaphore_mem>>) src(%dma_wait3A_51 : memref<128x64xf32, #tpu.memory_space<vmem>>) dst(%dma_wait3A_57 : memref<10000x64xf32, #tpu.memory_space<vmem_shared>>)
    %barrier3A_58 = arith.constant 0 : index
    tpu.barrier barrier_id(%barrier3A_58)
    %lt3A_59 = arith.constant 15 : i32
    %lt3A_60 = arith.cmpi slt, %arg1, %lt3A_59 : i32
    %convert_element_type3A_61 = arith.extui %lt3A_60 : i1 to i32
    %cond3A_62 = arith.constant 0 : i32
    %cond3A_63 = arith.cmpi ne, %convert_element_type3A_61, %cond3A_62 : i32
    scf.if %cond3A_63 {
      %mul3A_69 = arith.constant 632 : i32
      %mul3A_70 = arith.muli %arg1, %mul3A_69 : i32
      %mul3A_71 = arith.constant 632 : i32
      %mul3A_72 = arith.muli %arg1, %mul3A_71 : i32
      "tpu.region"() ({
        %run_scoped3A = tpu.sem_alloc : memref<!tpu.dma_semaphore, #tpu.memory_space<semaphore_mem>>
        %dma_start3A_73 = arith.constant 0 : i32
        %dma_start3A_74 = tpu.memref_slice %arg6[%arg0, %mul3A_72, %dma_start3A_73] : memref<2x10000x64xf32, #tpu.memory_space<hbm>> -> memref<1x632x64xf32, #tpu.memory_space<hbm>>
        %dma_start3A_75 = tpu.memref_squeeze %dma_start3A_74 : memref<1x632x64xf32, #tpu.memory_space<hbm>> -> memref<632x64xf32, #tpu.memory_space<hbm>>
        %dma_start3A_76 = arith.constant 0 : i32
        %dma_start3A_77 = tpu.memref_slice %arg10[%mul3A_70, %dma_start3A_76] : memref<10000x64xf32, #tpu.memory_space<vmem_shared>> -> memref<632x64xf32, #tpu.memory_space<vmem_shared>>
        tpu.enqueue_dma source(%dma_start3A_77 : memref<632x64xf32, #tpu.memory_space<vmem_shared>>) target(%dma_start3A_75 : memref<632x64xf32, #tpu.memory_space<hbm>>) target_semaphore(%run_scoped3A : memref<!tpu.dma_semaphore, #tpu.memory_space<semaphore_mem>>)
        %dma_wait3A_78 = arith.constant 0 : i32
        %dma_wait3A_79 = tpu.memref_slice %arg6[%arg0, %mul3A_72, %dma_wait3A_78] : memref<2x10000x64xf32, #tpu.memory_space<hbm>> -> memref<1x632x64xf32, #tpu.memory_space<hbm>>
        %dma_wait3A_80 = tpu.memref_squeeze %dma_wait3A_79 : memref<1x632x64xf32, #tpu.memory_space<hbm>> -> memref<632x64xf32, #tpu.memory_space<hbm>>
        %dma_wait3A_81 = arith.constant 0 : i32
        %dma_wait3A_82 = tpu.memref_slice %arg10[%mul3A_70, %dma_wait3A_81] : memref<10000x64xf32, #tpu.memory_space<vmem_shared>> -> memref<632x64xf32, #tpu.memory_space<vmem_shared>>
        tpu.wait_dma2 semaphore(%run_scoped3A : memref<!tpu.dma_semaphore, #tpu.memory_space<semaphore_mem>>) src(%dma_wait3A_82 : memref<632x64xf32, #tpu.memory_space<vmem_shared>>) dst(%dma_wait3A_80 : memref<632x64xf32, #tpu.memory_space<hbm>>)
        tpu.yield
      }) : () -> ()
    } else {
    }
    %eq3A_64 = arith.constant 15 : i32
    %eq3A_65 = arith.cmpi eq, %arg1, %eq3A_64 : i32
    %convert_element_type3A_66 = arith.extui %eq3A_65 : i1 to i32
    %cond3A_67 = arith.constant 0 : i32
    %cond3A_68 = arith.cmpi ne, %convert_element_type3A_66, %cond3A_67 : i32
    scf.if %cond3A_68 {
      %mul3A_69 = arith.constant 632 : i32
      %mul3A_70 = arith.muli %arg1, %mul3A_69 : i32
      %mul3A_71 = arith.constant 632 : i32
      %mul3A_72 = arith.muli %arg1, %mul3A_71 : i32
      "tpu.region"() ({
        %run_scoped3A = tpu.sem_alloc : memref<!tpu.dma_semaphore, #tpu.memory_space<semaphore_mem>>
        %dma_start3A_73 = arith.constant 0 : i32
        %dma_start3A_74 = tpu.memref_slice %arg6[%arg0, %mul3A_72, %dma_start3A_73] : memref<2x10000x64xf32, #tpu.memory_space<hbm>> -> memref<1x520x64xf32, #tpu.memory_space<hbm>>
        %dma_start3A_75 = tpu.memref_squeeze %dma_start3A_74 : memref<1x520x64xf32, #tpu.memory_space<hbm>> -> memref<520x64xf32, #tpu.memory_space<hbm>>
        %dma_start3A_76 = arith.constant 0 : i32
        %dma_start3A_77 = tpu.memref_slice %arg10[%mul3A_70, %dma_start3A_76] : memref<10000x64xf32, #tpu.memory_space<vmem_shared>> -> memref<520x64xf32, #tpu.memory_space<vmem_shared>>
        tpu.enqueue_dma source(%dma_start3A_77 : memref<520x64xf32, #tpu.memory_space<vmem_shared>>) target(%dma_start3A_75 : memref<520x64xf32, #tpu.memory_space<hbm>>) target_semaphore(%run_scoped3A : memref<!tpu.dma_semaphore, #tpu.memory_space<semaphore_mem>>)
        %dma_wait3A_78 = arith.constant 0 : i32
        %dma_wait3A_79 = tpu.memref_slice %arg6[%arg0, %mul3A_72, %dma_wait3A_78] : memref<2x10000x64xf32, #tpu.memory_space<hbm>> -> memref<1x520x64xf32, #tpu.memory_space<hbm>>
        %dma_wait3A_80 = tpu.memref_squeeze %dma_wait3A_79 : memref<1x520x64xf32, #tpu.memory_space<hbm>> -> memref<520x64xf32, #tpu.memory_space<hbm>>
        %dma_wait3A_81 = arith.constant 0 : i32
        %dma_wait3A_82 = tpu.memref_slice %arg10[%mul3A_70, %dma_wait3A_81] : memref<10000x64xf32, #tpu.memory_space<vmem_shared>> -> memref<520x64xf32, #tpu.memory_space<vmem_shared>>
        tpu.wait_dma2 semaphore(%run_scoped3A : memref<!tpu.dma_semaphore, #tpu.memory_space<semaphore_mem>>) src(%dma_wait3A_82 : memref<520x64xf32, #tpu.memory_space<vmem_shared>>) dst(%dma_wait3A_80 : memref<520x64xf32, #tpu.memory_space<hbm>>)
        tpu.yield
      }) : () -> ()
    } else {
    }
    return
  }
}

#map = affine_map<(d0, d1) -> (0, 0)>
#map1 = affine_map<(d0, d1) -> (0, 0, 0)>
module attributes {stable_mosaic.version = 14 : i64} {
  func.func @_sc_agg_body(%arg0: i32, %arg1: i32, %arg2: memref<20002x64xf32, #tpu.memory_space<hbm>>, %arg3: memref<32x160x128xi32, #tpu.memory_space<hbm>>, %arg4: memref<32x160x128xi32, #tpu.memory_space<hbm>>, %arg5: memref<632x64xf32, #tpu.memory_space<hbm>>, %arg6: memref<2x10000x64xf32, #tpu.memory_space<hbm>>, %arg7: memref<160x128xi32, #tpu.memory_space<vmem>>, %arg8: memref<160x128xi32, #tpu.memory_space<vmem>>, %arg9: memref<4x128x64xf32, #tpu.memory_space<vmem>>, %arg10: memref<10000x64xf32, #tpu.memory_space<vmem_shared>>, %arg11: memref<!tpu.dma_semaphore, #tpu.memory_space<semaphore_mem>>, %arg12: memref<!tpu.dma_semaphore, #tpu.memory_space<semaphore_mem>>) attributes {dimension_semantics = [#tpu.dimension_semantics<core_parallel>, #tpu.dimension_semantics<subcore_parallel>], iteration_bounds = array<i64: 2, 16>, scalar_prefetch = 0 : i64, scratch_operands = 6 : i64, tpu.core_type = #tpu.core_type<sc_vector_subcore>, window_params = [{transform_indices = #map}, {transform_indices = #map1}, {transform_indices = #map1}, {transform_indices = #map}, {transform_indices = #map1}]} {
    %mul3A = arith.constant 2 : i32
    %mul3A_0 = arith.muli %arg1, %mul3A : i32
    %add3A = arith.addi %mul3A_0, %arg0 : i32
    %lt3A = arith.constant 15 : i32
    %lt3A_1 = arith.cmpi slt, %arg1, %lt3A : i32
    %convert_element_type3A = arith.extui %lt3A_1 : i1 to i32
    %cond3A = arith.constant 0 : i32
    %cond3A_2 = arith.cmpi ne, %convert_element_type3A, %cond3A : i32
    scf.if %cond3A_2 {
      %mul3A_69 = arith.constant 632 : i32
      %mul3A_70 = arith.muli %arg1, %mul3A_69 : i32
      "tpu.region"() ({
        %run_scoped3A = tpu.sem_alloc : memref<!tpu.dma_semaphore, #tpu.memory_space<semaphore_mem>>
        %dma_start3A_71 = arith.constant 0 : i32
        %dma_start3A_72 = tpu.memref_slice %arg10[%mul3A_70, %dma_start3A_71] : memref<10000x64xf32, #tpu.memory_space<vmem_shared>> -> memref<632x64xf32, #tpu.memory_space<vmem_shared>>
        tpu.enqueue_dma source(%arg5 : memref<632x64xf32, #tpu.memory_space<hbm>>) target(%dma_start3A_72 : memref<632x64xf32, #tpu.memory_space<vmem_shared>>) target_semaphore(%run_scoped3A : memref<!tpu.dma_semaphore, #tpu.memory_space<semaphore_mem>>)
        %dma_wait3A_73 = arith.constant 0 : i32
        %dma_wait3A_74 = tpu.memref_slice %arg10[%mul3A_70, %dma_wait3A_73] : memref<10000x64xf32, #tpu.memory_space<vmem_shared>> -> memref<632x64xf32, #tpu.memory_space<vmem_shared>>
        tpu.wait_dma2 semaphore(%run_scoped3A : memref<!tpu.dma_semaphore, #tpu.memory_space<semaphore_mem>>) src(%arg5 : memref<632x64xf32, #tpu.memory_space<hbm>>) dst(%dma_wait3A_74 : memref<632x64xf32, #tpu.memory_space<vmem_shared>>)
        tpu.yield
      }) : () -> ()
    } else {
    }
    %eq3A = arith.constant 15 : i32
    %eq3A_3 = arith.cmpi eq, %arg1, %eq3A : i32
    %convert_element_type3A_4 = arith.extui %eq3A_3 : i1 to i32
    %cond3A_5 = arith.constant 0 : i32
    %cond3A_6 = arith.cmpi ne, %convert_element_type3A_4, %cond3A_5 : i32
    scf.if %cond3A_6 {
      %mul3A_69 = arith.constant 632 : i32
      %mul3A_70 = arith.muli %arg1, %mul3A_69 : i32
      "tpu.region"() ({
        %run_scoped3A = tpu.sem_alloc : memref<!tpu.dma_semaphore, #tpu.memory_space<semaphore_mem>>
        %dma_start3A_71 = arith.constant 0 : i32
        %dma_start3A_72 = tpu.memref_slice %arg10[%mul3A_70, %dma_start3A_71] : memref<10000x64xf32, #tpu.memory_space<vmem_shared>> -> memref<520x64xf32, #tpu.memory_space<vmem_shared>>
        %dma_start3A_73 = arith.constant 0 : i32
        %dma_start3A_74 = arith.constant 0 : i32
        %dma_start3A_75 = tpu.memref_slice %arg5[%dma_start3A_73, %dma_start3A_74] : memref<632x64xf32, #tpu.memory_space<hbm>> -> memref<520x64xf32, #tpu.memory_space<hbm>>
        tpu.enqueue_dma source(%dma_start3A_75 : memref<520x64xf32, #tpu.memory_space<hbm>>) target(%dma_start3A_72 : memref<520x64xf32, #tpu.memory_space<vmem_shared>>) target_semaphore(%run_scoped3A : memref<!tpu.dma_semaphore, #tpu.memory_space<semaphore_mem>>)
        %dma_wait3A_76 = arith.constant 0 : i32
        %dma_wait3A_77 = tpu.memref_slice %arg10[%mul3A_70, %dma_wait3A_76] : memref<10000x64xf32, #tpu.memory_space<vmem_shared>> -> memref<520x64xf32, #tpu.memory_space<vmem_shared>>
        %dma_wait3A_78 = arith.constant 0 : i32
        %dma_wait3A_79 = arith.constant 0 : i32
        %dma_wait3A_80 = tpu.memref_slice %arg5[%dma_wait3A_78, %dma_wait3A_79] : memref<632x64xf32, #tpu.memory_space<hbm>> -> memref<520x64xf32, #tpu.memory_space<hbm>>
        tpu.wait_dma2 semaphore(%run_scoped3A : memref<!tpu.dma_semaphore, #tpu.memory_space<semaphore_mem>>) src(%dma_wait3A_80 : memref<520x64xf32, #tpu.memory_space<hbm>>) dst(%dma_wait3A_77 : memref<520x64xf32, #tpu.memory_space<vmem_shared>>)
        tpu.yield
      }) : () -> ()
    } else {
    }
    "tpu.region"() ({
      %run_scoped3A = tpu.sem_alloc : memref<!tpu.dma_semaphore, #tpu.memory_space<semaphore_mem>>
      %dma_start3A_69 = arith.constant 0 : i32
      %dma_start3A_70 = arith.constant 0 : i32
      %dma_start3A_71 = tpu.memref_slice %arg3[%add3A, %dma_start3A_69, %dma_start3A_70] : memref<32x160x128xi32, #tpu.memory_space<hbm>> -> memref<1x160x128xi32, #tpu.memory_space<hbm>>
      %dma_start3A_72 = tpu.memref_squeeze %dma_start3A_71 : memref<1x160x128xi32, #tpu.memory_space<hbm>> -> memref<160x128xi32, #tpu.memory_space<hbm>>
      %dma_start3A_73 = arith.constant 0 : i32
      %dma_start3A_74 = arith.constant 0 : i32
      %dma_start3A_75 = tpu.memref_slice %arg3[%add3A, %dma_start3A_73, %dma_start3A_74] : memref<32x160x128xi32, #tpu.memory_space<hbm>> -> memref<1x160x128xi32, #tpu.memory_space<hbm>>
      %dma_start3A_76 = tpu.memref_squeeze %dma_start3A_75 : memref<1x160x128xi32, #tpu.memory_space<hbm>> -> memref<160x128xi32, #tpu.memory_space<hbm>>
      tpu.enqueue_dma source(%dma_start3A_76 : memref<160x128xi32, #tpu.memory_space<hbm>>) target(%arg7 : memref<160x128xi32, #tpu.memory_space<vmem>>) target_semaphore(%run_scoped3A : memref<!tpu.dma_semaphore, #tpu.memory_space<semaphore_mem>>)
      %dma_wait3A_77 = arith.constant 0 : i32
      %dma_wait3A_78 = arith.constant 0 : i32
      %dma_wait3A_79 = tpu.memref_slice %arg3[%add3A, %dma_wait3A_77, %dma_wait3A_78] : memref<32x160x128xi32, #tpu.memory_space<hbm>> -> memref<1x160x128xi32, #tpu.memory_space<hbm>>
      %dma_wait3A_80 = tpu.memref_squeeze %dma_wait3A_79 : memref<1x160x128xi32, #tpu.memory_space<hbm>> -> memref<160x128xi32, #tpu.memory_space<hbm>>
      %dma_wait3A_81 = arith.constant 0 : i32
      %dma_wait3A_82 = arith.constant 0 : i32
      %dma_wait3A_83 = tpu.memref_slice %arg3[%add3A, %dma_wait3A_81, %dma_wait3A_82] : memref<32x160x128xi32, #tpu.memory_space<hbm>> -> memref<1x160x128xi32, #tpu.memory_space<hbm>>
      %dma_wait3A_84 = tpu.memref_squeeze %dma_wait3A_83 : memref<1x160x128xi32, #tpu.memory_space<hbm>> -> memref<160x128xi32, #tpu.memory_space<hbm>>
      tpu.wait_dma2 semaphore(%run_scoped3A : memref<!tpu.dma_semaphore, #tpu.memory_space<semaphore_mem>>) src(%dma_wait3A_84 : memref<160x128xi32, #tpu.memory_space<hbm>>) dst(%arg7 : memref<160x128xi32, #tpu.memory_space<vmem>>)
      tpu.yield
    }) : () -> ()
    "tpu.region"() ({
      %run_scoped3A = tpu.sem_alloc : memref<!tpu.dma_semaphore, #tpu.memory_space<semaphore_mem>>
      %dma_start3A_69 = arith.constant 0 : i32
      %dma_start3A_70 = arith.constant 0 : i32
      %dma_start3A_71 = tpu.memref_slice %arg4[%add3A, %dma_start3A_69, %dma_start3A_70] : memref<32x160x128xi32, #tpu.memory_space<hbm>> -> memref<1x160x128xi32, #tpu.memory_space<hbm>>
      %dma_start3A_72 = tpu.memref_squeeze %dma_start3A_71 : memref<1x160x128xi32, #tpu.memory_space<hbm>> -> memref<160x128xi32, #tpu.memory_space<hbm>>
      %dma_start3A_73 = arith.constant 0 : i32
      %dma_start3A_74 = arith.constant 0 : i32
      %dma_start3A_75 = tpu.memref_slice %arg4[%add3A, %dma_start3A_73, %dma_start3A_74] : memref<32x160x128xi32, #tpu.memory_space<hbm>> -> memref<1x160x128xi32, #tpu.memory_space<hbm>>
      %dma_start3A_76 = tpu.memref_squeeze %dma_start3A_75 : memref<1x160x128xi32, #tpu.memory_space<hbm>> -> memref<160x128xi32, #tpu.memory_space<hbm>>
      tpu.enqueue_dma source(%dma_start3A_76 : memref<160x128xi32, #tpu.memory_space<hbm>>) target(%arg8 : memref<160x128xi32, #tpu.memory_space<vmem>>) target_semaphore(%run_scoped3A : memref<!tpu.dma_semaphore, #tpu.memory_space<semaphore_mem>>)
      %dma_wait3A_77 = arith.constant 0 : i32
      %dma_wait3A_78 = arith.constant 0 : i32
      %dma_wait3A_79 = tpu.memref_slice %arg4[%add3A, %dma_wait3A_77, %dma_wait3A_78] : memref<32x160x128xi32, #tpu.memory_space<hbm>> -> memref<1x160x128xi32, #tpu.memory_space<hbm>>
      %dma_wait3A_80 = tpu.memref_squeeze %dma_wait3A_79 : memref<1x160x128xi32, #tpu.memory_space<hbm>> -> memref<160x128xi32, #tpu.memory_space<hbm>>
      %dma_wait3A_81 = arith.constant 0 : i32
      %dma_wait3A_82 = arith.constant 0 : i32
      %dma_wait3A_83 = tpu.memref_slice %arg4[%add3A, %dma_wait3A_81, %dma_wait3A_82] : memref<32x160x128xi32, #tpu.memory_space<hbm>> -> memref<1x160x128xi32, #tpu.memory_space<hbm>>
      %dma_wait3A_84 = tpu.memref_squeeze %dma_wait3A_83 : memref<1x160x128xi32, #tpu.memory_space<hbm>> -> memref<160x128xi32, #tpu.memory_space<hbm>>
      tpu.wait_dma2 semaphore(%run_scoped3A : memref<!tpu.dma_semaphore, #tpu.memory_space<semaphore_mem>>) src(%dma_wait3A_84 : memref<160x128xi32, #tpu.memory_space<hbm>>) dst(%arg8 : memref<160x128xi32, #tpu.memory_space<vmem>>)
      tpu.yield
    }) : () -> ()
    %barrier3A = arith.constant 0 : index
    tpu.barrier barrier_id(%barrier3A)
    %dma_start3A = arith.constant 0 : i32
    %dma_start3A_7 = arith.constant 0 : i32
    %dma_start3A_8 = arith.constant 0 : i32
    %dma_start3A_9 = arith.constant 0 : i32
    %dma_start3A_10 = tpu.memref_slice %arg9[%dma_start3A_7, %dma_start3A_8, %dma_start3A_9] : memref<4x128x64xf32, #tpu.memory_space<vmem>> -> memref<1x128x64xf32, #tpu.memory_space<vmem>>
    %dma_start3A_11 = tpu.memref_squeeze %dma_start3A_10 : memref<1x128x64xf32, #tpu.memory_space<vmem>> -> memref<128x64xf32, #tpu.memory_space<vmem>>
    %dma_start3A_12 = arith.constant 0 : i32
    %dma_start3A_13 = tpu.memref_slice %arg7[%dma_start3A, %dma_start3A_12] : memref<160x128xi32, #tpu.memory_space<vmem>> -> memref<1x128xi32, #tpu.memory_space<vmem>>
    %dma_start3A_14 = tpu.memref_squeeze %dma_start3A_13 : memref<1x128xi32, #tpu.memory_space<vmem>> -> memref<128xi32, #tpu.memory_space<vmem>>
    %dma_start3A_15 = arith.constant 0 : i32
    %dma_start3A_16 = arith.constant 0 : i32
    %dma_start3A_17 = tpu.memref_slice %arg2[%dma_start3A_15, %dma_start3A_16] : memref<20002x64xf32, #tpu.memory_space<hbm>> -> memref<20002x64xf32, #tpu.memory_space<hbm>>
    tpu.enqueue_indirect_dma source(%dma_start3A_17 : memref<20002x64xf32, #tpu.memory_space<hbm>>) target(%dma_start3A_11 : memref<128x64xf32, #tpu.memory_space<vmem>>) offsets(%dma_start3A_14 : memref<128xi32, #tpu.memory_space<vmem>>) semaphore(%arg11 : memref<!tpu.dma_semaphore, #tpu.memory_space<semaphore_mem>>)
    %dma_start3A_18 = arith.constant 1 : i32
    %dma_start3A_19 = arith.constant 1 : i32
    %dma_start3A_20 = arith.constant 0 : i32
    %dma_start3A_21 = arith.constant 0 : i32
    %dma_start3A_22 = tpu.memref_slice %arg9[%dma_start3A_19, %dma_start3A_20, %dma_start3A_21] : memref<4x128x64xf32, #tpu.memory_space<vmem>> -> memref<1x128x64xf32, #tpu.memory_space<vmem>>
    %dma_start3A_23 = tpu.memref_squeeze %dma_start3A_22 : memref<1x128x64xf32, #tpu.memory_space<vmem>> -> memref<128x64xf32, #tpu.memory_space<vmem>>
    %dma_start3A_24 = arith.constant 0 : i32
    %dma_start3A_25 = tpu.memref_slice %arg7[%dma_start3A_18, %dma_start3A_24] : memref<160x128xi32, #tpu.memory_space<vmem>> -> memref<1x128xi32, #tpu.memory_space<vmem>>
    %dma_start3A_26 = tpu.memref_squeeze %dma_start3A_25 : memref<1x128xi32, #tpu.memory_space<vmem>> -> memref<128xi32, #tpu.memory_space<vmem>>
    %dma_start3A_27 = arith.constant 0 : i32
    %dma_start3A_28 = arith.constant 0 : i32
    %dma_start3A_29 = tpu.memref_slice %arg2[%dma_start3A_27, %dma_start3A_28] : memref<20002x64xf32, #tpu.memory_space<hbm>> -> memref<20002x64xf32, #tpu.memory_space<hbm>>
    tpu.enqueue_indirect_dma source(%dma_start3A_29 : memref<20002x64xf32, #tpu.memory_space<hbm>>) target(%dma_start3A_23 : memref<128x64xf32, #tpu.memory_space<vmem>>) offsets(%dma_start3A_26 : memref<128xi32, #tpu.memory_space<vmem>>) semaphore(%arg11 : memref<!tpu.dma_semaphore, #tpu.memory_space<semaphore_mem>>)
    %scan3A = arith.constant 0 : i32
    %scan3A_30 = arith.constant 0 : i32
    %scan3A_31 = arith.constant 40 : i32
    %scan3A_32 = arith.addi %scan3A_30, %scan3A_31 : i32
    %scan3A_33 = arith.constant 1 : i32
    scf.for %scan3A_69 = %scan3A_30 to %scan3A_32 step %scan3A_33  : i32 {
      %mul3A_70 = arith.constant 4 : i32
      %mul3A_71 = arith.muli %mul3A_70, %scan3A_69 : i32
      %add3A_72 = arith.constant 0 : i32
      %add3A_73 = arith.addi %mul3A_71, %add3A_72 : i32
      %ge3A = arith.constant 2 : i32
      %ge3A_74 = arith.cmpi sge, %add3A_73, %ge3A : i32
      %convert_element_type3A_75 = arith.extui %ge3A_74 : i1 to i32
      %cond3A_76 = arith.constant 0 : i32
      %cond3A_77 = arith.cmpi ne, %convert_element_type3A_75, %cond3A_76 : i32
      scf.if %cond3A_77 {
        %sub3A = arith.constant 2 : i32
        %sub3A_221 = arith.subi %add3A_73, %sub3A : i32
        %dma_wait3A_222 = arith.constant 2 : i32
        %dma_wait3A_223 = arith.constant 0 : i32
        %dma_wait3A_224 = arith.constant 0 : i32
        %dma_wait3A_225 = tpu.memref_slice %arg9[%dma_wait3A_222, %dma_wait3A_223, %dma_wait3A_224] : memref<4x128x64xf32, #tpu.memory_space<vmem>> -> memref<1x128x64xf32, #tpu.memory_space<vmem>>
        %dma_wait3A_226 = tpu.memref_squeeze %dma_wait3A_225 : memref<1x128x64xf32, #tpu.memory_space<vmem>> -> memref<128x64xf32, #tpu.memory_space<vmem>>
        %dma_wait3A_227 = arith.constant 0 : i32
        %dma_wait3A_228 = tpu.memref_slice %arg8[%sub3A_221, %dma_wait3A_227] : memref<160x128xi32, #tpu.memory_space<vmem>> -> memref<1x128xi32, #tpu.memory_space<vmem>>
        %dma_wait3A_229 = tpu.memref_squeeze %dma_wait3A_228 : memref<1x128xi32, #tpu.memory_space<vmem>> -> memref<128xi32, #tpu.memory_space<vmem>>
        %dma_wait3A_230 = arith.constant 0 : i32
        %dma_wait3A_231 = arith.constant 0 : i32
        %dma_wait3A_232 = tpu.memref_slice %arg10[%dma_wait3A_230, %dma_wait3A_231] : memref<10000x64xf32, #tpu.memory_space<vmem_shared>> -> memref<10000x64xf32, #tpu.memory_space<vmem_shared>>
        tpu.wait_indirect_dma semaphore(%arg12 : memref<!tpu.dma_semaphore, #tpu.memory_space<semaphore_mem>>) src(%dma_wait3A_226 : memref<128x64xf32, #tpu.memory_space<vmem>>) dst(%dma_wait3A_232 : memref<10000x64xf32, #tpu.memory_space<vmem_shared>>)
      } else {
      }
      %add3A_78 = arith.constant 2 : i32
      %add3A_79 = arith.addi %add3A_73, %add3A_78 : i32
      %lt3A_80 = arith.constant 160 : i32
      %lt3A_81 = arith.cmpi slt, %add3A_79, %lt3A_80 : i32
      %convert_element_type3A_82 = arith.extui %lt3A_81 : i1 to i32
      %cond3A_83 = arith.constant 0 : i32
      %cond3A_84 = arith.cmpi ne, %convert_element_type3A_82, %cond3A_83 : i32
      scf.if %cond3A_84 {
        %add3A_221 = arith.constant 2 : i32
        %add3A_222 = arith.addi %add3A_73, %add3A_221 : i32
        %dma_start3A_223 = arith.constant 2 : i32
        %dma_start3A_224 = arith.constant 0 : i32
        %dma_start3A_225 = arith.constant 0 : i32
        %dma_start3A_226 = tpu.memref_slice %arg9[%dma_start3A_223, %dma_start3A_224, %dma_start3A_225] : memref<4x128x64xf32, #tpu.memory_space<vmem>> -> memref<1x128x64xf32, #tpu.memory_space<vmem>>
        %dma_start3A_227 = tpu.memref_squeeze %dma_start3A_226 : memref<1x128x64xf32, #tpu.memory_space<vmem>> -> memref<128x64xf32, #tpu.memory_space<vmem>>
        %dma_start3A_228 = arith.constant 0 : i32
        %dma_start3A_229 = tpu.memref_slice %arg7[%add3A_222, %dma_start3A_228] : memref<160x128xi32, #tpu.memory_space<vmem>> -> memref<1x128xi32, #tpu.memory_space<vmem>>
        %dma_start3A_230 = tpu.memref_squeeze %dma_start3A_229 : memref<1x128xi32, #tpu.memory_space<vmem>> -> memref<128xi32, #tpu.memory_space<vmem>>
        %dma_start3A_231 = arith.constant 0 : i32
        %dma_start3A_232 = arith.constant 0 : i32
        %dma_start3A_233 = tpu.memref_slice %arg2[%dma_start3A_231, %dma_start3A_232] : memref<20002x64xf32, #tpu.memory_space<hbm>> -> memref<20002x64xf32, #tpu.memory_space<hbm>>
        tpu.enqueue_indirect_dma source(%dma_start3A_233 : memref<20002x64xf32, #tpu.memory_space<hbm>>) target(%dma_start3A_227 : memref<128x64xf32, #tpu.memory_space<vmem>>) offsets(%dma_start3A_230 : memref<128xi32, #tpu.memory_space<vmem>>) semaphore(%arg11 : memref<!tpu.dma_semaphore, #tpu.memory_space<semaphore_mem>>)
      } else {
      }
      %dma_wait3A_85 = arith.constant 0 : i32
      %dma_wait3A_86 = arith.constant 0 : i32
      %dma_wait3A_87 = arith.constant 0 : i32
      %dma_wait3A_88 = tpu.memref_slice %arg9[%dma_wait3A_85, %dma_wait3A_86, %dma_wait3A_87] : memref<4x128x64xf32, #tpu.memory_space<vmem>> -> memref<1x128x64xf32, #tpu.memory_space<vmem>>
      %dma_wait3A_89 = tpu.memref_squeeze %dma_wait3A_88 : memref<1x128x64xf32, #tpu.memory_space<vmem>> -> memref<128x64xf32, #tpu.memory_space<vmem>>
      %dma_wait3A_90 = arith.constant 0 : i32
      %dma_wait3A_91 = tpu.memref_slice %arg7[%add3A_73, %dma_wait3A_90] : memref<160x128xi32, #tpu.memory_space<vmem>> -> memref<1x128xi32, #tpu.memory_space<vmem>>
      %dma_wait3A_92 = tpu.memref_squeeze %dma_wait3A_91 : memref<1x128xi32, #tpu.memory_space<vmem>> -> memref<128xi32, #tpu.memory_space<vmem>>
      %dma_wait3A_93 = arith.constant 0 : i32
      %dma_wait3A_94 = arith.constant 0 : i32
      %dma_wait3A_95 = tpu.memref_slice %arg2[%dma_wait3A_93, %dma_wait3A_94] : memref<20002x64xf32, #tpu.memory_space<hbm>> -> memref<20002x64xf32, #tpu.memory_space<hbm>>
      tpu.wait_indirect_dma semaphore(%arg11 : memref<!tpu.dma_semaphore, #tpu.memory_space<semaphore_mem>>) src(%dma_wait3A_95 : memref<20002x64xf32, #tpu.memory_space<hbm>>) dst(%dma_wait3A_89 : memref<128x64xf32, #tpu.memory_space<vmem>>)
      %dma_start3A_96 = arith.constant 0 : i32
      %dma_start3A_97 = arith.constant 0 : i32
      %dma_start3A_98 = arith.constant 0 : i32
      %dma_start3A_99 = tpu.memref_slice %arg9[%dma_start3A_96, %dma_start3A_97, %dma_start3A_98] : memref<4x128x64xf32, #tpu.memory_space<vmem>> -> memref<1x128x64xf32, #tpu.memory_space<vmem>>
      %dma_start3A_100 = tpu.memref_squeeze %dma_start3A_99 : memref<1x128x64xf32, #tpu.memory_space<vmem>> -> memref<128x64xf32, #tpu.memory_space<vmem>>
      %dma_start3A_101 = arith.constant 0 : i32
      %dma_start3A_102 = tpu.memref_slice %arg8[%add3A_73, %dma_start3A_101] : memref<160x128xi32, #tpu.memory_space<vmem>> -> memref<1x128xi32, #tpu.memory_space<vmem>>
      %dma_start3A_103 = tpu.memref_squeeze %dma_start3A_102 : memref<1x128xi32, #tpu.memory_space<vmem>> -> memref<128xi32, #tpu.memory_space<vmem>>
      %dma_start3A_104 = arith.constant 0 : i32
      %dma_start3A_105 = arith.constant 0 : i32
      %dma_start3A_106 = tpu.memref_slice %arg10[%dma_start3A_104, %dma_start3A_105] : memref<10000x64xf32, #tpu.memory_space<vmem_shared>> -> memref<10000x64xf32, #tpu.memory_space<vmem_shared>>
      tpu.enqueue_indirect_dma source(%dma_start3A_100 : memref<128x64xf32, #tpu.memory_space<vmem>>) target(%dma_start3A_106 : memref<10000x64xf32, #tpu.memory_space<vmem_shared>>) offsets(%dma_start3A_103 : memref<128xi32, #tpu.memory_space<vmem>>) semaphore(%arg12 : memref<!tpu.dma_semaphore, #tpu.memory_space<semaphore_mem>>) {add = true}
      %mul3A_107 = arith.constant 4 : i32
      %mul3A_108 = arith.muli %mul3A_107, %scan3A_69 : i32
      %add3A_109 = arith.constant 1 : i32
      %add3A_110 = arith.addi %mul3A_108, %add3A_109 : i32
      %ge3A_111 = arith.constant 2 : i32
      %ge3A_112 = arith.cmpi sge, %add3A_110, %ge3A_111 : i32
      %convert_element_type3A_113 = arith.extui %ge3A_112 : i1 to i32
      %cond3A_114 = arith.constant 0 : i32
      %cond3A_115 = arith.cmpi ne, %convert_element_type3A_113, %cond3A_114 : i32
      scf.if %cond3A_115 {
        %sub3A = arith.constant 2 : i32
        %sub3A_221 = arith.subi %add3A_110, %sub3A : i32
        %dma_wait3A_222 = arith.constant 3 : i32
        %dma_wait3A_223 = arith.constant 0 : i32
        %dma_wait3A_224 = arith.constant 0 : i32
        %dma_wait3A_225 = tpu.memref_slice %arg9[%dma_wait3A_222, %dma_wait3A_223, %dma_wait3A_224] : memref<4x128x64xf32, #tpu.memory_space<vmem>> -> memref<1x128x64xf32, #tpu.memory_space<vmem>>
        %dma_wait3A_226 = tpu.memref_squeeze %dma_wait3A_225 : memref<1x128x64xf32, #tpu.memory_space<vmem>> -> memref<128x64xf32, #tpu.memory_space<vmem>>
        %dma_wait3A_227 = arith.constant 0 : i32
        %dma_wait3A_228 = tpu.memref_slice %arg8[%sub3A_221, %dma_wait3A_227] : memref<160x128xi32, #tpu.memory_space<vmem>> -> memref<1x128xi32, #tpu.memory_space<vmem>>
        %dma_wait3A_229 = tpu.memref_squeeze %dma_wait3A_228 : memref<1x128xi32, #tpu.memory_space<vmem>> -> memref<128xi32, #tpu.memory_space<vmem>>
        %dma_wait3A_230 = arith.constant 0 : i32
        %dma_wait3A_231 = arith.constant 0 : i32
        %dma_wait3A_232 = tpu.memref_slice %arg10[%dma_wait3A_230, %dma_wait3A_231] : memref<10000x64xf32, #tpu.memory_space<vmem_shared>> -> memref<10000x64xf32, #tpu.memory_space<vmem_shared>>
        tpu.wait_indirect_dma semaphore(%arg12 : memref<!tpu.dma_semaphore, #tpu.memory_space<semaphore_mem>>) src(%dma_wait3A_226 : memref<128x64xf32, #tpu.memory_space<vmem>>) dst(%dma_wait3A_232 : memref<10000x64xf32, #tpu.memory_space<vmem_shared>>)
      } else {
      }
      %add3A_116 = arith.constant 2 : i32
      %add3A_117 = arith.addi %add3A_110, %add3A_116 : i32
      %lt3A_118 = arith.constant 160 : i32
      %lt3A_119 = arith.cmpi slt, %add3A_117, %lt3A_118 : i32
      %convert_element_type3A_120 = arith.extui %lt3A_119 : i1 to i32
      %cond3A_121 = arith.constant 0 : i32
      %cond3A_122 = arith.cmpi ne, %convert_element_type3A_120, %cond3A_121 : i32
      scf.if %cond3A_122 {
        %add3A_221 = arith.constant 2 : i32
        %add3A_222 = arith.addi %add3A_110, %add3A_221 : i32
        %dma_start3A_223 = arith.constant 3 : i32
        %dma_start3A_224 = arith.constant 0 : i32
        %dma_start3A_225 = arith.constant 0 : i32
        %dma_start3A_226 = tpu.memref_slice %arg9[%dma_start3A_223, %dma_start3A_224, %dma_start3A_225] : memref<4x128x64xf32, #tpu.memory_space<vmem>> -> memref<1x128x64xf32, #tpu.memory_space<vmem>>
        %dma_start3A_227 = tpu.memref_squeeze %dma_start3A_226 : memref<1x128x64xf32, #tpu.memory_space<vmem>> -> memref<128x64xf32, #tpu.memory_space<vmem>>
        %dma_start3A_228 = arith.constant 0 : i32
        %dma_start3A_229 = tpu.memref_slice %arg7[%add3A_222, %dma_start3A_228] : memref<160x128xi32, #tpu.memory_space<vmem>> -> memref<1x128xi32, #tpu.memory_space<vmem>>
        %dma_start3A_230 = tpu.memref_squeeze %dma_start3A_229 : memref<1x128xi32, #tpu.memory_space<vmem>> -> memref<128xi32, #tpu.memory_space<vmem>>
        %dma_start3A_231 = arith.constant 0 : i32
        %dma_start3A_232 = arith.constant 0 : i32
        %dma_start3A_233 = tpu.memref_slice %arg2[%dma_start3A_231, %dma_start3A_232] : memref<20002x64xf32, #tpu.memory_space<hbm>> -> memref<20002x64xf32, #tpu.memory_space<hbm>>
        tpu.enqueue_indirect_dma source(%dma_start3A_233 : memref<20002x64xf32, #tpu.memory_space<hbm>>) target(%dma_start3A_227 : memref<128x64xf32, #tpu.memory_space<vmem>>) offsets(%dma_start3A_230 : memref<128xi32, #tpu.memory_space<vmem>>) semaphore(%arg11 : memref<!tpu.dma_semaphore, #tpu.memory_space<semaphore_mem>>)
      } else {
      }
      %dma_wait3A_123 = arith.constant 1 : i32
      %dma_wait3A_124 = arith.constant 0 : i32
      %dma_wait3A_125 = arith.constant 0 : i32
      %dma_wait3A_126 = tpu.memref_slice %arg9[%dma_wait3A_123, %dma_wait3A_124, %dma_wait3A_125] : memref<4x128x64xf32, #tpu.memory_space<vmem>> -> memref<1x128x64xf32, #tpu.memory_space<vmem>>
      %dma_wait3A_127 = tpu.memref_squeeze %dma_wait3A_126 : memref<1x128x64xf32, #tpu.memory_space<vmem>> -> memref<128x64xf32, #tpu.memory_space<vmem>>
      %dma_wait3A_128 = arith.constant 0 : i32
      %dma_wait3A_129 = tpu.memref_slice %arg7[%add3A_110, %dma_wait3A_128] : memref<160x128xi32, #tpu.memory_space<vmem>> -> memref<1x128xi32, #tpu.memory_space<vmem>>
      %dma_wait3A_130 = tpu.memref_squeeze %dma_wait3A_129 : memref<1x128xi32, #tpu.memory_space<vmem>> -> memref<128xi32, #tpu.memory_space<vmem>>
      %dma_wait3A_131 = arith.constant 0 : i32
      %dma_wait3A_132 = arith.constant 0 : i32
      %dma_wait3A_133 = tpu.memref_slice %arg2[%dma_wait3A_131, %dma_wait3A_132] : memref<20002x64xf32, #tpu.memory_space<hbm>> -> memref<20002x64xf32, #tpu.memory_space<hbm>>
      tpu.wait_indirect_dma semaphore(%arg11 : memref<!tpu.dma_semaphore, #tpu.memory_space<semaphore_mem>>) src(%dma_wait3A_133 : memref<20002x64xf32, #tpu.memory_space<hbm>>) dst(%dma_wait3A_127 : memref<128x64xf32, #tpu.memory_space<vmem>>)
      %dma_start3A_134 = arith.constant 1 : i32
      %dma_start3A_135 = arith.constant 0 : i32
      %dma_start3A_136 = arith.constant 0 : i32
      %dma_start3A_137 = tpu.memref_slice %arg9[%dma_start3A_134, %dma_start3A_135, %dma_start3A_136] : memref<4x128x64xf32, #tpu.memory_space<vmem>> -> memref<1x128x64xf32, #tpu.memory_space<vmem>>
      %dma_start3A_138 = tpu.memref_squeeze %dma_start3A_137 : memref<1x128x64xf32, #tpu.memory_space<vmem>> -> memref<128x64xf32, #tpu.memory_space<vmem>>
      %dma_start3A_139 = arith.constant 0 : i32
      %dma_start3A_140 = tpu.memref_slice %arg8[%add3A_110, %dma_start3A_139] : memref<160x128xi32, #tpu.memory_space<vmem>> -> memref<1x128xi32, #tpu.memory_space<vmem>>
      %dma_start3A_141 = tpu.memref_squeeze %dma_start3A_140 : memref<1x128xi32, #tpu.memory_space<vmem>> -> memref<128xi32, #tpu.memory_space<vmem>>
      %dma_start3A_142 = arith.constant 0 : i32
      %dma_start3A_143 = arith.constant 0 : i32
      %dma_start3A_144 = tpu.memref_slice %arg10[%dma_start3A_142, %dma_start3A_143] : memref<10000x64xf32, #tpu.memory_space<vmem_shared>> -> memref<10000x64xf32, #tpu.memory_space<vmem_shared>>
      tpu.enqueue_indirect_dma source(%dma_start3A_138 : memref<128x64xf32, #tpu.memory_space<vmem>>) target(%dma_start3A_144 : memref<10000x64xf32, #tpu.memory_space<vmem_shared>>) offsets(%dma_start3A_141 : memref<128xi32, #tpu.memory_space<vmem>>) semaphore(%arg12 : memref<!tpu.dma_semaphore, #tpu.memory_space<semaphore_mem>>) {add = true}
      %mul3A_145 = arith.constant 4 : i32
      %mul3A_146 = arith.muli %mul3A_145, %scan3A_69 : i32
      %add3A_147 = arith.constant 2 : i32
      %add3A_148 = arith.addi %mul3A_146, %add3A_147 : i32
      %ge3A_149 = arith.constant 2 : i32
      %ge3A_150 = arith.cmpi sge, %add3A_148, %ge3A_149 : i32
      %convert_element_type3A_151 = arith.extui %ge3A_150 : i1 to i32
      %cond3A_152 = arith.constant 0 : i32
      %cond3A_153 = arith.cmpi ne, %convert_element_type3A_151, %cond3A_152 : i32
      scf.if %cond3A_153 {
        %sub3A = arith.constant 2 : i32
        %sub3A_221 = arith.subi %add3A_148, %sub3A : i32
        %dma_wait3A_222 = arith.constant 0 : i32
        %dma_wait3A_223 = arith.constant 0 : i32
        %dma_wait3A_224 = arith.constant 0 : i32
        %dma_wait3A_225 = tpu.memref_slice %arg9[%dma_wait3A_222, %dma_wait3A_223, %dma_wait3A_224] : memref<4x128x64xf32, #tpu.memory_space<vmem>> -> memref<1x128x64xf32, #tpu.memory_space<vmem>>
        %dma_wait3A_226 = tpu.memref_squeeze %dma_wait3A_225 : memref<1x128x64xf32, #tpu.memory_space<vmem>> -> memref<128x64xf32, #tpu.memory_space<vmem>>
        %dma_wait3A_227 = arith.constant 0 : i32
        %dma_wait3A_228 = tpu.memref_slice %arg8[%sub3A_221, %dma_wait3A_227] : memref<160x128xi32, #tpu.memory_space<vmem>> -> memref<1x128xi32, #tpu.memory_space<vmem>>
        %dma_wait3A_229 = tpu.memref_squeeze %dma_wait3A_228 : memref<1x128xi32, #tpu.memory_space<vmem>> -> memref<128xi32, #tpu.memory_space<vmem>>
        %dma_wait3A_230 = arith.constant 0 : i32
        %dma_wait3A_231 = arith.constant 0 : i32
        %dma_wait3A_232 = tpu.memref_slice %arg10[%dma_wait3A_230, %dma_wait3A_231] : memref<10000x64xf32, #tpu.memory_space<vmem_shared>> -> memref<10000x64xf32, #tpu.memory_space<vmem_shared>>
        tpu.wait_indirect_dma semaphore(%arg12 : memref<!tpu.dma_semaphore, #tpu.memory_space<semaphore_mem>>) src(%dma_wait3A_226 : memref<128x64xf32, #tpu.memory_space<vmem>>) dst(%dma_wait3A_232 : memref<10000x64xf32, #tpu.memory_space<vmem_shared>>)
      } else {
      }
      %add3A_154 = arith.constant 2 : i32
      %add3A_155 = arith.addi %add3A_148, %add3A_154 : i32
      %lt3A_156 = arith.constant 160 : i32
      %lt3A_157 = arith.cmpi slt, %add3A_155, %lt3A_156 : i32
      %convert_element_type3A_158 = arith.extui %lt3A_157 : i1 to i32
      %cond3A_159 = arith.constant 0 : i32
      %cond3A_160 = arith.cmpi ne, %convert_element_type3A_158, %cond3A_159 : i32
      scf.if %cond3A_160 {
        %add3A_221 = arith.constant 2 : i32
        %add3A_222 = arith.addi %add3A_148, %add3A_221 : i32
        %dma_start3A_223 = arith.constant 0 : i32
        %dma_start3A_224 = arith.constant 0 : i32
        %dma_start3A_225 = arith.constant 0 : i32
        %dma_start3A_226 = tpu.memref_slice %arg9[%dma_start3A_223, %dma_start3A_224, %dma_start3A_225] : memref<4x128x64xf32, #tpu.memory_space<vmem>> -> memref<1x128x64xf32, #tpu.memory_space<vmem>>
        %dma_start3A_227 = tpu.memref_squeeze %dma_start3A_226 : memref<1x128x64xf32, #tpu.memory_space<vmem>> -> memref<128x64xf32, #tpu.memory_space<vmem>>
        %dma_start3A_228 = arith.constant 0 : i32
        %dma_start3A_229 = tpu.memref_slice %arg7[%add3A_222, %dma_start3A_228] : memref<160x128xi32, #tpu.memory_space<vmem>> -> memref<1x128xi32, #tpu.memory_space<vmem>>
        %dma_start3A_230 = tpu.memref_squeeze %dma_start3A_229 : memref<1x128xi32, #tpu.memory_space<vmem>> -> memref<128xi32, #tpu.memory_space<vmem>>
        %dma_start3A_231 = arith.constant 0 : i32
        %dma_start3A_232 = arith.constant 0 : i32
        %dma_start3A_233 = tpu.memref_slice %arg2[%dma_start3A_231, %dma_start3A_232] : memref<20002x64xf32, #tpu.memory_space<hbm>> -> memref<20002x64xf32, #tpu.memory_space<hbm>>
        tpu.enqueue_indirect_dma source(%dma_start3A_233 : memref<20002x64xf32, #tpu.memory_space<hbm>>) target(%dma_start3A_227 : memref<128x64xf32, #tpu.memory_space<vmem>>) offsets(%dma_start3A_230 : memref<128xi32, #tpu.memory_space<vmem>>) semaphore(%arg11 : memref<!tpu.dma_semaphore, #tpu.memory_space<semaphore_mem>>)
      } else {
      }
      %dma_wait3A_161 = arith.constant 2 : i32
      %dma_wait3A_162 = arith.constant 0 : i32
      %dma_wait3A_163 = arith.constant 0 : i32
      %dma_wait3A_164 = tpu.memref_slice %arg9[%dma_wait3A_161, %dma_wait3A_162, %dma_wait3A_163] : memref<4x128x64xf32, #tpu.memory_space<vmem>> -> memref<1x128x64xf32, #tpu.memory_space<vmem>>
      %dma_wait3A_165 = tpu.memref_squeeze %dma_wait3A_164 : memref<1x128x64xf32, #tpu.memory_space<vmem>> -> memref<128x64xf32, #tpu.memory_space<vmem>>
      %dma_wait3A_166 = arith.constant 0 : i32
      %dma_wait3A_167 = tpu.memref_slice %arg7[%add3A_148, %dma_wait3A_166] : memref<160x128xi32, #tpu.memory_space<vmem>> -> memref<1x128xi32, #tpu.memory_space<vmem>>
      %dma_wait3A_168 = tpu.memref_squeeze %dma_wait3A_167 : memref<1x128xi32, #tpu.memory_space<vmem>> -> memref<128xi32, #tpu.memory_space<vmem>>
      %dma_wait3A_169 = arith.constant 0 : i32
      %dma_wait3A_170 = arith.constant 0 : i32
      %dma_wait3A_171 = tpu.memref_slice %arg2[%dma_wait3A_169, %dma_wait3A_170] : memref<20002x64xf32, #tpu.memory_space<hbm>> -> memref<20002x64xf32, #tpu.memory_space<hbm>>
      tpu.wait_indirect_dma semaphore(%arg11 : memref<!tpu.dma_semaphore, #tpu.memory_space<semaphore_mem>>) src(%dma_wait3A_171 : memref<20002x64xf32, #tpu.memory_space<hbm>>) dst(%dma_wait3A_165 : memref<128x64xf32, #tpu.memory_space<vmem>>)
      %dma_start3A_172 = arith.constant 2 : i32
      %dma_start3A_173 = arith.constant 0 : i32
      %dma_start3A_174 = arith.constant 0 : i32
      %dma_start3A_175 = tpu.memref_slice %arg9[%dma_start3A_172, %dma_start3A_173, %dma_start3A_174] : memref<4x128x64xf32, #tpu.memory_space<vmem>> -> memref<1x128x64xf32, #tpu.memory_space<vmem>>
      %dma_start3A_176 = tpu.memref_squeeze %dma_start3A_175 : memref<1x128x64xf32, #tpu.memory_space<vmem>> -> memref<128x64xf32, #tpu.memory_space<vmem>>
      %dma_start3A_177 = arith.constant 0 : i32
      %dma_start3A_178 = tpu.memref_slice %arg8[%add3A_148, %dma_start3A_177] : memref<160x128xi32, #tpu.memory_space<vmem>> -> memref<1x128xi32, #tpu.memory_space<vmem>>
      %dma_start3A_179 = tpu.memref_squeeze %dma_start3A_178 : memref<1x128xi32, #tpu.memory_space<vmem>> -> memref<128xi32, #tpu.memory_space<vmem>>
      %dma_start3A_180 = arith.constant 0 : i32
      %dma_start3A_181 = arith.constant 0 : i32
      %dma_start3A_182 = tpu.memref_slice %arg10[%dma_start3A_180, %dma_start3A_181] : memref<10000x64xf32, #tpu.memory_space<vmem_shared>> -> memref<10000x64xf32, #tpu.memory_space<vmem_shared>>
      tpu.enqueue_indirect_dma source(%dma_start3A_176 : memref<128x64xf32, #tpu.memory_space<vmem>>) target(%dma_start3A_182 : memref<10000x64xf32, #tpu.memory_space<vmem_shared>>) offsets(%dma_start3A_179 : memref<128xi32, #tpu.memory_space<vmem>>) semaphore(%arg12 : memref<!tpu.dma_semaphore, #tpu.memory_space<semaphore_mem>>) {add = true}
      %mul3A_183 = arith.constant 4 : i32
      %mul3A_184 = arith.muli %mul3A_183, %scan3A_69 : i32
      %add3A_185 = arith.constant 3 : i32
      %add3A_186 = arith.addi %mul3A_184, %add3A_185 : i32
      %ge3A_187 = arith.constant 2 : i32
      %ge3A_188 = arith.cmpi sge, %add3A_186, %ge3A_187 : i32
      %convert_element_type3A_189 = arith.extui %ge3A_188 : i1 to i32
      %cond3A_190 = arith.constant 0 : i32
      %cond3A_191 = arith.cmpi ne, %convert_element_type3A_189, %cond3A_190 : i32
      scf.if %cond3A_191 {
        %sub3A = arith.constant 2 : i32
        %sub3A_221 = arith.subi %add3A_186, %sub3A : i32
        %dma_wait3A_222 = arith.constant 1 : i32
        %dma_wait3A_223 = arith.constant 0 : i32
        %dma_wait3A_224 = arith.constant 0 : i32
        %dma_wait3A_225 = tpu.memref_slice %arg9[%dma_wait3A_222, %dma_wait3A_223, %dma_wait3A_224] : memref<4x128x64xf32, #tpu.memory_space<vmem>> -> memref<1x128x64xf32, #tpu.memory_space<vmem>>
        %dma_wait3A_226 = tpu.memref_squeeze %dma_wait3A_225 : memref<1x128x64xf32, #tpu.memory_space<vmem>> -> memref<128x64xf32, #tpu.memory_space<vmem>>
        %dma_wait3A_227 = arith.constant 0 : i32
        %dma_wait3A_228 = tpu.memref_slice %arg8[%sub3A_221, %dma_wait3A_227] : memref<160x128xi32, #tpu.memory_space<vmem>> -> memref<1x128xi32, #tpu.memory_space<vmem>>
        %dma_wait3A_229 = tpu.memref_squeeze %dma_wait3A_228 : memref<1x128xi32, #tpu.memory_space<vmem>> -> memref<128xi32, #tpu.memory_space<vmem>>
        %dma_wait3A_230 = arith.constant 0 : i32
        %dma_wait3A_231 = arith.constant 0 : i32
        %dma_wait3A_232 = tpu.memref_slice %arg10[%dma_wait3A_230, %dma_wait3A_231] : memref<10000x64xf32, #tpu.memory_space<vmem_shared>> -> memref<10000x64xf32, #tpu.memory_space<vmem_shared>>
        tpu.wait_indirect_dma semaphore(%arg12 : memref<!tpu.dma_semaphore, #tpu.memory_space<semaphore_mem>>) src(%dma_wait3A_226 : memref<128x64xf32, #tpu.memory_space<vmem>>) dst(%dma_wait3A_232 : memref<10000x64xf32, #tpu.memory_space<vmem_shared>>)
      } else {
      }
      %add3A_192 = arith.constant 2 : i32
      %add3A_193 = arith.addi %add3A_186, %add3A_192 : i32
      %lt3A_194 = arith.constant 160 : i32
      %lt3A_195 = arith.cmpi slt, %add3A_193, %lt3A_194 : i32
      %convert_element_type3A_196 = arith.extui %lt3A_195 : i1 to i32
      %cond3A_197 = arith.constant 0 : i32
      %cond3A_198 = arith.cmpi ne, %convert_element_type3A_196, %cond3A_197 : i32
      scf.if %cond3A_198 {
        %add3A_221 = arith.constant 2 : i32
        %add3A_222 = arith.addi %add3A_186, %add3A_221 : i32
        %dma_start3A_223 = arith.constant 1 : i32
        %dma_start3A_224 = arith.constant 0 : i32
        %dma_start3A_225 = arith.constant 0 : i32
        %dma_start3A_226 = tpu.memref_slice %arg9[%dma_start3A_223, %dma_start3A_224, %dma_start3A_225] : memref<4x128x64xf32, #tpu.memory_space<vmem>> -> memref<1x128x64xf32, #tpu.memory_space<vmem>>
        %dma_start3A_227 = tpu.memref_squeeze %dma_start3A_226 : memref<1x128x64xf32, #tpu.memory_space<vmem>> -> memref<128x64xf32, #tpu.memory_space<vmem>>
        %dma_start3A_228 = arith.constant 0 : i32
        %dma_start3A_229 = tpu.memref_slice %arg7[%add3A_222, %dma_start3A_228] : memref<160x128xi32, #tpu.memory_space<vmem>> -> memref<1x128xi32, #tpu.memory_space<vmem>>
        %dma_start3A_230 = tpu.memref_squeeze %dma_start3A_229 : memref<1x128xi32, #tpu.memory_space<vmem>> -> memref<128xi32, #tpu.memory_space<vmem>>
        %dma_start3A_231 = arith.constant 0 : i32
        %dma_start3A_232 = arith.constant 0 : i32
        %dma_start3A_233 = tpu.memref_slice %arg2[%dma_start3A_231, %dma_start3A_232] : memref<20002x64xf32, #tpu.memory_space<hbm>> -> memref<20002x64xf32, #tpu.memory_space<hbm>>
        tpu.enqueue_indirect_dma source(%dma_start3A_233 : memref<20002x64xf32, #tpu.memory_space<hbm>>) target(%dma_start3A_227 : memref<128x64xf32, #tpu.memory_space<vmem>>) offsets(%dma_start3A_230 : memref<128xi32, #tpu.memory_space<vmem>>) semaphore(%arg11 : memref<!tpu.dma_semaphore, #tpu.memory_space<semaphore_mem>>)
      } else {
      }
      %dma_wait3A_199 = arith.constant 3 : i32
      %dma_wait3A_200 = arith.constant 0 : i32
      %dma_wait3A_201 = arith.constant 0 : i32
      %dma_wait3A_202 = tpu.memref_slice %arg9[%dma_wait3A_199, %dma_wait3A_200, %dma_wait3A_201] : memref<4x128x64xf32, #tpu.memory_space<vmem>> -> memref<1x128x64xf32, #tpu.memory_space<vmem>>
      %dma_wait3A_203 = tpu.memref_squeeze %dma_wait3A_202 : memref<1x128x64xf32, #tpu.memory_space<vmem>> -> memref<128x64xf32, #tpu.memory_space<vmem>>
      %dma_wait3A_204 = arith.constant 0 : i32
      %dma_wait3A_205 = tpu.memref_slice %arg7[%add3A_186, %dma_wait3A_204] : memref<160x128xi32, #tpu.memory_space<vmem>> -> memref<1x128xi32, #tpu.memory_space<vmem>>
      %dma_wait3A_206 = tpu.memref_squeeze %dma_wait3A_205 : memref<1x128xi32, #tpu.memory_space<vmem>> -> memref<128xi32, #tpu.memory_space<vmem>>
      %dma_wait3A_207 = arith.constant 0 : i32
      %dma_wait3A_208 = arith.constant 0 : i32
      %dma_wait3A_209 = tpu.memref_slice %arg2[%dma_wait3A_207, %dma_wait3A_208] : memref<20002x64xf32, #tpu.memory_space<hbm>> -> memref<20002x64xf32, #tpu.memory_space<hbm>>
      tpu.wait_indirect_dma semaphore(%arg11 : memref<!tpu.dma_semaphore, #tpu.memory_space<semaphore_mem>>) src(%dma_wait3A_209 : memref<20002x64xf32, #tpu.memory_space<hbm>>) dst(%dma_wait3A_203 : memref<128x64xf32, #tpu.memory_space<vmem>>)
      %dma_start3A_210 = arith.constant 3 : i32
      %dma_start3A_211 = arith.constant 0 : i32
      %dma_start3A_212 = arith.constant 0 : i32
      %dma_start3A_213 = tpu.memref_slice %arg9[%dma_start3A_210, %dma_start3A_211, %dma_start3A_212] : memref<4x128x64xf32, #tpu.memory_space<vmem>> -> memref<1x128x64xf32, #tpu.memory_space<vmem>>
      %dma_start3A_214 = tpu.memref_squeeze %dma_start3A_213 : memref<1x128x64xf32, #tpu.memory_space<vmem>> -> memref<128x64xf32, #tpu.memory_space<vmem>>
      %dma_start3A_215 = arith.constant 0 : i32
      %dma_start3A_216 = tpu.memref_slice %arg8[%add3A_186, %dma_start3A_215] : memref<160x128xi32, #tpu.memory_space<vmem>> -> memref<1x128xi32, #tpu.memory_space<vmem>>
      %dma_start3A_217 = tpu.memref_squeeze %dma_start3A_216 : memref<1x128xi32, #tpu.memory_space<vmem>> -> memref<128xi32, #tpu.memory_space<vmem>>
      %dma_start3A_218 = arith.constant 0 : i32
      %dma_start3A_219 = arith.constant 0 : i32
      %dma_start3A_220 = tpu.memref_slice %arg10[%dma_start3A_218, %dma_start3A_219] : memref<10000x64xf32, #tpu.memory_space<vmem_shared>> -> memref<10000x64xf32, #tpu.memory_space<vmem_shared>>
      tpu.enqueue_indirect_dma source(%dma_start3A_214 : memref<128x64xf32, #tpu.memory_space<vmem>>) target(%dma_start3A_220 : memref<10000x64xf32, #tpu.memory_space<vmem_shared>>) offsets(%dma_start3A_217 : memref<128xi32, #tpu.memory_space<vmem>>) semaphore(%arg12 : memref<!tpu.dma_semaphore, #tpu.memory_space<semaphore_mem>>) {add = true}
    }
    %scan3A_34 = arith.constant 40 : i32
    %dma_wait3A = arith.constant 2 : i32
    %dma_wait3A_35 = arith.constant 158 : i32
    %dma_wait3A_36 = arith.constant 0 : i32
    %dma_wait3A_37 = arith.constant 0 : i32
    %dma_wait3A_38 = tpu.memref_slice %arg9[%dma_wait3A, %dma_wait3A_36, %dma_wait3A_37] : memref<4x128x64xf32, #tpu.memory_space<vmem>> -> memref<1x128x64xf32, #tpu.memory_space<vmem>>
    %dma_wait3A_39 = tpu.memref_squeeze %dma_wait3A_38 : memref<1x128x64xf32, #tpu.memory_space<vmem>> -> memref<128x64xf32, #tpu.memory_space<vmem>>
    %dma_wait3A_40 = arith.constant 0 : i32
    %dma_wait3A_41 = tpu.memref_slice %arg8[%dma_wait3A_35, %dma_wait3A_40] : memref<160x128xi32, #tpu.memory_space<vmem>> -> memref<1x128xi32, #tpu.memory_space<vmem>>
    %dma_wait3A_42 = tpu.memref_squeeze %dma_wait3A_41 : memref<1x128xi32, #tpu.memory_space<vmem>> -> memref<128xi32, #tpu.memory_space<vmem>>
    %dma_wait3A_43 = arith.constant 0 : i32
    %dma_wait3A_44 = arith.constant 0 : i32
    %dma_wait3A_45 = tpu.memref_slice %arg10[%dma_wait3A_43, %dma_wait3A_44] : memref<10000x64xf32, #tpu.memory_space<vmem_shared>> -> memref<10000x64xf32, #tpu.memory_space<vmem_shared>>
    tpu.wait_indirect_dma semaphore(%arg12 : memref<!tpu.dma_semaphore, #tpu.memory_space<semaphore_mem>>) src(%dma_wait3A_39 : memref<128x64xf32, #tpu.memory_space<vmem>>) dst(%dma_wait3A_45 : memref<10000x64xf32, #tpu.memory_space<vmem_shared>>)
    %dma_wait3A_46 = arith.constant 3 : i32
    %dma_wait3A_47 = arith.constant 159 : i32
    %dma_wait3A_48 = arith.constant 0 : i32
    %dma_wait3A_49 = arith.constant 0 : i32
    %dma_wait3A_50 = tpu.memref_slice %arg9[%dma_wait3A_46, %dma_wait3A_48, %dma_wait3A_49] : memref<4x128x64xf32, #tpu.memory_space<vmem>> -> memref<1x128x64xf32, #tpu.memory_space<vmem>>
    %dma_wait3A_51 = tpu.memref_squeeze %dma_wait3A_50 : memref<1x128x64xf32, #tpu.memory_space<vmem>> -> memref<128x64xf32, #tpu.memory_space<vmem>>
    %dma_wait3A_52 = arith.constant 0 : i32
    %dma_wait3A_53 = tpu.memref_slice %arg8[%dma_wait3A_47, %dma_wait3A_52] : memref<160x128xi32, #tpu.memory_space<vmem>> -> memref<1x128xi32, #tpu.memory_space<vmem>>
    %dma_wait3A_54 = tpu.memref_squeeze %dma_wait3A_53 : memref<1x128xi32, #tpu.memory_space<vmem>> -> memref<128xi32, #tpu.memory_space<vmem>>
    %dma_wait3A_55 = arith.constant 0 : i32
    %dma_wait3A_56 = arith.constant 0 : i32
    %dma_wait3A_57 = tpu.memref_slice %arg10[%dma_wait3A_55, %dma_wait3A_56] : memref<10000x64xf32, #tpu.memory_space<vmem_shared>> -> memref<10000x64xf32, #tpu.memory_space<vmem_shared>>
    tpu.wait_indirect_dma semaphore(%arg12 : memref<!tpu.dma_semaphore, #tpu.memory_space<semaphore_mem>>) src(%dma_wait3A_51 : memref<128x64xf32, #tpu.memory_space<vmem>>) dst(%dma_wait3A_57 : memref<10000x64xf32, #tpu.memory_space<vmem_shared>>)
    %barrier3A_58 = arith.constant 0 : index
    tpu.barrier barrier_id(%barrier3A_58)
    %lt3A_59 = arith.constant 15 : i32
    %lt3A_60 = arith.cmpi slt, %arg1, %lt3A_59 : i32
    %convert_element_type3A_61 = arith.extui %lt3A_60 : i1 to i32
    %cond3A_62 = arith.constant 0 : i32
    %cond3A_63 = arith.cmpi ne, %convert_element_type3A_61, %cond3A_62 : i32
    scf.if %cond3A_63 {
      %mul3A_69 = arith.constant 632 : i32
      %mul3A_70 = arith.muli %arg1, %mul3A_69 : i32
      %mul3A_71 = arith.constant 632 : i32
      %mul3A_72 = arith.muli %arg1, %mul3A_71 : i32
      "tpu.region"() ({
        %run_scoped3A = tpu.sem_alloc : memref<!tpu.dma_semaphore, #tpu.memory_space<semaphore_mem>>
        %dma_start3A_73 = arith.constant 0 : i32
        %dma_start3A_74 = tpu.memref_slice %arg6[%arg0, %mul3A_72, %dma_start3A_73] : memref<2x10000x64xf32, #tpu.memory_space<hbm>> -> memref<1x632x64xf32, #tpu.memory_space<hbm>>
        %dma_start3A_75 = tpu.memref_squeeze %dma_start3A_74 : memref<1x632x64xf32, #tpu.memory_space<hbm>> -> memref<632x64xf32, #tpu.memory_space<hbm>>
        %dma_start3A_76 = arith.constant 0 : i32
        %dma_start3A_77 = tpu.memref_slice %arg10[%mul3A_70, %dma_start3A_76] : memref<10000x64xf32, #tpu.memory_space<vmem_shared>> -> memref<632x64xf32, #tpu.memory_space<vmem_shared>>
        tpu.enqueue_dma source(%dma_start3A_77 : memref<632x64xf32, #tpu.memory_space<vmem_shared>>) target(%dma_start3A_75 : memref<632x64xf32, #tpu.memory_space<hbm>>) target_semaphore(%run_scoped3A : memref<!tpu.dma_semaphore, #tpu.memory_space<semaphore_mem>>)
        %dma_wait3A_78 = arith.constant 0 : i32
        %dma_wait3A_79 = tpu.memref_slice %arg6[%arg0, %mul3A_72, %dma_wait3A_78] : memref<2x10000x64xf32, #tpu.memory_space<hbm>> -> memref<1x632x64xf32, #tpu.memory_space<hbm>>
        %dma_wait3A_80 = tpu.memref_squeeze %dma_wait3A_79 : memref<1x632x64xf32, #tpu.memory_space<hbm>> -> memref<632x64xf32, #tpu.memory_space<hbm>>
        %dma_wait3A_81 = arith.constant 0 : i32
        %dma_wait3A_82 = tpu.memref_slice %arg10[%mul3A_70, %dma_wait3A_81] : memref<10000x64xf32, #tpu.memory_space<vmem_shared>> -> memref<632x64xf32, #tpu.memory_space<vmem_shared>>
        tpu.wait_dma2 semaphore(%run_scoped3A : memref<!tpu.dma_semaphore, #tpu.memory_space<semaphore_mem>>) src(%dma_wait3A_82 : memref<632x64xf32, #tpu.memory_space<vmem_shared>>) dst(%dma_wait3A_80 : memref<632x64xf32, #tpu.memory_space<hbm>>)
        tpu.yield
      }) : () -> ()
    } else {
    }
    %eq3A_64 = arith.constant 15 : i32
    %eq3A_65 = arith.cmpi eq, %arg1, %eq3A_64 : i32
    %convert_element_type3A_66 = arith.extui %eq3A_65 : i1 to i32
    %cond3A_67 = arith.constant 0 : i32
    %cond3A_68 = arith.cmpi ne, %convert_element_type3A_66, %cond3A_67 : i32
    scf.if %cond3A_68 {
      %mul3A_69 = arith.constant 632 : i32
      %mul3A_70 = arith.muli %arg1, %mul3A_69 : i32
      %mul3A_71 = arith.constant 632 : i32
      %mul3A_72 = arith.muli %arg1, %mul3A_71 : i32
      "tpu.region"() ({
        %run_scoped3A = tpu.sem_alloc : memref<!tpu.dma_semaphore, #tpu.memory_space<semaphore_mem>>
        %dma_start3A_73 = arith.constant 0 : i32
        %dma_start3A_74 = tpu.memref_slice %arg6[%arg0, %mul3A_72, %dma_start3A_73] : memref<2x10000x64xf32, #tpu.memory_space<hbm>> -> memref<1x520x64xf32, #tpu.memory_space<hbm>>
        %dma_start3A_75 = tpu.memref_squeeze %dma_start3A_74 : memref<1x520x64xf32, #tpu.memory_space<hbm>> -> memref<520x64xf32, #tpu.memory_space<hbm>>
        %dma_start3A_76 = arith.constant 0 : i32
        %dma_start3A_77 = tpu.memref_slice %arg10[%mul3A_70, %dma_start3A_76] : memref<10000x64xf32, #tpu.memory_space<vmem_shared>> -> memref<520x64xf32, #tpu.memory_space<vmem_shared>>
        tpu.enqueue_dma source(%dma_start3A_77 : memref<520x64xf32, #tpu.memory_space<vmem_shared>>) target(%dma_start3A_75 : memref<520x64xf32, #tpu.memory_space<hbm>>) target_semaphore(%run_scoped3A : memref<!tpu.dma_semaphore, #tpu.memory_space<semaphore_mem>>)
        %dma_wait3A_78 = arith.constant 0 : i32
        %dma_wait3A_79 = tpu.memref_slice %arg6[%arg0, %mul3A_72, %dma_wait3A_78] : memref<2x10000x64xf32, #tpu.memory_space<hbm>> -> memref<1x520x64xf32, #tpu.memory_space<hbm>>
        %dma_wait3A_80 = tpu.memref_squeeze %dma_wait3A_79 : memref<1x520x64xf32, #tpu.memory_space<hbm>> -> memref<520x64xf32, #tpu.memory_space<hbm>>
        %dma_wait3A_81 = arith.constant 0 : i32
        %dma_wait3A_82 = tpu.memref_slice %arg10[%mul3A_70, %dma_wait3A_81] : memref<10000x64xf32, #tpu.memory_space<vmem_shared>> -> memref<520x64xf32, #tpu.memory_space<vmem_shared>>
        tpu.wait_dma2 semaphore(%run_scoped3A : memref<!tpu.dma_semaphore, #tpu.memory_space<semaphore_mem>>) src(%dma_wait3A_82 : memref<520x64xf32, #tpu.memory_space<vmem_shared>>) dst(%dma_wait3A_80 : memref<520x64xf32, #tpu.memory_space<hbm>>)
        tpu.yield
      }) : () -> ()
    } else {
    }
    return
  }
}

#map = affine_map<(d0, d1) -> (0, 0)>
#map1 = affine_map<(d0, d1) -> (0, 0, 0)>
module attributes {stable_mosaic.version = 14 : i64} {
  func.func @_sc_agg_body(%arg0: i32, %arg1: i32, %arg2: memref<20002x80xf32, #tpu.memory_space<hbm>>, %arg3: memref<32x160x128xi32, #tpu.memory_space<hbm>>, %arg4: memref<32x160x128xi32, #tpu.memory_space<hbm>>, %arg5: memref<632x80xf32, #tpu.memory_space<hbm>>, %arg6: memref<2x10000x80xf32, #tpu.memory_space<hbm>>, %arg7: memref<160x128xi32, #tpu.memory_space<vmem>>, %arg8: memref<160x128xi32, #tpu.memory_space<vmem>>, %arg9: memref<3x128x80xf32, #tpu.memory_space<vmem>>, %arg10: memref<10000x80xf32, #tpu.memory_space<vmem_shared>>, %arg11: memref<!tpu.dma_semaphore, #tpu.memory_space<semaphore_mem>>, %arg12: memref<!tpu.dma_semaphore, #tpu.memory_space<semaphore_mem>>) attributes {dimension_semantics = [#tpu.dimension_semantics<core_parallel>, #tpu.dimension_semantics<subcore_parallel>], iteration_bounds = array<i64: 2, 16>, scalar_prefetch = 0 : i64, scratch_operands = 6 : i64, tpu.core_type = #tpu.core_type<sc_vector_subcore>, window_params = [{transform_indices = #map}, {transform_indices = #map1}, {transform_indices = #map1}, {transform_indices = #map}, {transform_indices = #map1}]} {
    %mul3A = arith.constant 2 : i32
    %mul3A_0 = arith.muli %arg1, %mul3A : i32
    %add3A = arith.addi %mul3A_0, %arg0 : i32
    %lt3A = arith.constant 15 : i32
    %lt3A_1 = arith.cmpi slt, %arg1, %lt3A : i32
    %convert_element_type3A = arith.extui %lt3A_1 : i1 to i32
    %cond3A = arith.constant 0 : i32
    %cond3A_2 = arith.cmpi ne, %convert_element_type3A, %cond3A : i32
    scf.if %cond3A_2 {
      %mul3A_93 = arith.constant 632 : i32
      %mul3A_94 = arith.muli %arg1, %mul3A_93 : i32
      "tpu.region"() ({
        %run_scoped3A = tpu.sem_alloc : memref<!tpu.dma_semaphore, #tpu.memory_space<semaphore_mem>>
        %dma_start3A_95 = arith.constant 0 : i32
        %dma_start3A_96 = tpu.memref_slice %arg10[%mul3A_94, %dma_start3A_95] : memref<10000x80xf32, #tpu.memory_space<vmem_shared>> -> memref<632x80xf32, #tpu.memory_space<vmem_shared>>
        tpu.enqueue_dma source(%arg5 : memref<632x80xf32, #tpu.memory_space<hbm>>) target(%dma_start3A_96 : memref<632x80xf32, #tpu.memory_space<vmem_shared>>) target_semaphore(%run_scoped3A : memref<!tpu.dma_semaphore, #tpu.memory_space<semaphore_mem>>)
        %dma_wait3A_97 = arith.constant 0 : i32
        %dma_wait3A_98 = tpu.memref_slice %arg10[%mul3A_94, %dma_wait3A_97] : memref<10000x80xf32, #tpu.memory_space<vmem_shared>> -> memref<632x80xf32, #tpu.memory_space<vmem_shared>>
        tpu.wait_dma2 semaphore(%run_scoped3A : memref<!tpu.dma_semaphore, #tpu.memory_space<semaphore_mem>>) src(%arg5 : memref<632x80xf32, #tpu.memory_space<hbm>>) dst(%dma_wait3A_98 : memref<632x80xf32, #tpu.memory_space<vmem_shared>>)
        tpu.yield
      }) : () -> ()
    } else {
    }
    %eq3A = arith.constant 15 : i32
    %eq3A_3 = arith.cmpi eq, %arg1, %eq3A : i32
    %convert_element_type3A_4 = arith.extui %eq3A_3 : i1 to i32
    %cond3A_5 = arith.constant 0 : i32
    %cond3A_6 = arith.cmpi ne, %convert_element_type3A_4, %cond3A_5 : i32
    scf.if %cond3A_6 {
      %mul3A_93 = arith.constant 632 : i32
      %mul3A_94 = arith.muli %arg1, %mul3A_93 : i32
      "tpu.region"() ({
        %run_scoped3A = tpu.sem_alloc : memref<!tpu.dma_semaphore, #tpu.memory_space<semaphore_mem>>
        %dma_start3A_95 = arith.constant 0 : i32
        %dma_start3A_96 = tpu.memref_slice %arg10[%mul3A_94, %dma_start3A_95] : memref<10000x80xf32, #tpu.memory_space<vmem_shared>> -> memref<520x80xf32, #tpu.memory_space<vmem_shared>>
        %dma_start3A_97 = arith.constant 0 : i32
        %dma_start3A_98 = arith.constant 0 : i32
        %dma_start3A_99 = tpu.memref_slice %arg5[%dma_start3A_97, %dma_start3A_98] : memref<632x80xf32, #tpu.memory_space<hbm>> -> memref<520x80xf32, #tpu.memory_space<hbm>>
        tpu.enqueue_dma source(%dma_start3A_99 : memref<520x80xf32, #tpu.memory_space<hbm>>) target(%dma_start3A_96 : memref<520x80xf32, #tpu.memory_space<vmem_shared>>) target_semaphore(%run_scoped3A : memref<!tpu.dma_semaphore, #tpu.memory_space<semaphore_mem>>)
        %dma_wait3A_100 = arith.constant 0 : i32
        %dma_wait3A_101 = tpu.memref_slice %arg10[%mul3A_94, %dma_wait3A_100] : memref<10000x80xf32, #tpu.memory_space<vmem_shared>> -> memref<520x80xf32, #tpu.memory_space<vmem_shared>>
        %dma_wait3A_102 = arith.constant 0 : i32
        %dma_wait3A_103 = arith.constant 0 : i32
        %dma_wait3A_104 = tpu.memref_slice %arg5[%dma_wait3A_102, %dma_wait3A_103] : memref<632x80xf32, #tpu.memory_space<hbm>> -> memref<520x80xf32, #tpu.memory_space<hbm>>
        tpu.wait_dma2 semaphore(%run_scoped3A : memref<!tpu.dma_semaphore, #tpu.memory_space<semaphore_mem>>) src(%dma_wait3A_104 : memref<520x80xf32, #tpu.memory_space<hbm>>) dst(%dma_wait3A_101 : memref<520x80xf32, #tpu.memory_space<vmem_shared>>)
        tpu.yield
      }) : () -> ()
    } else {
    }
    "tpu.region"() ({
      %run_scoped3A = tpu.sem_alloc : memref<!tpu.dma_semaphore, #tpu.memory_space<semaphore_mem>>
      %dma_start3A_93 = arith.constant 0 : i32
      %dma_start3A_94 = arith.constant 0 : i32
      %dma_start3A_95 = tpu.memref_slice %arg3[%add3A, %dma_start3A_93, %dma_start3A_94] : memref<32x160x128xi32, #tpu.memory_space<hbm>> -> memref<1x160x128xi32, #tpu.memory_space<hbm>>
      %dma_start3A_96 = tpu.memref_squeeze %dma_start3A_95 : memref<1x160x128xi32, #tpu.memory_space<hbm>> -> memref<160x128xi32, #tpu.memory_space<hbm>>
      %dma_start3A_97 = arith.constant 0 : i32
      %dma_start3A_98 = arith.constant 0 : i32
      %dma_start3A_99 = tpu.memref_slice %arg3[%add3A, %dma_start3A_97, %dma_start3A_98] : memref<32x160x128xi32, #tpu.memory_space<hbm>> -> memref<1x160x128xi32, #tpu.memory_space<hbm>>
      %dma_start3A_100 = tpu.memref_squeeze %dma_start3A_99 : memref<1x160x128xi32, #tpu.memory_space<hbm>> -> memref<160x128xi32, #tpu.memory_space<hbm>>
      tpu.enqueue_dma source(%dma_start3A_100 : memref<160x128xi32, #tpu.memory_space<hbm>>) target(%arg7 : memref<160x128xi32, #tpu.memory_space<vmem>>) target_semaphore(%run_scoped3A : memref<!tpu.dma_semaphore, #tpu.memory_space<semaphore_mem>>)
      %dma_wait3A_101 = arith.constant 0 : i32
      %dma_wait3A_102 = arith.constant 0 : i32
      %dma_wait3A_103 = tpu.memref_slice %arg3[%add3A, %dma_wait3A_101, %dma_wait3A_102] : memref<32x160x128xi32, #tpu.memory_space<hbm>> -> memref<1x160x128xi32, #tpu.memory_space<hbm>>
      %dma_wait3A_104 = tpu.memref_squeeze %dma_wait3A_103 : memref<1x160x128xi32, #tpu.memory_space<hbm>> -> memref<160x128xi32, #tpu.memory_space<hbm>>
      %dma_wait3A_105 = arith.constant 0 : i32
      %dma_wait3A_106 = arith.constant 0 : i32
      %dma_wait3A_107 = tpu.memref_slice %arg3[%add3A, %dma_wait3A_105, %dma_wait3A_106] : memref<32x160x128xi32, #tpu.memory_space<hbm>> -> memref<1x160x128xi32, #tpu.memory_space<hbm>>
      %dma_wait3A_108 = tpu.memref_squeeze %dma_wait3A_107 : memref<1x160x128xi32, #tpu.memory_space<hbm>> -> memref<160x128xi32, #tpu.memory_space<hbm>>
      tpu.wait_dma2 semaphore(%run_scoped3A : memref<!tpu.dma_semaphore, #tpu.memory_space<semaphore_mem>>) src(%dma_wait3A_108 : memref<160x128xi32, #tpu.memory_space<hbm>>) dst(%arg7 : memref<160x128xi32, #tpu.memory_space<vmem>>)
      tpu.yield
    }) : () -> ()
    "tpu.region"() ({
      %run_scoped3A = tpu.sem_alloc : memref<!tpu.dma_semaphore, #tpu.memory_space<semaphore_mem>>
      %dma_start3A_93 = arith.constant 0 : i32
      %dma_start3A_94 = arith.constant 0 : i32
      %dma_start3A_95 = tpu.memref_slice %arg4[%add3A, %dma_start3A_93, %dma_start3A_94] : memref<32x160x128xi32, #tpu.memory_space<hbm>> -> memref<1x160x128xi32, #tpu.memory_space<hbm>>
      %dma_start3A_96 = tpu.memref_squeeze %dma_start3A_95 : memref<1x160x128xi32, #tpu.memory_space<hbm>> -> memref<160x128xi32, #tpu.memory_space<hbm>>
      %dma_start3A_97 = arith.constant 0 : i32
      %dma_start3A_98 = arith.constant 0 : i32
      %dma_start3A_99 = tpu.memref_slice %arg4[%add3A, %dma_start3A_97, %dma_start3A_98] : memref<32x160x128xi32, #tpu.memory_space<hbm>> -> memref<1x160x128xi32, #tpu.memory_space<hbm>>
      %dma_start3A_100 = tpu.memref_squeeze %dma_start3A_99 : memref<1x160x128xi32, #tpu.memory_space<hbm>> -> memref<160x128xi32, #tpu.memory_space<hbm>>
      tpu.enqueue_dma source(%dma_start3A_100 : memref<160x128xi32, #tpu.memory_space<hbm>>) target(%arg8 : memref<160x128xi32, #tpu.memory_space<vmem>>) target_semaphore(%run_scoped3A : memref<!tpu.dma_semaphore, #tpu.memory_space<semaphore_mem>>)
      %dma_wait3A_101 = arith.constant 0 : i32
      %dma_wait3A_102 = arith.constant 0 : i32
      %dma_wait3A_103 = tpu.memref_slice %arg4[%add3A, %dma_wait3A_101, %dma_wait3A_102] : memref<32x160x128xi32, #tpu.memory_space<hbm>> -> memref<1x160x128xi32, #tpu.memory_space<hbm>>
      %dma_wait3A_104 = tpu.memref_squeeze %dma_wait3A_103 : memref<1x160x128xi32, #tpu.memory_space<hbm>> -> memref<160x128xi32, #tpu.memory_space<hbm>>
      %dma_wait3A_105 = arith.constant 0 : i32
      %dma_wait3A_106 = arith.constant 0 : i32
      %dma_wait3A_107 = tpu.memref_slice %arg4[%add3A, %dma_wait3A_105, %dma_wait3A_106] : memref<32x160x128xi32, #tpu.memory_space<hbm>> -> memref<1x160x128xi32, #tpu.memory_space<hbm>>
      %dma_wait3A_108 = tpu.memref_squeeze %dma_wait3A_107 : memref<1x160x128xi32, #tpu.memory_space<hbm>> -> memref<160x128xi32, #tpu.memory_space<hbm>>
      tpu.wait_dma2 semaphore(%run_scoped3A : memref<!tpu.dma_semaphore, #tpu.memory_space<semaphore_mem>>) src(%dma_wait3A_108 : memref<160x128xi32, #tpu.memory_space<hbm>>) dst(%arg8 : memref<160x128xi32, #tpu.memory_space<vmem>>)
      tpu.yield
    }) : () -> ()
    %barrier3A = arith.constant 0 : index
    tpu.barrier barrier_id(%barrier3A)
    %dma_start3A = arith.constant 0 : i32
    %dma_start3A_7 = arith.constant 0 : i32
    %dma_start3A_8 = arith.constant 0 : i32
    %dma_start3A_9 = arith.constant 0 : i32
    %dma_start3A_10 = tpu.memref_slice %arg9[%dma_start3A_7, %dma_start3A_8, %dma_start3A_9] : memref<3x128x80xf32, #tpu.memory_space<vmem>> -> memref<1x128x80xf32, #tpu.memory_space<vmem>>
    %dma_start3A_11 = tpu.memref_squeeze %dma_start3A_10 : memref<1x128x80xf32, #tpu.memory_space<vmem>> -> memref<128x80xf32, #tpu.memory_space<vmem>>
    %dma_start3A_12 = arith.constant 0 : i32
    %dma_start3A_13 = tpu.memref_slice %arg7[%dma_start3A, %dma_start3A_12] : memref<160x128xi32, #tpu.memory_space<vmem>> -> memref<1x128xi32, #tpu.memory_space<vmem>>
    %dma_start3A_14 = tpu.memref_squeeze %dma_start3A_13 : memref<1x128xi32, #tpu.memory_space<vmem>> -> memref<128xi32, #tpu.memory_space<vmem>>
    %dma_start3A_15 = arith.constant 0 : i32
    %dma_start3A_16 = arith.constant 0 : i32
    %dma_start3A_17 = tpu.memref_slice %arg2[%dma_start3A_15, %dma_start3A_16] : memref<20002x80xf32, #tpu.memory_space<hbm>> -> memref<20002x80xf32, #tpu.memory_space<hbm>>
    tpu.enqueue_indirect_dma source(%dma_start3A_17 : memref<20002x80xf32, #tpu.memory_space<hbm>>) target(%dma_start3A_11 : memref<128x80xf32, #tpu.memory_space<vmem>>) offsets(%dma_start3A_14 : memref<128xi32, #tpu.memory_space<vmem>>) semaphore(%arg11 : memref<!tpu.dma_semaphore, #tpu.memory_space<semaphore_mem>>)
    %scan3A = arith.constant 0 : i32
    %scan3A_18 = arith.constant 0 : i32
    %scan3A_19 = arith.constant 53 : i32
    %scan3A_20 = arith.addi %scan3A_18, %scan3A_19 : i32
    %scan3A_21 = arith.constant 1 : i32
    scf.for %scan3A_93 = %scan3A_18 to %scan3A_20 step %scan3A_21  : i32 {
      %mul3A_94 = arith.constant 3 : i32
      %mul3A_95 = arith.muli %mul3A_94, %scan3A_93 : i32
      %add3A_96 = arith.constant 0 : i32
      %add3A_97 = arith.addi %mul3A_95, %add3A_96 : i32
      %ge3A = arith.constant 2 : i32
      %ge3A_98 = arith.cmpi sge, %add3A_97, %ge3A : i32
      %convert_element_type3A_99 = arith.extui %ge3A_98 : i1 to i32
      %cond3A_100 = arith.constant 0 : i32
      %cond3A_101 = arith.cmpi ne, %convert_element_type3A_99, %cond3A_100 : i32
      scf.if %cond3A_101 {
        %sub3A = arith.constant 2 : i32
        %sub3A_207 = arith.subi %add3A_97, %sub3A : i32
        %dma_wait3A_208 = arith.constant 1 : i32
        %dma_wait3A_209 = arith.constant 0 : i32
        %dma_wait3A_210 = arith.constant 0 : i32
        %dma_wait3A_211 = tpu.memref_slice %arg9[%dma_wait3A_208, %dma_wait3A_209, %dma_wait3A_210] : memref<3x128x80xf32, #tpu.memory_space<vmem>> -> memref<1x128x80xf32, #tpu.memory_space<vmem>>
        %dma_wait3A_212 = tpu.memref_squeeze %dma_wait3A_211 : memref<1x128x80xf32, #tpu.memory_space<vmem>> -> memref<128x80xf32, #tpu.memory_space<vmem>>
        %dma_wait3A_213 = arith.constant 0 : i32
        %dma_wait3A_214 = tpu.memref_slice %arg8[%sub3A_207, %dma_wait3A_213] : memref<160x128xi32, #tpu.memory_space<vmem>> -> memref<1x128xi32, #tpu.memory_space<vmem>>
        %dma_wait3A_215 = tpu.memref_squeeze %dma_wait3A_214 : memref<1x128xi32, #tpu.memory_space<vmem>> -> memref<128xi32, #tpu.memory_space<vmem>>
        %dma_wait3A_216 = arith.constant 0 : i32
        %dma_wait3A_217 = arith.constant 0 : i32
        %dma_wait3A_218 = tpu.memref_slice %arg10[%dma_wait3A_216, %dma_wait3A_217] : memref<10000x80xf32, #tpu.memory_space<vmem_shared>> -> memref<10000x80xf32, #tpu.memory_space<vmem_shared>>
        tpu.wait_indirect_dma semaphore(%arg12 : memref<!tpu.dma_semaphore, #tpu.memory_space<semaphore_mem>>) src(%dma_wait3A_212 : memref<128x80xf32, #tpu.memory_space<vmem>>) dst(%dma_wait3A_218 : memref<10000x80xf32, #tpu.memory_space<vmem_shared>>)
      } else {
      }
      %add3A_102 = arith.constant 1 : i32
      %add3A_103 = arith.addi %add3A_97, %add3A_102 : i32
      %lt3A_104 = arith.constant 160 : i32
      %lt3A_105 = arith.cmpi slt, %add3A_103, %lt3A_104 : i32
      %convert_element_type3A_106 = arith.extui %lt3A_105 : i1 to i32
      %cond3A_107 = arith.constant 0 : i32
      %cond3A_108 = arith.cmpi ne, %convert_element_type3A_106, %cond3A_107 : i32
      scf.if %cond3A_108 {
        %add3A_207 = arith.constant 1 : i32
        %add3A_208 = arith.addi %add3A_97, %add3A_207 : i32
        %dma_start3A_209 = arith.constant 1 : i32
        %dma_start3A_210 = arith.constant 0 : i32
        %dma_start3A_211 = arith.constant 0 : i32
        %dma_start3A_212 = tpu.memref_slice %arg9[%dma_start3A_209, %dma_start3A_210, %dma_start3A_211] : memref<3x128x80xf32, #tpu.memory_space<vmem>> -> memref<1x128x80xf32, #tpu.memory_space<vmem>>
        %dma_start3A_213 = tpu.memref_squeeze %dma_start3A_212 : memref<1x128x80xf32, #tpu.memory_space<vmem>> -> memref<128x80xf32, #tpu.memory_space<vmem>>
        %dma_start3A_214 = arith.constant 0 : i32
        %dma_start3A_215 = tpu.memref_slice %arg7[%add3A_208, %dma_start3A_214] : memref<160x128xi32, #tpu.memory_space<vmem>> -> memref<1x128xi32, #tpu.memory_space<vmem>>
        %dma_start3A_216 = tpu.memref_squeeze %dma_start3A_215 : memref<1x128xi32, #tpu.memory_space<vmem>> -> memref<128xi32, #tpu.memory_space<vmem>>
        %dma_start3A_217 = arith.constant 0 : i32
        %dma_start3A_218 = arith.constant 0 : i32
        %dma_start3A_219 = tpu.memref_slice %arg2[%dma_start3A_217, %dma_start3A_218] : memref<20002x80xf32, #tpu.memory_space<hbm>> -> memref<20002x80xf32, #tpu.memory_space<hbm>>
        tpu.enqueue_indirect_dma source(%dma_start3A_219 : memref<20002x80xf32, #tpu.memory_space<hbm>>) target(%dma_start3A_213 : memref<128x80xf32, #tpu.memory_space<vmem>>) offsets(%dma_start3A_216 : memref<128xi32, #tpu.memory_space<vmem>>) semaphore(%arg11 : memref<!tpu.dma_semaphore, #tpu.memory_space<semaphore_mem>>)
      } else {
      }
      %dma_wait3A_109 = arith.constant 0 : i32
      %dma_wait3A_110 = arith.constant 0 : i32
      %dma_wait3A_111 = arith.constant 0 : i32
      %dma_wait3A_112 = tpu.memref_slice %arg9[%dma_wait3A_109, %dma_wait3A_110, %dma_wait3A_111] : memref<3x128x80xf32, #tpu.memory_space<vmem>> -> memref<1x128x80xf32, #tpu.memory_space<vmem>>
      %dma_wait3A_113 = tpu.memref_squeeze %dma_wait3A_112 : memref<1x128x80xf32, #tpu.memory_space<vmem>> -> memref<128x80xf32, #tpu.memory_space<vmem>>
      %dma_wait3A_114 = arith.constant 0 : i32
      %dma_wait3A_115 = tpu.memref_slice %arg7[%add3A_97, %dma_wait3A_114] : memref<160x128xi32, #tpu.memory_space<vmem>> -> memref<1x128xi32, #tpu.memory_space<vmem>>
      %dma_wait3A_116 = tpu.memref_squeeze %dma_wait3A_115 : memref<1x128xi32, #tpu.memory_space<vmem>> -> memref<128xi32, #tpu.memory_space<vmem>>
      %dma_wait3A_117 = arith.constant 0 : i32
      %dma_wait3A_118 = arith.constant 0 : i32
      %dma_wait3A_119 = tpu.memref_slice %arg2[%dma_wait3A_117, %dma_wait3A_118] : memref<20002x80xf32, #tpu.memory_space<hbm>> -> memref<20002x80xf32, #tpu.memory_space<hbm>>
      tpu.wait_indirect_dma semaphore(%arg11 : memref<!tpu.dma_semaphore, #tpu.memory_space<semaphore_mem>>) src(%dma_wait3A_119 : memref<20002x80xf32, #tpu.memory_space<hbm>>) dst(%dma_wait3A_113 : memref<128x80xf32, #tpu.memory_space<vmem>>)
      %dma_start3A_120 = arith.constant 0 : i32
      %dma_start3A_121 = arith.constant 0 : i32
      %dma_start3A_122 = arith.constant 0 : i32
      %dma_start3A_123 = tpu.memref_slice %arg9[%dma_start3A_120, %dma_start3A_121, %dma_start3A_122] : memref<3x128x80xf32, #tpu.memory_space<vmem>> -> memref<1x128x80xf32, #tpu.memory_space<vmem>>
      %dma_start3A_124 = tpu.memref_squeeze %dma_start3A_123 : memref<1x128x80xf32, #tpu.memory_space<vmem>> -> memref<128x80xf32, #tpu.memory_space<vmem>>
      %dma_start3A_125 = arith.constant 0 : i32
      %dma_start3A_126 = tpu.memref_slice %arg8[%add3A_97, %dma_start3A_125] : memref<160x128xi32, #tpu.memory_space<vmem>> -> memref<1x128xi32, #tpu.memory_space<vmem>>
      %dma_start3A_127 = tpu.memref_squeeze %dma_start3A_126 : memref<1x128xi32, #tpu.memory_space<vmem>> -> memref<128xi32, #tpu.memory_space<vmem>>
      %dma_start3A_128 = arith.constant 0 : i32
      %dma_start3A_129 = arith.constant 0 : i32
      %dma_start3A_130 = tpu.memref_slice %arg10[%dma_start3A_128, %dma_start3A_129] : memref<10000x80xf32, #tpu.memory_space<vmem_shared>> -> memref<10000x80xf32, #tpu.memory_space<vmem_shared>>
      tpu.enqueue_indirect_dma source(%dma_start3A_124 : memref<128x80xf32, #tpu.memory_space<vmem>>) target(%dma_start3A_130 : memref<10000x80xf32, #tpu.memory_space<vmem_shared>>) offsets(%dma_start3A_127 : memref<128xi32, #tpu.memory_space<vmem>>) semaphore(%arg12 : memref<!tpu.dma_semaphore, #tpu.memory_space<semaphore_mem>>) {add = true}
      %mul3A_131 = arith.constant 3 : i32
      %mul3A_132 = arith.muli %mul3A_131, %scan3A_93 : i32
      %add3A_133 = arith.constant 1 : i32
      %add3A_134 = arith.addi %mul3A_132, %add3A_133 : i32
      %ge3A_135 = arith.constant 2 : i32
      %ge3A_136 = arith.cmpi sge, %add3A_134, %ge3A_135 : i32
      %convert_element_type3A_137 = arith.extui %ge3A_136 : i1 to i32
      %cond3A_138 = arith.constant 0 : i32
      %cond3A_139 = arith.cmpi ne, %convert_element_type3A_137, %cond3A_138 : i32
      scf.if %cond3A_139 {
        %sub3A = arith.constant 2 : i32
        %sub3A_207 = arith.subi %add3A_134, %sub3A : i32
        %dma_wait3A_208 = arith.constant 2 : i32
        %dma_wait3A_209 = arith.constant 0 : i32
        %dma_wait3A_210 = arith.constant 0 : i32
        %dma_wait3A_211 = tpu.memref_slice %arg9[%dma_wait3A_208, %dma_wait3A_209, %dma_wait3A_210] : memref<3x128x80xf32, #tpu.memory_space<vmem>> -> memref<1x128x80xf32, #tpu.memory_space<vmem>>
        %dma_wait3A_212 = tpu.memref_squeeze %dma_wait3A_211 : memref<1x128x80xf32, #tpu.memory_space<vmem>> -> memref<128x80xf32, #tpu.memory_space<vmem>>
        %dma_wait3A_213 = arith.constant 0 : i32
        %dma_wait3A_214 = tpu.memref_slice %arg8[%sub3A_207, %dma_wait3A_213] : memref<160x128xi32, #tpu.memory_space<vmem>> -> memref<1x128xi32, #tpu.memory_space<vmem>>
        %dma_wait3A_215 = tpu.memref_squeeze %dma_wait3A_214 : memref<1x128xi32, #tpu.memory_space<vmem>> -> memref<128xi32, #tpu.memory_space<vmem>>
        %dma_wait3A_216 = arith.constant 0 : i32
        %dma_wait3A_217 = arith.constant 0 : i32
        %dma_wait3A_218 = tpu.memref_slice %arg10[%dma_wait3A_216, %dma_wait3A_217] : memref<10000x80xf32, #tpu.memory_space<vmem_shared>> -> memref<10000x80xf32, #tpu.memory_space<vmem_shared>>
        tpu.wait_indirect_dma semaphore(%arg12 : memref<!tpu.dma_semaphore, #tpu.memory_space<semaphore_mem>>) src(%dma_wait3A_212 : memref<128x80xf32, #tpu.memory_space<vmem>>) dst(%dma_wait3A_218 : memref<10000x80xf32, #tpu.memory_space<vmem_shared>>)
      } else {
      }
      %add3A_140 = arith.constant 1 : i32
      %add3A_141 = arith.addi %add3A_134, %add3A_140 : i32
      %lt3A_142 = arith.constant 160 : i32
      %lt3A_143 = arith.cmpi slt, %add3A_141, %lt3A_142 : i32
      %convert_element_type3A_144 = arith.extui %lt3A_143 : i1 to i32
      %cond3A_145 = arith.constant 0 : i32
      %cond3A_146 = arith.cmpi ne, %convert_element_type3A_144, %cond3A_145 : i32
      scf.if %cond3A_146 {
        %add3A_207 = arith.constant 1 : i32
        %add3A_208 = arith.addi %add3A_134, %add3A_207 : i32
        %dma_start3A_209 = arith.constant 2 : i32
        %dma_start3A_210 = arith.constant 0 : i32
        %dma_start3A_211 = arith.constant 0 : i32
        %dma_start3A_212 = tpu.memref_slice %arg9[%dma_start3A_209, %dma_start3A_210, %dma_start3A_211] : memref<3x128x80xf32, #tpu.memory_space<vmem>> -> memref<1x128x80xf32, #tpu.memory_space<vmem>>
        %dma_start3A_213 = tpu.memref_squeeze %dma_start3A_212 : memref<1x128x80xf32, #tpu.memory_space<vmem>> -> memref<128x80xf32, #tpu.memory_space<vmem>>
        %dma_start3A_214 = arith.constant 0 : i32
        %dma_start3A_215 = tpu.memref_slice %arg7[%add3A_208, %dma_start3A_214] : memref<160x128xi32, #tpu.memory_space<vmem>> -> memref<1x128xi32, #tpu.memory_space<vmem>>
        %dma_start3A_216 = tpu.memref_squeeze %dma_start3A_215 : memref<1x128xi32, #tpu.memory_space<vmem>> -> memref<128xi32, #tpu.memory_space<vmem>>
        %dma_start3A_217 = arith.constant 0 : i32
        %dma_start3A_218 = arith.constant 0 : i32
        %dma_start3A_219 = tpu.memref_slice %arg2[%dma_start3A_217, %dma_start3A_218] : memref<20002x80xf32, #tpu.memory_space<hbm>> -> memref<20002x80xf32, #tpu.memory_space<hbm>>
        tpu.enqueue_indirect_dma source(%dma_start3A_219 : memref<20002x80xf32, #tpu.memory_space<hbm>>) target(%dma_start3A_213 : memref<128x80xf32, #tpu.memory_space<vmem>>) offsets(%dma_start3A_216 : memref<128xi32, #tpu.memory_space<vmem>>) semaphore(%arg11 : memref<!tpu.dma_semaphore, #tpu.memory_space<semaphore_mem>>)
      } else {
      }
      %dma_wait3A_147 = arith.constant 1 : i32
      %dma_wait3A_148 = arith.constant 0 : i32
      %dma_wait3A_149 = arith.constant 0 : i32
      %dma_wait3A_150 = tpu.memref_slice %arg9[%dma_wait3A_147, %dma_wait3A_148, %dma_wait3A_149] : memref<3x128x80xf32, #tpu.memory_space<vmem>> -> memref<1x128x80xf32, #tpu.memory_space<vmem>>
      %dma_wait3A_151 = tpu.memref_squeeze %dma_wait3A_150 : memref<1x128x80xf32, #tpu.memory_space<vmem>> -> memref<128x80xf32, #tpu.memory_space<vmem>>
      %dma_wait3A_152 = arith.constant 0 : i32
      %dma_wait3A_153 = tpu.memref_slice %arg7[%add3A_134, %dma_wait3A_152] : memref<160x128xi32, #tpu.memory_space<vmem>> -> memref<1x128xi32, #tpu.memory_space<vmem>>
      %dma_wait3A_154 = tpu.memref_squeeze %dma_wait3A_153 : memref<1x128xi32, #tpu.memory_space<vmem>> -> memref<128xi32, #tpu.memory_space<vmem>>
      %dma_wait3A_155 = arith.constant 0 : i32
      %dma_wait3A_156 = arith.constant 0 : i32
      %dma_wait3A_157 = tpu.memref_slice %arg2[%dma_wait3A_155, %dma_wait3A_156] : memref<20002x80xf32, #tpu.memory_space<hbm>> -> memref<20002x80xf32, #tpu.memory_space<hbm>>
      tpu.wait_indirect_dma semaphore(%arg11 : memref<!tpu.dma_semaphore, #tpu.memory_space<semaphore_mem>>) src(%dma_wait3A_157 : memref<20002x80xf32, #tpu.memory_space<hbm>>) dst(%dma_wait3A_151 : memref<128x80xf32, #tpu.memory_space<vmem>>)
      %dma_start3A_158 = arith.constant 1 : i32
      %dma_start3A_159 = arith.constant 0 : i32
      %dma_start3A_160 = arith.constant 0 : i32
      %dma_start3A_161 = tpu.memref_slice %arg9[%dma_start3A_158, %dma_start3A_159, %dma_start3A_160] : memref<3x128x80xf32, #tpu.memory_space<vmem>> -> memref<1x128x80xf32, #tpu.memory_space<vmem>>
      %dma_start3A_162 = tpu.memref_squeeze %dma_start3A_161 : memref<1x128x80xf32, #tpu.memory_space<vmem>> -> memref<128x80xf32, #tpu.memory_space<vmem>>
      %dma_start3A_163 = arith.constant 0 : i32
      %dma_start3A_164 = tpu.memref_slice %arg8[%add3A_134, %dma_start3A_163] : memref<160x128xi32, #tpu.memory_space<vmem>> -> memref<1x128xi32, #tpu.memory_space<vmem>>
      %dma_start3A_165 = tpu.memref_squeeze %dma_start3A_164 : memref<1x128xi32, #tpu.memory_space<vmem>> -> memref<128xi32, #tpu.memory_space<vmem>>
      %dma_start3A_166 = arith.constant 0 : i32
      %dma_start3A_167 = arith.constant 0 : i32
      %dma_start3A_168 = tpu.memref_slice %arg10[%dma_start3A_166, %dma_start3A_167] : memref<10000x80xf32, #tpu.memory_space<vmem_shared>> -> memref<10000x80xf32, #tpu.memory_space<vmem_shared>>
      tpu.enqueue_indirect_dma source(%dma_start3A_162 : memref<128x80xf32, #tpu.memory_space<vmem>>) target(%dma_start3A_168 : memref<10000x80xf32, #tpu.memory_space<vmem_shared>>) offsets(%dma_start3A_165 : memref<128xi32, #tpu.memory_space<vmem>>) semaphore(%arg12 : memref<!tpu.dma_semaphore, #tpu.memory_space<semaphore_mem>>) {add = true}
      %mul3A_169 = arith.constant 3 : i32
      %mul3A_170 = arith.muli %mul3A_169, %scan3A_93 : i32
      %add3A_171 = arith.constant 2 : i32
      %add3A_172 = arith.addi %mul3A_170, %add3A_171 : i32
      %ge3A_173 = arith.constant 2 : i32
      %ge3A_174 = arith.cmpi sge, %add3A_172, %ge3A_173 : i32
      %convert_element_type3A_175 = arith.extui %ge3A_174 : i1 to i32
      %cond3A_176 = arith.constant 0 : i32
      %cond3A_177 = arith.cmpi ne, %convert_element_type3A_175, %cond3A_176 : i32
      scf.if %cond3A_177 {
        %sub3A = arith.constant 2 : i32
        %sub3A_207 = arith.subi %add3A_172, %sub3A : i32
        %dma_wait3A_208 = arith.constant 0 : i32
        %dma_wait3A_209 = arith.constant 0 : i32
        %dma_wait3A_210 = arith.constant 0 : i32
        %dma_wait3A_211 = tpu.memref_slice %arg9[%dma_wait3A_208, %dma_wait3A_209, %dma_wait3A_210] : memref<3x128x80xf32, #tpu.memory_space<vmem>> -> memref<1x128x80xf32, #tpu.memory_space<vmem>>
        %dma_wait3A_212 = tpu.memref_squeeze %dma_wait3A_211 : memref<1x128x80xf32, #tpu.memory_space<vmem>> -> memref<128x80xf32, #tpu.memory_space<vmem>>
        %dma_wait3A_213 = arith.constant 0 : i32
        %dma_wait3A_214 = tpu.memref_slice %arg8[%sub3A_207, %dma_wait3A_213] : memref<160x128xi32, #tpu.memory_space<vmem>> -> memref<1x128xi32, #tpu.memory_space<vmem>>
        %dma_wait3A_215 = tpu.memref_squeeze %dma_wait3A_214 : memref<1x128xi32, #tpu.memory_space<vmem>> -> memref<128xi32, #tpu.memory_space<vmem>>
        %dma_wait3A_216 = arith.constant 0 : i32
        %dma_wait3A_217 = arith.constant 0 : i32
        %dma_wait3A_218 = tpu.memref_slice %arg10[%dma_wait3A_216, %dma_wait3A_217] : memref<10000x80xf32, #tpu.memory_space<vmem_shared>> -> memref<10000x80xf32, #tpu.memory_space<vmem_shared>>
        tpu.wait_indirect_dma semaphore(%arg12 : memref<!tpu.dma_semaphore, #tpu.memory_space<semaphore_mem>>) src(%dma_wait3A_212 : memref<128x80xf32, #tpu.memory_space<vmem>>) dst(%dma_wait3A_218 : memref<10000x80xf32, #tpu.memory_space<vmem_shared>>)
      } else {
      }
      %add3A_178 = arith.constant 1 : i32
      %add3A_179 = arith.addi %add3A_172, %add3A_178 : i32
      %lt3A_180 = arith.constant 160 : i32
      %lt3A_181 = arith.cmpi slt, %add3A_179, %lt3A_180 : i32
      %convert_element_type3A_182 = arith.extui %lt3A_181 : i1 to i32
      %cond3A_183 = arith.constant 0 : i32
      %cond3A_184 = arith.cmpi ne, %convert_element_type3A_182, %cond3A_183 : i32
      scf.if %cond3A_184 {
        %add3A_207 = arith.constant 1 : i32
        %add3A_208 = arith.addi %add3A_172, %add3A_207 : i32
        %dma_start3A_209 = arith.constant 0 : i32
        %dma_start3A_210 = arith.constant 0 : i32
        %dma_start3A_211 = arith.constant 0 : i32
        %dma_start3A_212 = tpu.memref_slice %arg9[%dma_start3A_209, %dma_start3A_210, %dma_start3A_211] : memref<3x128x80xf32, #tpu.memory_space<vmem>> -> memref<1x128x80xf32, #tpu.memory_space<vmem>>
        %dma_start3A_213 = tpu.memref_squeeze %dma_start3A_212 : memref<1x128x80xf32, #tpu.memory_space<vmem>> -> memref<128x80xf32, #tpu.memory_space<vmem>>
        %dma_start3A_214 = arith.constant 0 : i32
        %dma_start3A_215 = tpu.memref_slice %arg7[%add3A_208, %dma_start3A_214] : memref<160x128xi32, #tpu.memory_space<vmem>> -> memref<1x128xi32, #tpu.memory_space<vmem>>
        %dma_start3A_216 = tpu.memref_squeeze %dma_start3A_215 : memref<1x128xi32, #tpu.memory_space<vmem>> -> memref<128xi32, #tpu.memory_space<vmem>>
        %dma_start3A_217 = arith.constant 0 : i32
        %dma_start3A_218 = arith.constant 0 : i32
        %dma_start3A_219 = tpu.memref_slice %arg2[%dma_start3A_217, %dma_start3A_218] : memref<20002x80xf32, #tpu.memory_space<hbm>> -> memref<20002x80xf32, #tpu.memory_space<hbm>>
        tpu.enqueue_indirect_dma source(%dma_start3A_219 : memref<20002x80xf32, #tpu.memory_space<hbm>>) target(%dma_start3A_213 : memref<128x80xf32, #tpu.memory_space<vmem>>) offsets(%dma_start3A_216 : memref<128xi32, #tpu.memory_space<vmem>>) semaphore(%arg11 : memref<!tpu.dma_semaphore, #tpu.memory_space<semaphore_mem>>)
      } else {
      }
      %dma_wait3A_185 = arith.constant 2 : i32
      %dma_wait3A_186 = arith.constant 0 : i32
      %dma_wait3A_187 = arith.constant 0 : i32
      %dma_wait3A_188 = tpu.memref_slice %arg9[%dma_wait3A_185, %dma_wait3A_186, %dma_wait3A_187] : memref<3x128x80xf32, #tpu.memory_space<vmem>> -> memref<1x128x80xf32, #tpu.memory_space<vmem>>
      %dma_wait3A_189 = tpu.memref_squeeze %dma_wait3A_188 : memref<1x128x80xf32, #tpu.memory_space<vmem>> -> memref<128x80xf32, #tpu.memory_space<vmem>>
      %dma_wait3A_190 = arith.constant 0 : i32
      %dma_wait3A_191 = tpu.memref_slice %arg7[%add3A_172, %dma_wait3A_190] : memref<160x128xi32, #tpu.memory_space<vmem>> -> memref<1x128xi32, #tpu.memory_space<vmem>>
      %dma_wait3A_192 = tpu.memref_squeeze %dma_wait3A_191 : memref<1x128xi32, #tpu.memory_space<vmem>> -> memref<128xi32, #tpu.memory_space<vmem>>
      %dma_wait3A_193 = arith.constant 0 : i32
      %dma_wait3A_194 = arith.constant 0 : i32
      %dma_wait3A_195 = tpu.memref_slice %arg2[%dma_wait3A_193, %dma_wait3A_194] : memref<20002x80xf32, #tpu.memory_space<hbm>> -> memref<20002x80xf32, #tpu.memory_space<hbm>>
      tpu.wait_indirect_dma semaphore(%arg11 : memref<!tpu.dma_semaphore, #tpu.memory_space<semaphore_mem>>) src(%dma_wait3A_195 : memref<20002x80xf32, #tpu.memory_space<hbm>>) dst(%dma_wait3A_189 : memref<128x80xf32, #tpu.memory_space<vmem>>)
      %dma_start3A_196 = arith.constant 2 : i32
      %dma_start3A_197 = arith.constant 0 : i32
      %dma_start3A_198 = arith.constant 0 : i32
      %dma_start3A_199 = tpu.memref_slice %arg9[%dma_start3A_196, %dma_start3A_197, %dma_start3A_198] : memref<3x128x80xf32, #tpu.memory_space<vmem>> -> memref<1x128x80xf32, #tpu.memory_space<vmem>>
      %dma_start3A_200 = tpu.memref_squeeze %dma_start3A_199 : memref<1x128x80xf32, #tpu.memory_space<vmem>> -> memref<128x80xf32, #tpu.memory_space<vmem>>
      %dma_start3A_201 = arith.constant 0 : i32
      %dma_start3A_202 = tpu.memref_slice %arg8[%add3A_172, %dma_start3A_201] : memref<160x128xi32, #tpu.memory_space<vmem>> -> memref<1x128xi32, #tpu.memory_space<vmem>>
      %dma_start3A_203 = tpu.memref_squeeze %dma_start3A_202 : memref<1x128xi32, #tpu.memory_space<vmem>> -> memref<128xi32, #tpu.memory_space<vmem>>
      %dma_start3A_204 = arith.constant 0 : i32
      %dma_start3A_205 = arith.constant 0 : i32
      %dma_start3A_206 = tpu.memref_slice %arg10[%dma_start3A_204, %dma_start3A_205] : memref<10000x80xf32, #tpu.memory_space<vmem_shared>> -> memref<10000x80xf32, #tpu.memory_space<vmem_shared>>
      tpu.enqueue_indirect_dma source(%dma_start3A_200 : memref<128x80xf32, #tpu.memory_space<vmem>>) target(%dma_start3A_206 : memref<10000x80xf32, #tpu.memory_space<vmem_shared>>) offsets(%dma_start3A_203 : memref<128xi32, #tpu.memory_space<vmem>>) semaphore(%arg12 : memref<!tpu.dma_semaphore, #tpu.memory_space<semaphore_mem>>) {add = true}
    }
    %scan3A_22 = arith.constant 53 : i32
    %dma_wait3A = arith.constant 1 : i32
    %dma_wait3A_23 = arith.constant 157 : i32
    %dma_wait3A_24 = arith.constant 0 : i32
    %dma_wait3A_25 = arith.constant 0 : i32
    %dma_wait3A_26 = tpu.memref_slice %arg9[%dma_wait3A, %dma_wait3A_24, %dma_wait3A_25] : memref<3x128x80xf32, #tpu.memory_space<vmem>> -> memref<1x128x80xf32, #tpu.memory_space<vmem>>
    %dma_wait3A_27 = tpu.memref_squeeze %dma_wait3A_26 : memref<1x128x80xf32, #tpu.memory_space<vmem>> -> memref<128x80xf32, #tpu.memory_space<vmem>>
    %dma_wait3A_28 = arith.constant 0 : i32
    %dma_wait3A_29 = tpu.memref_slice %arg8[%dma_wait3A_23, %dma_wait3A_28] : memref<160x128xi32, #tpu.memory_space<vmem>> -> memref<1x128xi32, #tpu.memory_space<vmem>>
    %dma_wait3A_30 = tpu.memref_squeeze %dma_wait3A_29 : memref<1x128xi32, #tpu.memory_space<vmem>> -> memref<128xi32, #tpu.memory_space<vmem>>
    %dma_wait3A_31 = arith.constant 0 : i32
    %dma_wait3A_32 = arith.constant 0 : i32
    %dma_wait3A_33 = tpu.memref_slice %arg10[%dma_wait3A_31, %dma_wait3A_32] : memref<10000x80xf32, #tpu.memory_space<vmem_shared>> -> memref<10000x80xf32, #tpu.memory_space<vmem_shared>>
    tpu.wait_indirect_dma semaphore(%arg12 : memref<!tpu.dma_semaphore, #tpu.memory_space<semaphore_mem>>) src(%dma_wait3A_27 : memref<128x80xf32, #tpu.memory_space<vmem>>) dst(%dma_wait3A_33 : memref<10000x80xf32, #tpu.memory_space<vmem_shared>>)
    %dma_wait3A_34 = arith.constant 159 : i32
    %dma_wait3A_35 = arith.constant 0 : i32
    %dma_wait3A_36 = arith.constant 0 : i32
    %dma_wait3A_37 = arith.constant 0 : i32
    %dma_wait3A_38 = tpu.memref_slice %arg9[%dma_wait3A_35, %dma_wait3A_36, %dma_wait3A_37] : memref<3x128x80xf32, #tpu.memory_space<vmem>> -> memref<1x128x80xf32, #tpu.memory_space<vmem>>
    %dma_wait3A_39 = tpu.memref_squeeze %dma_wait3A_38 : memref<1x128x80xf32, #tpu.memory_space<vmem>> -> memref<128x80xf32, #tpu.memory_space<vmem>>
    %dma_wait3A_40 = arith.constant 0 : i32
    %dma_wait3A_41 = tpu.memref_slice %arg7[%dma_wait3A_34, %dma_wait3A_40] : memref<160x128xi32, #tpu.memory_space<vmem>> -> memref<1x128xi32, #tpu.memory_space<vmem>>
    %dma_wait3A_42 = tpu.memref_squeeze %dma_wait3A_41 : memref<1x128xi32, #tpu.memory_space<vmem>> -> memref<128xi32, #tpu.memory_space<vmem>>
    %dma_wait3A_43 = arith.constant 0 : i32
    %dma_wait3A_44 = arith.constant 0 : i32
    %dma_wait3A_45 = tpu.memref_slice %arg2[%dma_wait3A_43, %dma_wait3A_44] : memref<20002x80xf32, #tpu.memory_space<hbm>> -> memref<20002x80xf32, #tpu.memory_space<hbm>>
    tpu.wait_indirect_dma semaphore(%arg11 : memref<!tpu.dma_semaphore, #tpu.memory_space<semaphore_mem>>) src(%dma_wait3A_45 : memref<20002x80xf32, #tpu.memory_space<hbm>>) dst(%dma_wait3A_39 : memref<128x80xf32, #tpu.memory_space<vmem>>)
    %dma_start3A_46 = arith.constant 0 : i32
    %dma_start3A_47 = arith.constant 159 : i32
    %dma_start3A_48 = arith.constant 0 : i32
    %dma_start3A_49 = arith.constant 0 : i32
    %dma_start3A_50 = tpu.memref_slice %arg9[%dma_start3A_46, %dma_start3A_48, %dma_start3A_49] : memref<3x128x80xf32, #tpu.memory_space<vmem>> -> memref<1x128x80xf32, #tpu.memory_space<vmem>>
    %dma_start3A_51 = tpu.memref_squeeze %dma_start3A_50 : memref<1x128x80xf32, #tpu.memory_space<vmem>> -> memref<128x80xf32, #tpu.memory_space<vmem>>
    %dma_start3A_52 = arith.constant 0 : i32
    %dma_start3A_53 = tpu.memref_slice %arg8[%dma_start3A_47, %dma_start3A_52] : memref<160x128xi32, #tpu.memory_space<vmem>> -> memref<1x128xi32, #tpu.memory_space<vmem>>
    %dma_start3A_54 = tpu.memref_squeeze %dma_start3A_53 : memref<1x128xi32, #tpu.memory_space<vmem>> -> memref<128xi32, #tpu.memory_space<vmem>>
    %dma_start3A_55 = arith.constant 0 : i32
    %dma_start3A_56 = arith.constant 0 : i32
    %dma_start3A_57 = tpu.memref_slice %arg10[%dma_start3A_55, %dma_start3A_56] : memref<10000x80xf32, #tpu.memory_space<vmem_shared>> -> memref<10000x80xf32, #tpu.memory_space<vmem_shared>>
    tpu.enqueue_indirect_dma source(%dma_start3A_51 : memref<128x80xf32, #tpu.memory_space<vmem>>) target(%dma_start3A_57 : memref<10000x80xf32, #tpu.memory_space<vmem_shared>>) offsets(%dma_start3A_54 : memref<128xi32, #tpu.memory_space<vmem>>) semaphore(%arg12 : memref<!tpu.dma_semaphore, #tpu.memory_space<semaphore_mem>>) {add = true}
    %dma_wait3A_58 = arith.constant 2 : i32
    %dma_wait3A_59 = arith.constant 158 : i32
    %dma_wait3A_60 = arith.constant 0 : i32
    %dma_wait3A_61 = arith.constant 0 : i32
    %dma_wait3A_62 = tpu.memref_slice %arg9[%dma_wait3A_58, %dma_wait3A_60, %dma_wait3A_61] : memref<3x128x80xf32, #tpu.memory_space<vmem>> -> memref<1x128x80xf32, #tpu.memory_space<vmem>>
    %dma_wait3A_63 = tpu.memref_squeeze %dma_wait3A_62 : memref<1x128x80xf32, #tpu.memory_space<vmem>> -> memref<128x80xf32, #tpu.memory_space<vmem>>
    %dma_wait3A_64 = arith.constant 0 : i32
    %dma_wait3A_65 = tpu.memref_slice %arg8[%dma_wait3A_59, %dma_wait3A_64] : memref<160x128xi32, #tpu.memory_space<vmem>> -> memref<1x128xi32, #tpu.memory_space<vmem>>
    %dma_wait3A_66 = tpu.memref_squeeze %dma_wait3A_65 : memref<1x128xi32, #tpu.memory_space<vmem>> -> memref<128xi32, #tpu.memory_space<vmem>>
    %dma_wait3A_67 = arith.constant 0 : i32
    %dma_wait3A_68 = arith.constant 0 : i32
    %dma_wait3A_69 = tpu.memref_slice %arg10[%dma_wait3A_67, %dma_wait3A_68] : memref<10000x80xf32, #tpu.memory_space<vmem_shared>> -> memref<10000x80xf32, #tpu.memory_space<vmem_shared>>
    tpu.wait_indirect_dma semaphore(%arg12 : memref<!tpu.dma_semaphore, #tpu.memory_space<semaphore_mem>>) src(%dma_wait3A_63 : memref<128x80xf32, #tpu.memory_space<vmem>>) dst(%dma_wait3A_69 : memref<10000x80xf32, #tpu.memory_space<vmem_shared>>)
    %dma_wait3A_70 = arith.constant 0 : i32
    %dma_wait3A_71 = arith.constant 159 : i32
    %dma_wait3A_72 = arith.constant 0 : i32
    %dma_wait3A_73 = arith.constant 0 : i32
    %dma_wait3A_74 = tpu.memref_slice %arg9[%dma_wait3A_70, %dma_wait3A_72, %dma_wait3A_73] : memref<3x128x80xf32, #tpu.memory_space<vmem>> -> memref<1x128x80xf32, #tpu.memory_space<vmem>>
    %dma_wait3A_75 = tpu.memref_squeeze %dma_wait3A_74 : memref<1x128x80xf32, #tpu.memory_space<vmem>> -> memref<128x80xf32, #tpu.memory_space<vmem>>
    %dma_wait3A_76 = arith.constant 0 : i32
    %dma_wait3A_77 = tpu.memref_slice %arg8[%dma_wait3A_71, %dma_wait3A_76] : memref<160x128xi32, #tpu.memory_space<vmem>> -> memref<1x128xi32, #tpu.memory_space<vmem>>
    %dma_wait3A_78 = tpu.memref_squeeze %dma_wait3A_77 : memref<1x128xi32, #tpu.memory_space<vmem>> -> memref<128xi32, #tpu.memory_space<vmem>>
    %dma_wait3A_79 = arith.constant 0 : i32
    %dma_wait3A_80 = arith.constant 0 : i32
    %dma_wait3A_81 = tpu.memref_slice %arg10[%dma_wait3A_79, %dma_wait3A_80] : memref<10000x80xf32, #tpu.memory_space<vmem_shared>> -> memref<10000x80xf32, #tpu.memory_space<vmem_shared>>
    tpu.wait_indirect_dma semaphore(%arg12 : memref<!tpu.dma_semaphore, #tpu.memory_space<semaphore_mem>>) src(%dma_wait3A_75 : memref<128x80xf32, #tpu.memory_space<vmem>>) dst(%dma_wait3A_81 : memref<10000x80xf32, #tpu.memory_space<vmem_shared>>)
    %barrier3A_82 = arith.constant 0 : index
    tpu.barrier barrier_id(%barrier3A_82)
    %lt3A_83 = arith.constant 15 : i32
    %lt3A_84 = arith.cmpi slt, %arg1, %lt3A_83 : i32
    %convert_element_type3A_85 = arith.extui %lt3A_84 : i1 to i32
    %cond3A_86 = arith.constant 0 : i32
    %cond3A_87 = arith.cmpi ne, %convert_element_type3A_85, %cond3A_86 : i32
    scf.if %cond3A_87 {
      %mul3A_93 = arith.constant 632 : i32
      %mul3A_94 = arith.muli %arg1, %mul3A_93 : i32
      %mul3A_95 = arith.constant 632 : i32
      %mul3A_96 = arith.muli %arg1, %mul3A_95 : i32
      "tpu.region"() ({
        %run_scoped3A = tpu.sem_alloc : memref<!tpu.dma_semaphore, #tpu.memory_space<semaphore_mem>>
        %dma_start3A_97 = arith.constant 0 : i32
        %dma_start3A_98 = tpu.memref_slice %arg6[%arg0, %mul3A_96, %dma_start3A_97] : memref<2x10000x80xf32, #tpu.memory_space<hbm>> -> memref<1x632x80xf32, #tpu.memory_space<hbm>>
        %dma_start3A_99 = tpu.memref_squeeze %dma_start3A_98 : memref<1x632x80xf32, #tpu.memory_space<hbm>> -> memref<632x80xf32, #tpu.memory_space<hbm>>
        %dma_start3A_100 = arith.constant 0 : i32
        %dma_start3A_101 = tpu.memref_slice %arg10[%mul3A_94, %dma_start3A_100] : memref<10000x80xf32, #tpu.memory_space<vmem_shared>> -> memref<632x80xf32, #tpu.memory_space<vmem_shared>>
        tpu.enqueue_dma source(%dma_start3A_101 : memref<632x80xf32, #tpu.memory_space<vmem_shared>>) target(%dma_start3A_99 : memref<632x80xf32, #tpu.memory_space<hbm>>) target_semaphore(%run_scoped3A : memref<!tpu.dma_semaphore, #tpu.memory_space<semaphore_mem>>)
        %dma_wait3A_102 = arith.constant 0 : i32
        %dma_wait3A_103 = tpu.memref_slice %arg6[%arg0, %mul3A_96, %dma_wait3A_102] : memref<2x10000x80xf32, #tpu.memory_space<hbm>> -> memref<1x632x80xf32, #tpu.memory_space<hbm>>
        %dma_wait3A_104 = tpu.memref_squeeze %dma_wait3A_103 : memref<1x632x80xf32, #tpu.memory_space<hbm>> -> memref<632x80xf32, #tpu.memory_space<hbm>>
        %dma_wait3A_105 = arith.constant 0 : i32
        %dma_wait3A_106 = tpu.memref_slice %arg10[%mul3A_94, %dma_wait3A_105] : memref<10000x80xf32, #tpu.memory_space<vmem_shared>> -> memref<632x80xf32, #tpu.memory_space<vmem_shared>>
        tpu.wait_dma2 semaphore(%run_scoped3A : memref<!tpu.dma_semaphore, #tpu.memory_space<semaphore_mem>>) src(%dma_wait3A_106 : memref<632x80xf32, #tpu.memory_space<vmem_shared>>) dst(%dma_wait3A_104 : memref<632x80xf32, #tpu.memory_space<hbm>>)
        tpu.yield
      }) : () -> ()
    } else {
    }
    %eq3A_88 = arith.constant 15 : i32
    %eq3A_89 = arith.cmpi eq, %arg1, %eq3A_88 : i32
    %convert_element_type3A_90 = arith.extui %eq3A_89 : i1 to i32
    %cond3A_91 = arith.constant 0 : i32
    %cond3A_92 = arith.cmpi ne, %convert_element_type3A_90, %cond3A_91 : i32
    scf.if %cond3A_92 {
      %mul3A_93 = arith.constant 632 : i32
      %mul3A_94 = arith.muli %arg1, %mul3A_93 : i32
      %mul3A_95 = arith.constant 632 : i32
      %mul3A_96 = arith.muli %arg1, %mul3A_95 : i32
      "tpu.region"() ({
        %run_scoped3A = tpu.sem_alloc : memref<!tpu.dma_semaphore, #tpu.memory_space<semaphore_mem>>
        %dma_start3A_97 = arith.constant 0 : i32
        %dma_start3A_98 = tpu.memref_slice %arg6[%arg0, %mul3A_96, %dma_start3A_97] : memref<2x10000x80xf32, #tpu.memory_space<hbm>> -> memref<1x520x80xf32, #tpu.memory_space<hbm>>
        %dma_start3A_99 = tpu.memref_squeeze %dma_start3A_98 : memref<1x520x80xf32, #tpu.memory_space<hbm>> -> memref<520x80xf32, #tpu.memory_space<hbm>>
        %dma_start3A_100 = arith.constant 0 : i32
        %dma_start3A_101 = tpu.memref_slice %arg10[%mul3A_94, %dma_start3A_100] : memref<10000x80xf32, #tpu.memory_space<vmem_shared>> -> memref<520x80xf32, #tpu.memory_space<vmem_shared>>
        tpu.enqueue_dma source(%dma_start3A_101 : memref<520x80xf32, #tpu.memory_space<vmem_shared>>) target(%dma_start3A_99 : memref<520x80xf32, #tpu.memory_space<hbm>>) target_semaphore(%run_scoped3A : memref<!tpu.dma_semaphore, #tpu.memory_space<semaphore_mem>>)
        %dma_wait3A_102 = arith.constant 0 : i32
        %dma_wait3A_103 = tpu.memref_slice %arg6[%arg0, %mul3A_96, %dma_wait3A_102] : memref<2x10000x80xf32, #tpu.memory_space<hbm>> -> memref<1x520x80xf32, #tpu.memory_space<hbm>>
        %dma_wait3A_104 = tpu.memref_squeeze %dma_wait3A_103 : memref<1x520x80xf32, #tpu.memory_space<hbm>> -> memref<520x80xf32, #tpu.memory_space<hbm>>
        %dma_wait3A_105 = arith.constant 0 : i32
        %dma_wait3A_106 = tpu.memref_slice %arg10[%mul3A_94, %dma_wait3A_105] : memref<10000x80xf32, #tpu.memory_space<vmem_shared>> -> memref<520x80xf32, #tpu.memory_space<vmem_shared>>
        tpu.wait_dma2 semaphore(%run_scoped3A : memref<!tpu.dma_semaphore, #tpu.memory_space<semaphore_mem>>) src(%dma_wait3A_106 : memref<520x80xf32, #tpu.memory_space<vmem_shared>>) dst(%dma_wait3A_104 : memref<520x80xf32, #tpu.memory_space<hbm>>)
        tpu.yield
      }) : () -> ()
    } else {
    }
    return
  }
}

module attributes {stable_mosaic.version = 14 : i64} {
  func.func @_tc_layer1_body(%arg0: i32, %arg1: i32, %arg2: memref<1x1000x80xf32, #tpu.memory_space<vmem>>, %arg3: memref<1x1000x64xf32, #tpu.memory_space<vmem>>, %arg4: memref<1x1000x128xf32, #tpu.memory_space<vmem>>, %arg5: memref<1x128x128xf32, #tpu.memory_space<vmem>>, %arg6: memref<1x128x128xf32, #tpu.memory_space<vmem>>, %arg7: memref<1x1x128xf32, #tpu.memory_space<vmem>>, %arg8: memref<1x1000x128xf32, #tpu.memory_space<vmem>>, %arg9: memref<1x1000x1xf32, #tpu.memory_space<vmem>>) attributes {dimension_semantics = [#tpu.dimension_semantics<arbitrary>, #tpu.dimension_semantics<arbitrary>], iteration_bounds = array<i64: 2, 10>, scalar_prefetch = 0 : i64, scratch_operands = 0 : i64, tpu.core_type = #tpu.core_type<tc>, window_params = [{transform_indices = @transform_0, window_bounds = array<i64: 1, 1000, 80>}, {transform_indices = @transform_1, window_bounds = array<i64: 1, 1000, 64>}, {transform_indices = @transform_2, window_bounds = array<i64: 1, 1000, 128>}, {transform_indices = @transform_3, window_bounds = array<i64: 1, 128, 128>}, {transform_indices = @transform_4, window_bounds = array<i64: 1, 128, 128>}, {transform_indices = @transform_5, window_bounds = array<i64: 1, 1, 128>}, {transform_indices = @transform_6, window_bounds = array<i64: 1, 1000, 128>}, {transform_indices = @transform_7, window_bounds = array<i64: 1, 1000, 1>}]} {
    %get3A = arith.constant 0 : index
    %get3A_0 = arith.constant 0 : index
    %get3A_1 = arith.constant 0 : index
    %get3A_2 = vector.load %arg2[%get3A, %get3A_0, %get3A_1] : memref<1x1000x80xf32, #tpu.memory_space<vmem>>, vector<1x1000x80xf32>
    %get3A_3 = vector.shape_cast %get3A_2 : vector<1x1000x80xf32> to vector<1000x80xf32>
    %get3A_4 = arith.constant 0 : index
    %get3A_5 = arith.constant 0 : index
    %get3A_6 = arith.constant 0 : index
    %get3A_7 = vector.load %arg3[%get3A_4, %get3A_5, %get3A_6] : memref<1x1000x64xf32, #tpu.memory_space<vmem>>, vector<1x1000x48xf32>
    %get3A_8 = vector.shape_cast %get3A_7 : vector<1x1000x48xf32> to vector<1000x48xf32>
    %concatenate3A = tpu.concatenate %get3A_3, %get3A_8 in 1 : vector<1000x80xf32>, vector<1000x48xf32> -> vector<1000x128xf32>
    %get3A_9 = arith.constant 0 : index
    %get3A_10 = arith.constant 0 : index
    %get3A_11 = arith.constant 48 : index
    %get3A_12 = vector.load %arg3[%get3A_9, %get3A_10, %get3A_11] : memref<1x1000x64xf32, #tpu.memory_space<vmem>>, vector<1x1000x16xf32>
    %get3A_13 = vector.shape_cast %get3A_12 : vector<1x1000x16xf32> to vector<1000x16xf32>
    %reduce_sum3A = arith.constant dense<0.000000e+00> : vector<1000xf32>
    %reduce_sum3A_14 = vector.multi_reduction <add>, %get3A_13, %reduce_sum3A [1] : vector<1000x16xf32> to vector<1000xf32>
    %broadcast_in_dim3A = vector.shape_cast %reduce_sum3A_14 : vector<1000xf32> to vector<1000x1xf32>
    %max3A = arith.constant 1.000000e+00 : f32
    %max3A_15 = vector.broadcast %max3A : f32 to vector<1000x1xf32>
    %max3A_16 = arith.maximumf %broadcast_in_dim3A, %max3A_15 : vector<1000x1xf32>
    %div3A = arith.constant 1.000000e+00 : f32
    %div3A_17 = vector.broadcast %div3A : f32 to vector<1000x1xf32>
    %div3A_18 = arith.divf %div3A_17, %max3A_16 : vector<1000x1xf32>
    %mul3A = vector.broadcast %div3A_18 : vector<1000x1xf32> to vector<1000x128xf32>
    %mul3A_19 = arith.mulf %concatenate3A, %mul3A : vector<1000x128xf32>
    %get3A_20 = arith.constant 0 : index
    %get3A_21 = arith.constant 0 : index
    %get3A_22 = arith.constant 0 : index
    %get3A_23 = vector.load %arg5[%get3A_20, %get3A_21, %get3A_22] : memref<1x128x128xf32, #tpu.memory_space<vmem>>, vector<1x128x128xf32>
    %get3A_24 = vector.shape_cast %get3A_23 : vector<1x128x128xf32> to vector<128x128xf32>
    %dot_general3A = arith.constant dense<0.000000e+00> : vector<1000x128xf32>
    %dot_general3A_25 = tpu.matmul %mul3A_19, %get3A_24, %dot_general3A {dimension_numbers = #tpu.dot_dimension_numbers<[1], [0], [0], [1], [0, 0, 1, 1], [], []>, transpose_lhs_hint = false} : vector<1000x128xf32>, vector<128x128xf32>, vector<1000x128xf32> -> vector<1000x128xf32>
    %get3A_26 = arith.constant 0 : index
    %get3A_27 = arith.constant 0 : index
    %get3A_28 = arith.constant 0 : index
    %get3A_29 = vector.load %arg4[%get3A_26, %get3A_27, %get3A_28] : memref<1x1000x128xf32, #tpu.memory_space<vmem>>, vector<1x1000x128xf32>
    %get3A_30 = vector.shape_cast %get3A_29 : vector<1x1000x128xf32> to vector<1000x128xf32>
    %get3A_31 = arith.constant 0 : index
    %get3A_32 = arith.constant 0 : index
    %get3A_33 = arith.constant 0 : index
    %get3A_34 = vector.load %arg6[%get3A_31, %get3A_32, %get3A_33] : memref<1x128x128xf32, #tpu.memory_space<vmem>>, vector<1x128x128xf32>
    %get3A_35 = vector.shape_cast %get3A_34 : vector<1x128x128xf32> to vector<128x128xf32>
    %dot_general3A_36 = arith.constant dense<0.000000e+00> : vector<1000x128xf32>
    %dot_general3A_37 = tpu.matmul %get3A_30, %get3A_35, %dot_general3A_36 {dimension_numbers = #tpu.dot_dimension_numbers<[1], [0], [0], [1], [0, 0, 1, 1], [], []>, transpose_lhs_hint = false} : vector<1000x128xf32>, vector<128x128xf32>, vector<1000x128xf32> -> vector<1000x128xf32>
    %add3A = arith.addf %dot_general3A_25, %dot_general3A_37 : vector<1000x128xf32>
    %get3A_38 = arith.constant 0 : index
    %get3A_39 = arith.constant 0 : index
    %get3A_40 = arith.constant 0 : index
    %get3A_41 = vector.load %arg7[%get3A_38, %get3A_39, %get3A_40] : memref<1x1x128xf32, #tpu.memory_space<vmem>>, vector<1x1x128xf32>
    %get3A_42 = vector.shape_cast %get3A_41 : vector<1x1x128xf32> to vector<1x128xf32>
    %add3A_43 = vector.broadcast %get3A_42 : vector<1x128xf32> to vector<1000x128xf32>
    %add3A_44 = arith.addf %add3A, %add3A_43 : vector<1000x128xf32>
    %tanh3A = math.tanh %add3A_44 : vector<1000x128xf32>
    %swap3A = arith.constant 0 : index
    %swap3A_45 = arith.constant 0 : index
    %swap3A_46 = arith.constant 0 : index
    %swap3A_47 = vector.load %arg8[%swap3A, %swap3A_45, %swap3A_46] : memref<1x1000x128xf32, #tpu.memory_space<vmem>>, vector<1x1000x128xf32>
    %swap3A_48 = vector.shape_cast %swap3A_47 : vector<1x1000x128xf32> to vector<1000x128xf32>
    %swap3A_49 = vector.shape_cast %tanh3A : vector<1000x128xf32> to vector<1x1000x128xf32>
    tpu.vector_store %arg8[%swap3A, %swap3A_45, %swap3A_46], %swap3A_49 {strides = array<i32>} : memref<1x1000x128xf32, #tpu.memory_space<vmem>>, vector<1x1000x128xf32>,
    %swap3A_50 = arith.constant 0 : index
    %swap3A_51 = arith.constant 0 : index
    %swap3A_52 = arith.constant 0 : index
    %swap3A_53 = vector.load %arg9[%swap3A_50, %swap3A_51, %swap3A_52] : memref<1x1000x1xf32, #tpu.memory_space<vmem>>, vector<1x1000x1xf32>
    %swap3A_54 = vector.shape_cast %swap3A_53 : vector<1x1000x1xf32> to vector<1000x1xf32>
    %swap3A_55 = vector.shape_cast %div3A_18 : vector<1000x1xf32> to vector<1x1000x1xf32>
    tpu.vector_store %arg9[%swap3A_50, %swap3A_51, %swap3A_52], %swap3A_55 {strides = array<i32>} : memref<1x1000x1xf32, #tpu.memory_space<vmem>>, vector<1x1000x1xf32>,
    return
  }
  func.func @transform_0(%arg0: i32, %arg1: i32) -> (i32, i32, i32) {
    %c0_i32 = arith.constant 0 : i32
    %c0_i32_0 = arith.constant 0 : i32
    return %arg0, %arg1, %c0_i32 : i32, i32, i32
  }
  func.func @transform_1(%arg0: i32, %arg1: i32) -> (i32, i32, i32) {
    %c0_i32 = arith.constant 0 : i32
    %c0_i32_0 = arith.constant 0 : i32
    return %arg0, %arg1, %c0_i32 : i32, i32, i32
  }
  func.func @transform_2(%arg0: i32, %arg1: i32) -> (i32, i32, i32) {
    %c0_i32 = arith.constant 0 : i32
    %c0_i32_0 = arith.constant 0 : i32
    return %arg0, %arg1, %c0_i32 : i32, i32, i32
  }
  func.func @transform_3(%arg0: i32, %arg1: i32) -> (i32, i32, i32) {
    %c0_i32 = arith.constant 0 : i32
    %c0_i32_0 = arith.constant 0 : i32
    %c0_i32_1 = arith.constant 0 : i32
    return %arg0, %c0_i32, %c0_i32_0 : i32, i32, i32
  }
  func.func @transform_4(%arg0: i32, %arg1: i32) -> (i32, i32, i32) {
    %c0_i32 = arith.constant 0 : i32
    %c0_i32_0 = arith.constant 0 : i32
    %c0_i32_1 = arith.constant 0 : i32
    return %arg0, %c0_i32, %c0_i32_0 : i32, i32, i32
  }
  func.func @transform_5(%arg0: i32, %arg1: i32) -> (i32, i32, i32) {
    %c0_i32 = arith.constant 0 : i32
    %c0_i32_0 = arith.constant 0 : i32
    %c0_i32_1 = arith.constant 0 : i32
    return %arg0, %c0_i32, %c0_i32_0 : i32, i32, i32
  }
  func.func @transform_6(%arg0: i32, %arg1: i32) -> (i32, i32, i32) {
    %c0_i32 = arith.constant 0 : i32
    %c0_i32_0 = arith.constant 0 : i32
    return %arg0, %arg1, %c0_i32 : i32, i32, i32
  }
  func.func @transform_7(%arg0: i32, %arg1: i32) -> (i32, i32, i32) {
    %c0_i32 = arith.constant 0 : i32
    %c0_i32_0 = arith.constant 0 : i32
    return %arg0, %arg1, %c0_i32 : i32, i32, i32
  }
}

module attributes {stable_mosaic.version = 14 : i64} {
  func.func @_tc_layer2_body(%arg0: i32, %arg1: i32, %arg2: memref<1x1000x80xf32, #tpu.memory_space<vmem>>, %arg3: memref<1x1000x64xf32, #tpu.memory_space<vmem>>, %arg4: memref<1x1000x128xf32, #tpu.memory_space<vmem>>, %arg5: memref<1x1000x1xf32, #tpu.memory_space<vmem>>, %arg6: memref<1x128x128xf32, #tpu.memory_space<vmem>>, %arg7: memref<1x128x128xf32, #tpu.memory_space<vmem>>, %arg8: memref<1x1x128xf32, #tpu.memory_space<vmem>>, %arg9: memref<1x1000x128xf32, #tpu.memory_space<vmem>>) attributes {dimension_semantics = [#tpu.dimension_semantics<arbitrary>, #tpu.dimension_semantics<arbitrary>], iteration_bounds = array<i64: 2, 10>, scalar_prefetch = 0 : i64, scratch_operands = 0 : i64, tpu.core_type = #tpu.core_type<tc>, window_params = [{transform_indices = @transform_0, window_bounds = array<i64: 1, 1000, 80>}, {transform_indices = @transform_1, window_bounds = array<i64: 1, 1000, 64>}, {transform_indices = @transform_2, window_bounds = array<i64: 1, 1000, 128>}, {transform_indices = @transform_3, window_bounds = array<i64: 1, 1000, 1>}, {transform_indices = @transform_4, window_bounds = array<i64: 1, 128, 128>}, {transform_indices = @transform_5, window_bounds = array<i64: 1, 128, 128>}, {transform_indices = @transform_6, window_bounds = array<i64: 1, 1, 128>}, {transform_indices = @transform_7, window_bounds = array<i64: 1, 1000, 128>}]} {
    %get3A = arith.constant 0 : index
    %get3A_0 = arith.constant 0 : index
    %get3A_1 = arith.constant 0 : index
    %get3A_2 = vector.load %arg2[%get3A, %get3A_0, %get3A_1] : memref<1x1000x80xf32, #tpu.memory_space<vmem>>, vector<1x1000x80xf32>
    %get3A_3 = vector.shape_cast %get3A_2 : vector<1x1000x80xf32> to vector<1000x80xf32>
    %get3A_4 = arith.constant 0 : index
    %get3A_5 = arith.constant 0 : index
    %get3A_6 = arith.constant 0 : index
    %get3A_7 = vector.load %arg3[%get3A_4, %get3A_5, %get3A_6] : memref<1x1000x64xf32, #tpu.memory_space<vmem>>, vector<1x1000x48xf32>
    %get3A_8 = vector.shape_cast %get3A_7 : vector<1x1000x48xf32> to vector<1000x48xf32>
    %concatenate3A = tpu.concatenate %get3A_3, %get3A_8 in 1 : vector<1000x80xf32>, vector<1000x48xf32> -> vector<1000x128xf32>
    %get3A_9 = arith.constant 0 : index
    %get3A_10 = arith.constant 0 : index
    %get3A_11 = arith.constant 0 : index
    %get3A_12 = vector.load %arg5[%get3A_9, %get3A_10, %get3A_11] : memref<1x1000x1xf32, #tpu.memory_space<vmem>>, vector<1x1000x1xf32>
    %get3A_13 = vector.shape_cast %get3A_12 : vector<1x1000x1xf32> to vector<1000x1xf32>
    %mul3A = vector.broadcast %get3A_13 : vector<1000x1xf32> to vector<1000x128xf32>
    %mul3A_14 = arith.mulf %concatenate3A, %mul3A : vector<1000x128xf32>
    %get3A_15 = arith.constant 0 : index
    %get3A_16 = arith.constant 0 : index
    %get3A_17 = arith.constant 0 : index
    %get3A_18 = vector.load %arg6[%get3A_15, %get3A_16, %get3A_17] : memref<1x128x128xf32, #tpu.memory_space<vmem>>, vector<1x128x128xf32>
    %get3A_19 = vector.shape_cast %get3A_18 : vector<1x128x128xf32> to vector<128x128xf32>
    %dot_general3A = arith.constant dense<0.000000e+00> : vector<1000x128xf32>
    %dot_general3A_20 = tpu.matmul %mul3A_14, %get3A_19, %dot_general3A {dimension_numbers = #tpu.dot_dimension_numbers<[1], [0], [0], [1], [0, 0, 1, 1], [], []>, transpose_lhs_hint = false} : vector<1000x128xf32>, vector<128x128xf32>, vector<1000x128xf32> -> vector<1000x128xf32>
    %get3A_21 = arith.constant 0 : index
    %get3A_22 = arith.constant 0 : index
    %get3A_23 = arith.constant 0 : index
    %get3A_24 = vector.load %arg4[%get3A_21, %get3A_22, %get3A_23] : memref<1x1000x128xf32, #tpu.memory_space<vmem>>, vector<1x1000x128xf32>
    %get3A_25 = vector.shape_cast %get3A_24 : vector<1x1000x128xf32> to vector<1000x128xf32>
    %get3A_26 = arith.constant 0 : index
    %get3A_27 = arith.constant 0 : index
    %get3A_28 = arith.constant 0 : index
    %get3A_29 = vector.load %arg7[%get3A_26, %get3A_27, %get3A_28] : memref<1x128x128xf32, #tpu.memory_space<vmem>>, vector<1x128x128xf32>
    %get3A_30 = vector.shape_cast %get3A_29 : vector<1x128x128xf32> to vector<128x128xf32>
    %dot_general3A_31 = arith.constant dense<0.000000e+00> : vector<1000x128xf32>
    %dot_general3A_32 = tpu.matmul %get3A_25, %get3A_30, %dot_general3A_31 {dimension_numbers = #tpu.dot_dimension_numbers<[1], [0], [0], [1], [0, 0, 1, 1], [], []>, transpose_lhs_hint = false} : vector<1000x128xf32>, vector<128x128xf32>, vector<1000x128xf32> -> vector<1000x128xf32>
    %add3A = arith.addf %dot_general3A_20, %dot_general3A_32 : vector<1000x128xf32>
    %get3A_33 = arith.constant 0 : index
    %get3A_34 = arith.constant 0 : index
    %get3A_35 = arith.constant 0 : index
    %get3A_36 = vector.load %arg8[%get3A_33, %get3A_34, %get3A_35] : memref<1x1x128xf32, #tpu.memory_space<vmem>>, vector<1x1x128xf32>
    %get3A_37 = vector.shape_cast %get3A_36 : vector<1x1x128xf32> to vector<1x128xf32>
    %add3A_38 = vector.broadcast %get3A_37 : vector<1x128xf32> to vector<1000x128xf32>
    %add3A_39 = arith.addf %add3A, %add3A_38 : vector<1000x128xf32>
    %tanh3A = math.tanh %add3A_39 : vector<1000x128xf32>
    %swap3A = arith.constant 0 : index
    %swap3A_40 = arith.constant 0 : index
    %swap3A_41 = arith.constant 0 : index
    %swap3A_42 = vector.load %arg9[%swap3A, %swap3A_40, %swap3A_41] : memref<1x1000x128xf32, #tpu.memory_space<vmem>>, vector<1x1000x128xf32>
    %swap3A_43 = vector.shape_cast %swap3A_42 : vector<1x1000x128xf32> to vector<1000x128xf32>
    %swap3A_44 = vector.shape_cast %tanh3A : vector<1000x128xf32> to vector<1x1000x128xf32>
    tpu.vector_store %arg9[%swap3A, %swap3A_40, %swap3A_41], %swap3A_44 {strides = array<i32>} : memref<1x1000x128xf32, #tpu.memory_space<vmem>>, vector<1x1000x128xf32>,
    return
  }
  func.func @transform_0(%arg0: i32, %arg1: i32) -> (i32, i32, i32) {
    %c0_i32 = arith.constant 0 : i32
    %c0_i32_0 = arith.constant 0 : i32
    return %arg0, %arg1, %c0_i32 : i32, i32, i32
  }
  func.func @transform_1(%arg0: i32, %arg1: i32) -> (i32, i32, i32) {
    %c0_i32 = arith.constant 0 : i32
    %c0_i32_0 = arith.constant 0 : i32
    return %arg0, %arg1, %c0_i32 : i32, i32, i32
  }
  func.func @transform_2(%arg0: i32, %arg1: i32) -> (i32, i32, i32) {
    %c0_i32 = arith.constant 0 : i32
    %c0_i32_0 = arith.constant 0 : i32
    return %arg0, %arg1, %c0_i32 : i32, i32, i32
  }
  func.func @transform_3(%arg0: i32, %arg1: i32) -> (i32, i32, i32) {
    %c0_i32 = arith.constant 0 : i32
    %c0_i32_0 = arith.constant 0 : i32
    return %arg0, %arg1, %c0_i32 : i32, i32, i32
  }
  func.func @transform_4(%arg0: i32, %arg1: i32) -> (i32, i32, i32) {
    %c0_i32 = arith.constant 0 : i32
    %c0_i32_0 = arith.constant 0 : i32
    %c0_i32_1 = arith.constant 0 : i32
    return %arg0, %c0_i32, %c0_i32_0 : i32, i32, i32
  }
  func.func @transform_5(%arg0: i32, %arg1: i32) -> (i32, i32, i32) {
    %c0_i32 = arith.constant 0 : i32
    %c0_i32_0 = arith.constant 0 : i32
    %c0_i32_1 = arith.constant 0 : i32
    return %arg0, %c0_i32, %c0_i32_0 : i32, i32, i32
  }
  func.func @transform_6(%arg0: i32, %arg1: i32) -> (i32, i32, i32) {
    %c0_i32 = arith.constant 0 : i32
    %c0_i32_0 = arith.constant 0 : i32
    %c0_i32_1 = arith.constant 0 : i32
    return %arg0, %c0_i32, %c0_i32_0 : i32, i32, i32
  }
  func.func @transform_7(%arg0: i32, %arg1: i32) -> (i32, i32, i32) {
    %c0_i32 = arith.constant 0 : i32
    %c0_i32_0 = arith.constant 0 : i32
    return %arg0, %arg1, %c0_i32 : i32, i32, i32
  }
}

</mosaic_0001>

<sc_bundles>
// kernel: kernel.11.cloned.1.call-start
scs
__scs_entry_jumppad:
0x0: {  	(pc) =	sbr.rel $0x88, $3  }
0x1: {  	(tag) =	ssettag $0x0;
	lr =	simm.s32 $0x1  }
0x2: {  	[smem:$0x3F91] =	sst lr;
	_ =	strace $0xD0000000  }
0x3: {  	_ = 	snop  }
0x4: {  	_ = 	snop  }
0x5: {  	_ = 	snop  }
0x6: {  	_ = 	snop  }
0x7: {  	_ = 	snop  }
__scs_overlays_trampoline_lowered:
0x8: {  	[smem:$0x3FA0] =	sst s0  }
0x9: {  	[smem:$0x3FA1] =	sst s1  }
0xa: {  	[smem:$0x3FA2] =	sst s2  }
0xb: {  	[smem:$0x3FA3] =	sst s3  }
0xc: {  	[smem:$0x3FA4] =	sst s4  }
0xd: {  	[smem:$0x3FA5] =	sst s5  }
0xe: {  	[smem:$0x3FA6] =	sst s6  }
0xf: {  	[smem:$0x3FA7] =	sst s7  }
0x10: {  	[smem:$0x3FA8] =	sst s8  }
0x11: {  	[smem:$0x3FA9] =	sst s9;
	s0 =	simm.s32 @!p0 $0x0  }
0x12: {  	s1 =	sld [smem:$0x3F8F];
	s0 =	simm.s32 @p0 $0x1  }
0x13: {  	[smem:$0x3FAA] =	sst s0;
	s0 =	simm.s32 @!p1 $0x0  }
0x14: {  	s2 =	sld [smem:$0x3F8E];
	s0 =	simm.s32 @p1 $0x1  }
0x15: {  	[smem:$0x3FAB] =	sst s0;
	s0 =	simm.s32 @!p2 $0x0  }
0x16: {  	s3 =	sld [smem:$0x3FDB];
	s0 =	simm.s32 @p2 $0x1  }
0x17: {  	s4 =	simm.s32 $0x1BF5;
	[smem:$0x3FAD] =	sst s0  }
0x18: {  	s0 =	sld [smem:$0x3F90];
	_ =	swait.ge [sflag:s4], $0x0  }
0x19: {  	s7 =	sld [smem:$0x3F91]  }
0x1a: {  	s8 =	sadd.s32 $0xFFFFE003, lr  }
0x1b: {  	s9 =	sadd.s32 $0xFFFFFEF7, lr;
	s5 =	simm.s32 $0xFFFFFFFF;
	p2 =	slt.u32 s8, $0xFFFFF086  }
0x1c: {  	p1 =	slt.u32 s9, $0xF7A;
	s5 =	simm.s32 @!p2 $0x0  }
0x1d: {  	s5 =	simm.s32 @p1 $0x1;
	p0 =	seq.s32 s7, s2  }
0x1e: {  	s7 =	smul.u32 @!p0 $0xF7A, s2;
	p2 =	seq.s32 @!p0 s5, $0x0  }
0x1f: {  	s9 =	smul.u32 $0xF7A, s1;
	s8 =	simm.s32 @!p0 $0x1BF5;
	p2 =	por !p2, p0  }
0x20: {  	[sflag:s8] =	ssyncset.s32 @!p0 $0xFFFFF086;
	s6 =	sadd.s32 @!p0 s3, s7;
	s7 =	simm.s32 @!p0 $0x108  }
0x21: {  	s3 =	sadd.s32 s3, s9;
	s6 =	sadd.s32 @!p0 $0x88, s6;
	s7 =	simm.s32 @p2 $0x1082  }
0x22: {  	[simem:s7], [sflag:s8] =	dma.local @!p0 [hbm:s6], $0xF7A  }
0x23: {  	s9 =	sor.u32 $0xD0000000, s2;
	s6 =	simm.s32 $0x108;
	_ =	swait.ge @!p0 [sflag:s8], $0x0  }
0x24: {  	s3 =	sadd.s32 $0x88, s3;
	s6 =	simm.s32 @!p1 $0x1082;
	[sflag:s4] =	ssyncset.s32 $0xFFFFF086  }
0x25: {  	[simem:s6], [sflag:s4] =	dma.local [hbm:s3], $0xF7A  }
0x26: {  	[smem:$0x3F91] =	sst s1;
	(tag) =	ssettag s2;
	_ =	strace s9  }
0x27: {  	s1 =	sld [smem:$0x3FA1]  }
0x28: {  	s2 =	sld [smem:$0x3FA2]  }
0x29: {  	s4 =	sld [smem:$0x3FA4]  }
0x2a: {  	p0 =	seq.s32 s5, $0x0;
	s5 =	sld [smem:$0x3FA5]  }
0x2b: {  	s6 =	sld [smem:$0x3FA6]  }
0x2c: {  	s7 =	sld [smem:$0x3FA7]  }
0x2d: {  	s3 =	simm.s32 $0x108;
	s8 =	sld [smem:$0x3FA8]  }
0x2e: {  	s3 =	simm.s32 @!p0 $0x1082;
	s9 =	sld [smem:$0x3FA9]  }
0x2f: {  	lr =	sadd.s32 s0, s3;
	s0 =	sld [smem:$0x3FA0]  }
0x30: {  	s3 =	sld [smem:$0x3FA3]  }
0x31: {  	[smem:$0x3FAC] =	sst s10  }
0x32: {  	s10 =	sld [smem:$0x3FAA];
	_ =	sdelay $0x3  }
0x33: {  	p0 =	seq.s32 s10, $0x1;
	s10 =	sld [smem:$0x3FAC];
	_ =	sdelay $0x3  }
0x34: {  	[smem:$0x3FAC] =	sst s10  }
0x35: {  	s10 =	sld [smem:$0x3FAB];
	_ =	sdelay $0x3  }
0x36: {  	p1 =	seq.s32 s10, $0x1;
	s10 =	sld [smem:$0x3FAC];
	_ =	sdelay $0x3  }
0x37: {  	[smem:$0x3FAC] =	sst s10  }
0x38: {  	s10 =	sld [smem:$0x3FAD]  }
0x39: {  	_ = 	snop;
	(pc) =	sbr.ind lr, $3  }
0x3a: {  	_ = 	snop  }
0x3b: {  	_ = 	snop  }
0x3c: {  	p2 =	seq.s32 s10, $0x1;
	s10 =	sld [smem:$0x3FAC]  }
0x3d: {  	_ =	shalt  }
0x3e: {  	_ =	shalt  }
0x3f: {  	_ =	shalt  }
0x40: {  	_ =	shalt  }
0x41: {  	_ =	shalt  }
0x42: {  	_ =	shalt  }
0x43: {  	_ =	shalt  }
0x44: {  	_ =	shalt  }
0x45: {  	_ =	shalt  }
0x46: {  	_ =	shalt  }
0x47: {  	_ =	shalt  }
0x48: {  	_ =	shalt  }
0x49: {  	_ =	shalt  }
0x4a: {  	_ =	shalt  }
0x4b: {  	_ =	shalt  }
0x4c: {  	_ =	shalt  }
0x4d: {  	_ =	shalt  }
0x4e: {  	_ =	shalt  }
0x4f: {  	_ =	shalt  }
0x50: {  	_ =	shalt  }
0x51: {  	_ =	shalt  }
0x52: {  	_ =	shalt  }
0x53: {  	_ =	shalt  }
0x54: {  	_ =	shalt  }
0x55: {  	_ =	shalt  }
0x56: {  	_ =	shalt  }
0x57: {  	_ =	shalt  }
0x58: {  	_ =	shalt  }
0x59: {  	_ =	shalt  }
0x5a: {  	_ =	shalt  }
0x5b: {  	_ =	shalt  }
0x5c: {  	_ =	shalt  }
0x5d: {  	_ =	shalt  }
0x5e: {  	_ =	shalt  }
0x5f: {  	_ =	shalt  }
0x60: {  	_ =	shalt  }
0x61: {  	_ =	shalt  }
0x62: {  	_ =	shalt  }
0x63: {  	_ =	shalt  }
0x64: {  	_ =	shalt  }
0x65: {  	_ =	shalt  }
0x66: {  	_ =	shalt  }
0x67: {  	_ =	shalt  }
0x68: {  	_ =	shalt  }
0x69: {  	_ =	shalt  }
0x6a: {  	_ =	shalt  }
0x6b: {  	_ =	shalt  }
0x6c: {  	_ =	shalt  }
0x6d: {  	_ =	shalt  }
0x6e: {  	_ =	shalt  }
0x6f: {  	_ =	shalt  }
0x70: {  	_ =	shalt  }
0x71: {  	_ =	shalt  }
0x72: {  	_ =	shalt  }
0x73: {  	_ =	shalt  }
0x74: {  	_ =	shalt  }
0x75: {  	_ =	shalt  }
0x76: {  	_ =	shalt  }
0x77: {  	_ =	shalt  }
0x78: {  	_ =	shalt  }
0x79: {  	_ =	shalt  }
0x7a: {  	_ =	shalt  }
0x7b: {  	_ =	shalt  }
0x7c: {  	_ =	shalt  }
0x7d: {  	_ =	shalt  }
0x7e: {  	_ =	shalt  }
0x7f: {  	_ =	shalt  }
0x80: {  	_ =	shalt  }
0x81: {  	_ =	shalt  }
0x82: {  	_ =	shalt  }
0x83: {  	_ =	shalt  }
0x84: {  	_ =	shalt  }
0x85: {  	_ =	shalt  }
0x86: {  	_ =	shalt  }
0x87: {  	_ =	shalt  }
.Lfunc_end0:
.L_simem_size_0:
called_computation.1_lowered:
.L_overlay_start_0:
0x88: {  	s2 =	sld [smem:$0x3FD9]  }
0x89: {  	s3 =	sld [smem:$0x3FFE];
	_ =	sdelay $0x1  }
0x8a: {  	s1 =	srdreg.scid  }
0x8b: {  	s0 =	sand.u32 $0x1, s1  }
0x8c: {  	s16 =	sshll.u32 s0, $0xA;
	s2 =	sadd.s32 s3, s2  }
0x8d: {  	s2 =	sadd.s32 s2, s16  }
0x8e: {  	[smem:$0x3FB8] =	sst s2  }
0x8f: {  	_ = 	snop  }
0x90: {  	(tm) =	ssettm $0x1  }
0x91: {  	s17 =	sld [smem:$0x3FFB];
	_ =	sdelay $0x3  }
0x92: {  	_ =	strace s17  }
0x93: {  	s2 =	sld [smem:$0x3FFC];
	_ =	sdelay $0x3  }
0x94: {  	_ =	strace s2  }
0x95: {  	s2 =	sld [smem:$0x3FFD];
	_ =	sdelay $0x3  }
0x96: {  	_ =	strace s2  }
0x97: {  	_ =	strace $0x8FFFFFFF  }
0x98: {  	s18 =	sld [smem:$0x3FDB];
	_ =	sdelay $0x1  }
0x99: {  	s19 =	simm.s32 $_scs_section_size  }
0x9a: {  	s4 =	simm.s32 $_size__tile_overlayer_lowered;
	s5 =	simm.s32 $_tile_overlayer_lowered  }
0x9b: {  	s22 =	simm.s32 $0x1BFF;
	s21 =	sshll.u32 s5, $0x1;
	s2 =	sadd.s32 s19, s18  }
0x9c: {  	s6 =	simm.s32 $0x0;
	s20 =	sshll.u32 s4, $0x1;
	s4 =	sadd.s32 s21, s2  }
0x9d: {  	[timem:s6], [sflag:s22] =	dma.local [hbm:s4], s20  }
0x9e: {  	_ =	swait.ge [sflag:s22], s20  }
0x9f: {  	s3 =	ssub.s32 $0x0, s20;
	[sflag:s22] =	ssyncset.done $0x0  }
0xa0: {  	[sflag:s22] =	ssyncadd.s32 s3;
	_ =	sdelay $0x1  }
0xa1: {  	s23 =	simm.s32 $0x1B8B  }
0xa2: {  	_ =	swait.ge [sflag:s23], $0x1  }
0xa3: {  	[sflag:s23] =	ssyncset.done $0x0  }
0xa4: {  	s25 =	simm.s32 $0x1B8E;
	s24 =	sld [smem:$0x3FFE];
	[sflag:s23] =	ssyncadd.s32 $0xFFFFFFFF  }
0xa5: {  	s26 =	simm.s32 $execute0_lowered;
	[smem:$0x3FD2] =	sst s25  }
0xa6: {  	s4 =	sshll.u32 s26, $0x1;
	_ =	strace $0x80000046;
	[dreg:$0x1] =	wrdreg $0xFFFFFFFF  }
0xa7: {  	s28 =	simm.s32 $_size_execute0_lowered;
	s2 =	sadd.s32 s2, s4;
	[dreg:$0x0] =	wrdreg $0x0  }
0xa8: {  	s4 =	sshll.u32 s28, $0x1;
	[dreg:$0x2] =	wrdreg s2  }
0xa9: {  	[dreg:$0x3] =	wrdreg s4  }
0xaa: {  	[dreg:$0x4] =	wrdreg $0xC0  }
0xab: {  	_ =	task [dreg:s6], $0x5FFFF  }
0xac: {  	[dreg:$0x1] =	wrdreg $0xFFFFFFFF  }
0xad: {  	[dreg:$0x0] =	wrdreg $0x60  }
0xae: {  	[dreg:$0x2] =	wrdreg s24  }
0xaf: {  	[dreg:$0x3] =	wrdreg $0x120000  }
0xb0: {  	[dreg:$0x4] =	wrdreg $0xA  }
0xb1: {  	_ =	task.clear_ibuf [dreg:s6], $0x5FFFF;
	_ =	strace $0x90000046  }
0xb2: {  	s29 =	simm.s32 $0xA;
	_ =	strace $0x80000048  }
0xb3: {  	_ =	swait.ge [sflag:s29], $0x1  }
0xb4: {  	[sflag:s29] =	ssyncadd.s32 $0xFFFFFFFF  }
0xb5: {  	_ =	strace $0x90000048  }
0xb6: {  	_ =	sfence  }
0xb7: {  	s30 =	sld [smem:$0x0];
	_ =	sdelay $0x2  }
0xb8: {  	s31 =	sshll.u32 s1, $0xD;
	s1 =	sshrl.u32 s1, $0x2  }
0xb9: {  	s3 =	sand.u32 $0x4000, s31;
	s1 =	sadd.s32 s1, s30  }
0xba: {  	s0 =	sor.u32 s3, s0;
	s1 =	sshll.u32 s1, $0x11  }
0xbb: {  	s0 =	sor.u32 s1, s0  }
0xbc: {  	s0 =	sadd.s32 $0x8F2B, s0  }
0xbd: {  	[sflag:s0] =	ssyncadd.remote.s32 $0x1  }
0xbe: {  	_ =	sfence.sel $0xFFFF  }
0xbf: {  	[dreg:$0x0] =	wrdreg $0xFFFFFFFF;
	(pc) =	sbr.abs _section_cstart, $3  }
0xc0: {  	[dreg:$0x1] =	wrdreg $0xFFFFFFFF  }
0xc1: {  	_ =	task.clear_ibuf [dreg:s6], $0x2FFFF;
	_ =	strace $0x9FFFFFFF  }
0xc2: {  	(tm) =	ssettm $0x7FFFFFFF  }
0xc3: {  	_ =	shalt  }
tec
execute0_lowered:
.L_overlay_start_1:
0x0: {  	(tag) =	ssettag $0x1  }
0x1: {  	s0 =	rddreg [dreg:$0x0];
	s1 =	srdreg.scid  }
0x2: {  	s12 =	stileid.u32;
	s2 =	rddreg [dreg:$0x1]  }
0x3: {  	s3 =	simm.s32 $0x0;
	s14 =	simm.s32 $0x3;
	s15 =	simm.s32 $0x5000  }
0x4: {  	s16 =	simm.s32 $0x80;
	s17 =	simm.s32 $0xA000;
	s18 =	simm.s32 $0xC000  }
0x5: {  	s20 =	simm.s32 $0xE000;
	s21 =	simm.s32 $0x1;
	s23 =	simm.s32 $0x10000  }
0x6: {  	s26 =	simm.s32 $0x2;
	s22 =	simm.s32 $0x9E80;
	s24 =	simm.s32 $0x9F00  }
0x7: {  	s28 =	simm.s32 $0x9F80;
	s29 =	simm.s32 $0x0;
	s1 =	sand.u32 $0x1, s1  }
0x8: {  	s4 =	sshll.u32 s12, $0x1;
	[smem:$0x7FF] =	sst s3;
	s6 =	smul.u32 $0x27800, s12  }
0x9: {  	s10 =	smul.u32 $0x9E00, s12;
	s11 =	sadd.s32 $0x94200, s2;
	p0 =	seq.s32 s12, $0xF  }
0xa: {  	s4 =	sor.u32 s1, s4;
	_ =	strace $0x80000047;
	s9 =	smul.u32 $0x9C400, s1  }
0xb: {  	s1 =	ssub.s32 $0x2, s1;
	s11 =	sshrl.u32 @p0 s11, $0x3;
	s5 =	smul.u32 $0xA00, s4  }
0xc: {  	s4 =	sadd.s32 $0x3400, s0;
	s8 =	sshrl.u32 s1, $0x1;
	s6 =	sshrl.u32 s6, $0x2  }
0xd: {  	s19 =	sadd.s32 s10, s2;
	s1 =	ssub.s32 s1, s8;
	s13 =	sadd.s32 s6, s2  }
0xe: {  	s31 =	sadd.s32 s10, s9;
	s9 =	sshrl.u32 s9, $0x3;
	s25 =	sshrl.u32 @!p0 s19, $0x3  }
0xf: {  	s19 =	simm.s32 $0x4F80;
	s7 =	sadd.s32 s5, s0;
	s5 =	sadd.s32 $0x52600, s0  }
0x10: {  	s0 =	sadd.s32 $0x53A00, s0;
	s8 =	sshrl.u32 s31, $0x3;
	s10 =	smax.u32 s1, $0x1  }
0x11: {  	s13 =	sshrl.u32 @!p0 s13, $0x3;
	s8 =	sadd.s32 s0, s8;
	s0 =	sadd.s32 s0, s9  }
0x12: {  	s6 =	sadd.s32 $0x3E600, s7;
	s9 =	sadd.s32 $0x12840, s0;
	s0 =	sshll.u32 @!p0 s12, $0x6  }
0x13: {  	s7 =	sadd.s32 $0x2A600, s7;
	s12 =	sor.u32 @!p0 $0x1C03, s0;
	s0 =	simm.s32 $0x9E00  }
.LBB2_1:
0x14: {  	s30 =	simm.s32 @p0 $0x1FC3  }
0x15: {  	[spmem:s11], [sflag:s30] =	dma.local @p0 [hbm:s5], $0x1040  }
0x16: {  	s30 =	simm.s32 @p0 $0x3  }
0x17: {  	_ =	swait.ge @p0 [sflag:s30], $0x1040  }
0x18: {  	[sflag:s30] =	ssyncset.done @p0 $0x0  }
0x19: {  	[sflag:s30] =	ssyncadd.s32 @p0 $0xFFFFEFC0;
	s30 =	simm.s32 @!p0 $0x3  }
0x1a: {  	[spmem:s13], [sflag:s12] =	dma.local @!p0 [hbm:s5], $0x13C0  }
0x1b: {  	_ =	swait.ge @!p0 [sflag:s30], $0x13C0  }
0x1c: {  	[sflag:s30] =	ssyncset.done @!p0 $0x0  }
0x1d: {  	[sflag:s30] =	ssyncadd.s32 @!p0 $0xFFFFEC40  }
0x1e: {  	[tilespmem:s3], [sflag:$0x3] =	stream.linear.gather [hbm4b:s6+s3], $0x5000, $0x38;
	[tilespmem:$0x1BC40] =	vst v63  }
0x1f: {  	_ =	swait.ge [sflag:s14], $0x5000  }
0x20: {  	[sflag:s14] =	ssyncset.done $0x0  }
0x21: {  	[sflag:s14] =	ssyncadd.s32 $0xFFFFB000  }
0x22: {  	[tilespmem:s15], [sflag:$0x3] =	stream.linear.gather [hbm4b:s7+s3], $0x5000, $0x38;
	[tilespmem:$0x1BC40] =	vst v63  }
0x23: {  	_ =	swait.ge [sflag:s14], $0x5000  }
0x24: {  	[sflag:s14] =	ssyncset.done $0x0  }
0x25: {  	[sflag:s14] =	ssyncadd.s32 $0xFFFFB000  }
0x26: {  	[bflag:$0x0] =	sbarrier.arrive $0xFFFF  }
0x27: {  	[tilespmem:s17], [sflag:$0x1] =	stream.indirect.gather [hbm4b:s4+s16], $0x40, s3, s16, $0xb8;
	[tilespmem:$0x1BC40] =	vst v63  }
0x28: {  	_ = 	snop  }
0x29: {  	[tilespmem:s18], [sflag:$0x1] =	stream.indirect.gather [hbm4b:s4+s16], $0x40, s16, s16, $0xb8;
	[tilespmem:$0x1BC40] =	vst v63  }
0x2a: {  	s1 =	simm.s32 $0x100  }
0x2b: {  	[tilespmem:s20], [sflag:$0x1] =	stream.indirect.gather [hbm4b:s4+s16], $0x40, s1, s16, $0xb8;
	[tilespmem:$0x1BC40] =	vst v63  }
0x2c: {  	_ =	swait.ge [sflag:s21], $0x2000  }
0x2d: {  	[sflag:s21] =	ssyncset.done $0x0  }
0x2e: {  	[sflag:s21] =	ssyncadd.s32 $0xFFFFE000  }
0x2f: {  	[spmem:s2] =	stream.indirect.scatter.add.f32 [tilespmem:s17], [sflag:$0x2], $0x40, s15, s16, $0xb8;
	[tilespmem:$0x1BC40] =	vst v63  }
0x30: {  	s1 =	simm.s32 $0x180  }
0x31: {  	[tilespmem:s23], [sflag:$0x1] =	stream.indirect.gather [hbm4b:s4+s16], $0x40, s1, s16, $0xb8;
	[tilespmem:$0x1BC40] =	vst v63  }
0x32: {  	_ =	swait.ge [sflag:s21], $0x2000  }
0x33: {  	[sflag:s21] =	ssyncset.done $0x0  }
0x34: {  	s1 =	simm.s32 $0x5080;
	[sflag:s21] =	ssyncadd.s32 $0xFFFFE000  }
0x35: {  	[spmem:s2] =	stream.indirect.scatter.add.f32 [tilespmem:s18], [sflag:$0x2], $0x40, s1, s16, $0xb8;
	[tilespmem:$0x1BC40] =	vst v63  }
0x36: {  	_ =	swait.ge [sflag:s26], $0x2000  }
0x37: {  	[sflag:s26] =	ssyncset.done $0x0  }
0x38: {  	s1 =	simm.s32 $0x200;
	[sflag:s26] =	ssyncadd.s32 $0xFFFFE000  }
0x39: {  	[tilespmem:s17], [sflag:$0x1] =	stream.indirect.gather [hbm4b:s4+s16], $0x40, s1, s16, $0xb8;
	[tilespmem:$0x1BC40] =	vst v63  }
0x3a: {  	_ =	swait.ge [sflag:s21], $0x2000  }
0x3b: {  	[sflag:s21] =	ssyncset.done $0x0  }
0x3c: {  	s1 =	simm.s32 $0x5100;
	[sflag:s21] =	ssyncadd.s32 $0xFFFFE000  }
0x3d: {  	[spmem:s2] =	stream.indirect.scatter.add.f32 [tilespmem:s20], [sflag:$0x2], $0x40, s1, s16, $0xb8;
	[tilespmem:$0x1BC40] =	vst v63  }
0x3e: {  	_ =	swait.ge [sflag:s26], $0x2000  }
0x3f: {  	[sflag:s26] =	ssyncset.done $0x0  }
0x40: {  	s1 =	simm.s32 $0x280;
	[sflag:s26] =	ssyncadd.s32 $0xFFFFE000  }
0x41: {  	[tilespmem:s18], [sflag:$0x1] =	stream.indirect.gather [hbm4b:s4+s16], $0x40, s1, s16, $0xb8;
	[tilespmem:$0x1BC40] =	vst v63  }
0x42: {  	_ =	swait.ge [sflag:s21], $0x2000  }
0x43: {  	[sflag:s21] =	ssyncset.done $0x0  }
0x44: {  	s1 =	simm.s32 $0x5180;
	[sflag:s21] =	ssyncadd.s32 $0xFFFFE000  }
0x45: {  	[spmem:s2] =	stream.indirect.scatter.add.f32 [tilespmem:s23], [sflag:$0x2], $0x40, s1, s16, $0xb8;
	[tilespmem:$0x1BC40] =	vst v63  }
0x46: {  	_ =	swait.ge [sflag:s26], $0x2000  }
0x47: {  	[sflag:s26] =	ssyncset.done $0x0  }
0x48: {  	s30 =	simm.s32 $0x300;
	[sflag:s26] =	ssyncadd.s32 $0xFFFFE000  }
0x49: {  	[tilespmem:s20], [sflag:$0x1] =	stream.indirect.gather [hbm4b:s4+s16], $0x40, s30, s16, $0xb8;
	[tilespmem:$0x1BC40] =	vst v63  }
0x4a: {  	_ =	swait.ge [sflag:s21], $0x2000  }
0x4b: {  	[sflag:s21] =	ssyncset.done $0x0  }
0x4c: {  	s30 =	simm.s32 $0x5200;
	[sflag:s21] =	ssyncadd.s32 $0xFFFFE000  }
0x4d: {  	[spmem:s2] =	stream.indirect.scatter.add.f32 [tilespmem:s17], [sflag:$0x2], $0x40, s30, s16, $0xb8;
	[tilespmem:$0x1BC40] =	vst v63  }
0x4e: {  	_ =	swait.ge [sflag:s26], $0x2000  }
0x4f: {  	[sflag:s26] =	ssyncset.done $0x0  }
0x50: {  	s30 =	simm.s32 $0x380;
	[sflag:s26] =	ssyncadd.s32 $0xFFFFE000  }
0x51: {  	[tilespmem:s23], [sflag:$0x1] =	stream.indirect.gather [hbm4b:s4+s16], $0x40, s30, s16, $0xb8;
	[tilespmem:$0x1BC40] =	vst v63  }
0x52: {  	_ =	swait.ge [sflag:s21], $0x2000  }
0x53: {  	[sflag:s21] =	ssyncset.done $0x0  }
0x54: {  	s30 =	simm.s32 $0x5280;
	[sflag:s21] =	ssyncadd.s32 $0xFFFFE000  }
0x55: {  	[spmem:s2] =	stream.indirect.scatter.add.f32 [tilespmem:s18], [sflag:$0x2], $0x40, s30, s16, $0xb8;
	[tilespmem:$0x1BC40] =	vst v63  }
0x56: {  	_ =	swait.ge [sflag:s26], $0x2000  }
0x57: {  	[sflag:s26] =	ssyncset.done $0x0  }
0x58: {  	s30 =	simm.s32 $0x400;
	[sflag:s26] =	ssyncadd.s32 $0xFFFFE000  }
0x59: {  	[tilespmem:s17], [sflag:$0x1] =	stream.indirect.gather [hbm4b:s4+s16], $0x40, s30, s16, $0xb8;
	[tilespmem:$0x1BC40] =	vst v63  }
0x5a: {  	_ =	swait.ge [sflag:s21], $0x2000  }
0x5b: {  	[sflag:s21] =	ssyncset.done $0x0  }
0x5c: {  	s30 =	simm.s32 $0x5300;
	[sflag:s21] =	ssyncadd.s32 $0xFFFFE000  }
0x5d: {  	[spmem:s2] =	stream.indirect.scatter.add.f32 [tilespmem:s20], [sflag:$0x2], $0x40, s30, s16, $0xb8;
	[tilespmem:$0x1BC40] =	vst v63  }
0x5e: {  	_ =	swait.ge [sflag:s26], $0x2000  }
0x5f: {  	[sflag:s26] =	ssyncset.done $0x0  }
0x60: {  	s30 =	simm.s32 $0x480;
	[sflag:s26] =	ssyncadd.s32 $0xFFFFE000  }
0x61: {  	[tilespmem:s18], [sflag:$0x1] =	stream.indirect.gather [hbm4b:s4+s16], $0x40, s30, s16, $0xb8;
	[tilespmem:$0x1BC40] =	vst v63  }
0x62: {  	_ =	swait.ge [sflag:s21], $0x2000  }
0x63: {  	[sflag:s21] =	ssyncset.done $0x0  }
0x64: {  	s31 =	simm.s32 $0x5380;
	s30 =	simm.s32 $0x800;
	[sflag:s21] =	ssyncadd.s32 $0xFFFFE000  }
.LBB2_2:
0x65: {  	[spmem:s2] =	stream.indirect.scatter.add.f32 [tilespmem:s23], [sflag:$0x2], $0x40, s31, s16, $0xb8;
	[tilespmem:$0x1BC40] =	vst v63  }
0x66: {  	s31 =	smov.u32 s30  }
0x67: {  	p1 =	sne.s32 s30, $0x12800;
	s30 =	sadd.s32 $0x800, s30;
	_ =	swait.ge [sflag:s26], $0x2000  }
0x68: {  	s31 =	sshra.s32 s31, $0x2;
	[sflag:s26] =	ssyncset.done $0x0  }
0x69: {  	s1 =	sadd.s32 $0x300, s31;
	[sflag:s26] =	ssyncadd.s32 $0xFFFFE000  }
0x6a: {  	[tilespmem:s20], [sflag:$0x1] =	stream.indirect.gather [hbm4b:s4+s16], $0x40, s1, s16, $0xb8;
	[tilespmem:$0x1BC40] =	vst v63  }
0x6b: {  	_ =	swait.ge [sflag:s21], $0x2000  }
0x6c: {  	[sflag:s21] =	ssyncset.done $0x0  }
0x6d: {  	s1 =	sadd.s32 $0x5200, s31;
	[sflag:s21] =	ssyncadd.s32 $0xFFFFE000  }
0x6e: {  	[spmem:s2] =	stream.indirect.scatter.add.f32 [tilespmem:s17], [sflag:$0x2], $0x40, s1, s16, $0xb8;
	[tilespmem:$0x1BC40] =	vst v63  }
0x6f: {  	_ =	swait.ge [sflag:s26], $0x2000  }
0x70: {  	[sflag:s26] =	ssyncset.done $0x0  }
0x71: {  	s1 =	sadd.s32 $0x380, s31;
	[sflag:s26] =	ssyncadd.s32 $0xFFFFE000  }
0x72: {  	[tilespmem:s23], [sflag:$0x1] =	stream.indirect.gather [hbm4b:s4+s16], $0x40, s1, s16, $0xb8;
	[tilespmem:$0x1BC40] =	vst v63  }
0x73: {  	_ =	swait.ge [sflag:s21], $0x2000  }
0x74: {  	[sflag:s21] =	ssyncset.done $0x0  }
0x75: {  	s1 =	sadd.s32 $0x5280, s31;
	[sflag:s21] =	ssyncadd.s32 $0xFFFFE000  }
0x76: {  	[spmem:s2] =	stream.indirect.scatter.add.f32 [tilespmem:s18], [sflag:$0x2], $0x40, s1, s16, $0xb8;
	[tilespmem:$0x1BC40] =	vst v63  }
0x77: {  	_ =	swait.ge [sflag:s26], $0x2000  }
0x78: {  	[sflag:s26] =	ssyncset.done $0x0  }
0x79: {  	s1 =	sadd.s32 $0x400, s31;
	[sflag:s26] =	ssyncadd.s32 $0xFFFFE000  }
0x7a: {  	[tilespmem:s17], [sflag:$0x1] =	stream.indirect.gather [hbm4b:s4+s16], $0x40, s1, s16, $0xb8;
	[tilespmem:$0x1BC40] =	vst v63  }
0x7b: {  	_ =	swait.ge [sflag:s21], $0x2000  }
0x7c: {  	[sflag:s21] =	ssyncset.done $0x0  }
0x7d: {  	s1 =	sadd.s32 $0x5300, s31;
	[sflag:s21] =	ssyncadd.s32 $0xFFFFE000  }
0x7e: {  	[spmem:s2] =	stream.indirect.scatter.add.f32 [tilespmem:s20], [sflag:$0x2], $0x40, s1, s16, $0xb8;
	[tilespmem:$0x1BC40] =	vst v63  }
0x7f: {  	_ =	swait.ge [sflag:s26], $0x2000  }
0x80: {  	[sflag:s26] =	ssyncset.done $0x0  }
.Ltmp0:
0x81: {  	s1 =	sadd.s32 $0x480, s31;
	[sflag:s26] =	ssyncadd.s32 $0xFFFFE000;
	(pc) =	sbr.rel @p1 .LBB2_2-.Ltmp0, $4  }
0x82: {  	[tilespmem:s18], [sflag:$0x1] =	stream.indirect.gather [hbm4b:s4+s16], $0x40, s1, s16, $0xb8;
	[tilespmem:$0x1BC40] =	vst v63  }
0x83: {  	_ =	swait.ge [sflag:s21], $0x2000  }
0x84: {  	[sflag:s21] =	ssyncset.done $0x0  }
0x85: {  	s31 =	sadd.s32 $0x5380, s31;
	[sflag:s21] =	ssyncadd.s32 $0xFFFFE000  }
0x86: {  	[spmem:s2] =	stream.indirect.scatter.add.f32 [tilespmem:s23], [sflag:$0x2], $0x40, s31, s16, $0xb8;
	[tilespmem:$0x1BC40] =	vst v63  }
0x87: {  	_ =	swait.ge [sflag:s26], $0x2000  }
0x88: {  	[sflag:s26] =	ssyncset.done $0x0  }
0x89: {  	s1 =	simm.s32 $0x4F00;
	[sflag:s26] =	ssyncadd.s32 $0xFFFFE000  }
0x8a: {  	[tilespmem:s20], [sflag:$0x1] =	stream.indirect.gather [hbm4b:s4+s16], $0x40, s1, s16, $0xb8;
	[tilespmem:$0x1BC40] =	vst v63  }
0x8b: {  	_ =	swait.ge [sflag:s21], $0x2000  }
0x8c: {  	[sflag:s21] =	ssyncset.done $0x0  }
0x8d: {  	[sflag:s21] =	ssyncadd.s32 $0xFFFFE000  }
0x8e: {  	[spmem:s2] =	stream.indirect.scatter.add.f32 [tilespmem:s17], [sflag:$0x2], $0x40, s0, s16, $0xb8;
	[tilespmem:$0x1BC40] =	vst v63  }
0x8f: {  	_ =	swait.ge [sflag:s26], $0x2000  }
0x90: {  	[sflag:s26] =	ssyncset.done $0x0  }
0x91: {  	[sflag:s26] =	ssyncadd.s32 $0xFFFFE000  }
0x92: {  	[tilespmem:s23], [sflag:$0x1] =	stream.indirect.gather [hbm4b:s4+s16], $0x40, s19, s16, $0xb8;
	[tilespmem:$0x1BC40] =	vst v63  }
0x93: {  	_ =	swait.ge [sflag:s21], $0x2000  }
0x94: {  	[sflag:s21] =	ssyncset.done $0x0  }
0x95: {  	[sflag:s21] =	ssyncadd.s32 $0xFFFFE000  }
0x96: {  	[spmem:s2] =	stream.indirect.scatter.add.f32 [tilespmem:s18], [sflag:$0x2], $0x40, s22, s16, $0xb8;
	[tilespmem:$0x1BC40] =	vst v63  }
0x97: {  	_ =	swait.ge [sflag:s26], $0x2000  }
0x98: {  	[sflag:s26] =	ssyncset.done $0x0  }
0x99: {  	[sflag:s26] =	ssyncadd.s32 $0xFFFFE000  }
0x9a: {  	_ =	swait.ge [sflag:s21], $0x2000  }
0x9b: {  	[sflag:s21] =	ssyncset.done $0x0  }
0x9c: {  	[sflag:s21] =	ssyncadd.s32 $0xFFFFE000  }
0x9d: {  	[spmem:s2] =	stream.indirect.scatter.add.f32 [tilespmem:s20], [sflag:$0x2], $0x40, s24, s16, $0xb8;
	[tilespmem:$0x1BC40] =	vst v63  }
0x9e: {  	_ =	swait.ge [sflag:s26], $0x2000  }
0x9f: {  	[sflag:s26] =	ssyncset.done $0x0  }
0xa0: {  	[sflag:s26] =	ssyncadd.s32 $0xFFFFE000  }
0xa1: {  	_ =	swait.ge [sflag:s21], $0x2000  }
0xa2: {  	[sflag:s21] =	ssyncset.done $0x0  }
0xa3: {  	[sflag:s21] =	ssyncadd.s32 $0xFFFFE000  }
0xa4: {  	[spmem:s2] =	stream.indirect.scatter.add.f32 [tilespmem:s23], [sflag:$0x2], $0x40, s28, s16, $0xb8;
	[tilespmem:$0x1BC40] =	vst v63  }
0xa5: {  	_ =	swait.ge [sflag:s26], $0x2000  }
0xa6: {  	[sflag:s26] =	ssyncset.done $0x0  }
0xa7: {  	[sflag:s26] =	ssyncadd.s32 $0xFFFFE000  }
0xa8: {  	_ =	swait.ge [sflag:s26], $0x2000  }
0xa9: {  	[sflag:s26] =	ssyncset.done $0x0  }
0xaa: {  	[sflag:s26] =	ssyncadd.s32 $0xFFFFE000  }
0xab: {  	s1 =	simm.s32 @p0 $0x1FC3;
	[bflag:$0x0] =	sbarrier.arrive $0xFFFF  }
0xac: {  	[hbm:s9], [sflag:s1] =	dma.local @p0 [spmem:s11], $0x1040  }
0xad: {  	s1 =	simm.s32 @p0 $0x3  }
0xae: {  	s29 =	sadd.s32 $0x1, s29;
	_ =	swait.ge @p0 [sflag:s1], $0x1040  }
0xaf: {  	p1 =	sne.s32 s29, s10;
	[sflag:s1] =	ssyncset.done @p0 $0x0  }
.Ltmp1:
0xb0: {  	[sflag:s1] =	ssyncadd.s32 @p0 $0xFFFFEFC0;
	s1 =	simm.s32 @!p0 $0x3;
	(pc) =	sbr.rel @p1 .LBB2_1-.Ltmp1, $4  }
0xb1: {  	[hbm:s8], [sflag:s12] =	dma.local @!p0 [spmem:s25], $0x13C0  }
0xb2: {  	_ =	swait.ge @!p0 [sflag:s1], $0x13C0  }
0xb3: {  	[sflag:s1] =	ssyncset.done @!p0 $0x0  }
0xb4: {  	[sflag:s1] =	ssyncadd.s32 @!p0 $0xFFFFEC40  }
0xb5: {  	_ =	sfence.sel $0x180000  }
0xb6: {  	[bflag:$0x0] =	sbarrier.arrive $0xFFFF  }
0xb7: {  	_ =	strace $0x90000047  }
0xb8: {  	s0 =	stileid.u32;
	[bflag:$0x2] =	sbarrier.arrive $0xFFFF  }
0xb9: {  	p0 =	sne.s32 s0, $0x0;
	s0 =	rddreg [dreg:$0x2]  }
0xba: {  	s0 =	sadd.s32 @!p0 $0x100000, s0  }
0xbb: {  	[sflag:s0] =	ssyncadd.tile.s32 @!p0 $0x1;
	_ =	shalt  }
.Lfunc_end2:
_tile_overlayer_lowered:
.L_overlay_start_2:
0xbc: {  	(tag) =	ssettag $0x2  }
0xbd: {  	s0 =	rddreg [dreg:$0x0];
	s2 =	stileid.u32  }
0xbe: {  	s1 =	rddreg [dreg:$0x1];
	p0 =	sne.s32 s2, $0x0  }
0xbf: {  	s3 =	rddreg [dreg:$0x2];
	[bflag:$0x3] =	sbarrier.arrive $0xFFFF;
	s2 =	simm.s32 @!p0 $0x1C03  }
0xc0: {  	[timem:s3], [sflag:s2] =	dma.local @!p0 [hbm:s0], s1  }
0xc1: {  	s0 =	simm.s32 @!p0 $0x3  }
0xc2: {  	_ =	swait.ge @!p0 [sflag:s0], s1  }
0xc3: {  	s1 =	ssub.s32 @!p0 $0x0, s1;
	[sflag:s0] =	ssyncset.done @!p0 $0x0  }
0xc4: {  	[sflag:s0] =	ssyncadd.s32 @!p0 s1  }
0xc5: {  	[bflag:$0x3] =	sbarrier.arrive $0xFFFF  }
0xc6: {  	_ =	shalt  }

// kernel: kernel.14.cloned.1.call-start
scs
__scs_entry_jumppad:
0x0: {  	(pc) =	sbr.rel $0x88, $3  }
0x1: {  	(tag) =	ssettag $0x0;
	lr =	simm.s32 $0x1  }
0x2: {  	[smem:$0x3F91] =	sst lr;
	_ =	strace $0xD0000000  }
0x3: {  	_ = 	snop  }
0x4: {  	_ = 	snop  }
0x5: {  	_ = 	snop  }
0x6: {  	_ = 	snop  }
0x7: {  	_ = 	snop  }
__scs_overlays_trampoline_lowered:
0x8: {  	[smem:$0x3FA0] =	sst s0  }
0x9: {  	[smem:$0x3FA1] =	sst s1  }
0xa: {  	[smem:$0x3FA2] =	sst s2  }
0xb: {  	[smem:$0x3FA3] =	sst s3  }
0xc: {  	[smem:$0x3FA4] =	sst s4  }
0xd: {  	[smem:$0x3FA5] =	sst s5  }
0xe: {  	[smem:$0x3FA6] =	sst s6  }
0xf: {  	[smem:$0x3FA7] =	sst s7  }
0x10: {  	[smem:$0x3FA8] =	sst s8  }
0x11: {  	[smem:$0x3FA9] =	sst s9;
	s0 =	simm.s32 @!p0 $0x0  }
0x12: {  	s1 =	sld [smem:$0x3F8F];
	s0 =	simm.s32 @p0 $0x1  }
0x13: {  	[smem:$0x3FAA] =	sst s0;
	s0 =	simm.s32 @!p1 $0x0  }
0x14: {  	s2 =	sld [smem:$0x3F8E];
	s0 =	simm.s32 @p1 $0x1  }
0x15: {  	[smem:$0x3FAB] =	sst s0;
	s0 =	simm.s32 @!p2 $0x0  }
0x16: {  	s3 =	sld [smem:$0x3FDB];
	s0 =	simm.s32 @p2 $0x1  }
0x17: {  	s4 =	simm.s32 $0x1BF5;
	[smem:$0x3FAD] =	sst s0  }
0x18: {  	s0 =	sld [smem:$0x3F90];
	_ =	swait.ge [sflag:s4], $0x0  }
0x19: {  	s7 =	sld [smem:$0x3F91]  }
0x1a: {  	s8 =	sadd.s32 $0xFFFFE003, lr  }
0x1b: {  	s9 =	sadd.s32 $0xFFFFFEF7, lr;
	s5 =	simm.s32 $0xFFFFFFFF;
	p2 =	slt.u32 s8, $0xFFFFF086  }
0x1c: {  	p1 =	slt.u32 s9, $0xF7A;
	s5 =	simm.s32 @!p2 $0x0  }
0x1d: {  	s5 =	simm.s32 @p1 $0x1;
	p0 =	seq.s32 s7, s2  }
0x1e: {  	s7 =	smul.u32 @!p0 $0xF7A, s2;
	p2 =	seq.s32 @!p0 s5, $0x0  }
0x1f: {  	s9 =	smul.u32 $0xF7A, s1;
	s8 =	simm.s32 @!p0 $0x1BF5;
	p2 =	por !p2, p0  }
0x20: {  	[sflag:s8] =	ssyncset.s32 @!p0 $0xFFFFF086;
	s6 =	sadd.s32 @!p0 s3, s7;
	s7 =	simm.s32 @!p0 $0x108  }
0x21: {  	s3 =	sadd.s32 s3, s9;
	s6 =	sadd.s32 @!p0 $0x88, s6;
	s7 =	simm.s32 @p2 $0x1082  }
0x22: {  	[simem:s7], [sflag:s8] =	dma.local @!p0 [hbm:s6], $0xF7A  }
0x23: {  	s9 =	sor.u32 $0xD0000000, s2;
	s6 =	simm.s32 $0x108;
	_ =	swait.ge @!p0 [sflag:s8], $0x0  }
0x24: {  	s3 =	sadd.s32 $0x88, s3;
	s6 =	simm.s32 @!p1 $0x1082;
	[sflag:s4] =	ssyncset.s32 $0xFFFFF086  }
0x25: {  	[simem:s6], [sflag:s4] =	dma.local [hbm:s3], $0xF7A  }
0x26: {  	[smem:$0x3F91] =	sst s1;
	(tag) =	ssettag s2;
	_ =	strace s9  }
0x27: {  	s1 =	sld [smem:$0x3FA1]  }
0x28: {  	s2 =	sld [smem:$0x3FA2]  }
0x29: {  	s4 =	sld [smem:$0x3FA4]  }
0x2a: {  	p0 =	seq.s32 s5, $0x0;
	s5 =	sld [smem:$0x3FA5]  }
0x2b: {  	s6 =	sld [smem:$0x3FA6]  }
0x2c: {  	s7 =	sld [smem:$0x3FA7]  }
0x2d: {  	s3 =	simm.s32 $0x108;
	s8 =	sld [smem:$0x3FA8]  }
0x2e: {  	s3 =	simm.s32 @!p0 $0x1082;
	s9 =	sld [smem:$0x3FA9]  }
0x2f: {  	lr =	sadd.s32 s0, s3;
	s0 =	sld [smem:$0x3FA0]  }
0x30: {  	s3 =	sld [smem:$0x3FA3]  }
0x31: {  	[smem:$0x3FAC] =	sst s10  }
0x32: {  	s10 =	sld [smem:$0x3FAA];
	_ =	sdelay $0x3  }
0x33: {  	p0 =	seq.s32 s10, $0x1;
	s10 =	sld [smem:$0x3FAC];
	_ =	sdelay $0x3  }
0x34: {  	[smem:$0x3FAC] =	sst s10  }
0x35: {  	s10 =	sld [smem:$0x3FAB];
	_ =	sdelay $0x3  }
0x36: {  	p1 =	seq.s32 s10, $0x1;
	s10 =	sld [smem:$0x3FAC];
	_ =	sdelay $0x3  }
0x37: {  	[smem:$0x3FAC] =	sst s10  }
0x38: {  	s10 =	sld [smem:$0x3FAD]  }
0x39: {  	_ = 	snop;
	(pc) =	sbr.ind lr, $3  }
0x3a: {  	_ = 	snop  }
0x3b: {  	_ = 	snop  }
0x3c: {  	p2 =	seq.s32 s10, $0x1;
	s10 =	sld [smem:$0x3FAC]  }
0x3d: {  	_ =	shalt  }
0x3e: {  	_ =	shalt  }
0x3f: {  	_ =	shalt  }
0x40: {  	_ =	shalt  }
0x41: {  	_ =	shalt  }
0x42: {  	_ =	shalt  }
0x43: {  	_ =	shalt  }
0x44: {  	_ =	shalt  }
0x45: {  	_ =	shalt  }
0x46: {  	_ =	shalt  }
0x47: {  	_ =	shalt  }
0x48: {  	_ =	shalt  }
0x49: {  	_ =	shalt  }
0x4a: {  	_ =	shalt  }
0x4b: {  	_ =	shalt  }
0x4c: {  	_ =	shalt  }
0x4d: {  	_ =	shalt  }
0x4e: {  	_ =	shalt  }
0x4f: {  	_ =	shalt  }
0x50: {  	_ =	shalt  }
0x51: {  	_ =	shalt  }
0x52: {  	_ =	shalt  }
0x53: {  	_ =	shalt  }
0x54: {  	_ =	shalt  }
0x55: {  	_ =	shalt  }
0x56: {  	_ =	shalt  }
0x57: {  	_ =	shalt  }
0x58: {  	_ =	shalt  }
0x59: {  	_ =	shalt  }
0x5a: {  	_ =	shalt  }
0x5b: {  	_ =	shalt  }
0x5c: {  	_ =	shalt  }
0x5d: {  	_ =	shalt  }
0x5e: {  	_ =	shalt  }
0x5f: {  	_ =	shalt  }
0x60: {  	_ =	shalt  }
0x61: {  	_ =	shalt  }
0x62: {  	_ =	shalt  }
0x63: {  	_ =	shalt  }
0x64: {  	_ =	shalt  }
0x65: {  	_ =	shalt  }
0x66: {  	_ =	shalt  }
0x67: {  	_ =	shalt  }
0x68: {  	_ =	shalt  }
0x69: {  	_ =	shalt  }
0x6a: {  	_ =	shalt  }
0x6b: {  	_ =	shalt  }
0x6c: {  	_ =	shalt  }
0x6d: {  	_ =	shalt  }
0x6e: {  	_ =	shalt  }
0x6f: {  	_ =	shalt  }
0x70: {  	_ =	shalt  }
0x71: {  	_ =	shalt  }
0x72: {  	_ =	shalt  }
0x73: {  	_ =	shalt  }
0x74: {  	_ =	shalt  }
0x75: {  	_ =	shalt  }
0x76: {  	_ =	shalt  }
0x77: {  	_ =	shalt  }
0x78: {  	_ =	shalt  }
0x79: {  	_ =	shalt  }
0x7a: {  	_ =	shalt  }
0x7b: {  	_ =	shalt  }
0x7c: {  	_ =	shalt  }
0x7d: {  	_ =	shalt  }
0x7e: {  	_ =	shalt  }
0x7f: {  	_ =	shalt  }
0x80: {  	_ =	shalt  }
0x81: {  	_ =	shalt  }
0x82: {  	_ =	shalt  }
0x83: {  	_ =	shalt  }
0x84: {  	_ =	shalt  }
0x85: {  	_ =	shalt  }
0x86: {  	_ =	shalt  }
0x87: {  	_ =	shalt  }
.Lfunc_end0:
.L_simem_size_0:
called_computation.2_lowered:
.L_overlay_start_0:
0x88: {  	s2 =	sld [smem:$0x3FD9]  }
0x89: {  	s3 =	sld [smem:$0x3FFE];
	_ =	sdelay $0x1  }
0x8a: {  	s1 =	srdreg.scid  }
0x8b: {  	s0 =	sand.u32 $0x1, s1  }
0x8c: {  	s17 =	sshll.u32 s0, $0xA;
	s2 =	sadd.s32 s3, s2  }
0x8d: {  	s2 =	sadd.s32 s2, s17  }
0x8e: {  	[smem:$0x3FB8] =	sst s2  }
0x8f: {  	_ = 	snop  }
0x90: {  	s18 =	sld [smem:$0x3FD0];
	(tm) =	ssettm $0x1  }
0x91: {  	s19 =	sld [smem:$0x3FFB];
	_ =	sdelay $0x3  }
0x92: {  	_ =	strace s19  }
0x93: {  	s2 =	sld [smem:$0x3FFC];
	_ =	sdelay $0x3  }
0x94: {  	_ =	strace s2  }
0x95: {  	s2 =	sld [smem:$0x3FFD];
	_ =	sdelay $0x3  }
0x96: {  	_ =	strace s2  }
0x97: {  	_ =	strace $0x8FFFFFFF  }
0x98: {  	s20 =	sld [smem:$0x3FDB];
	_ =	sdelay $0x1  }
0x99: {  	s4 =	simm.s32 $_scs_section_size  }
0x9a: {  	s5 =	simm.s32 $_size__tile_overlayer_lowered;
	s6 =	simm.s32 $_tile_overlayer_lowered  }
0x9b: {  	s7 =	simm.s32 $0x1BFF;
	s21 =	sshll.u32 s6, $0x1;
	s4 =	sadd.s32 s4, s20  }
0x9c: {  	s22 =	simm.s32 $0x0;
	s5 =	sshll.u32 s5, $0x1;
	s6 =	sadd.s32 s21, s4  }
0x9d: {  	[timem:s22], [sflag:s7] =	dma.local [hbm:s6], s5  }
0x9e: {  	_ =	swait.ge [sflag:s7], s5  }
0x9f: {  	s5 =	ssub.s32 $0x0, s5;
	[sflag:s7] =	ssyncset.done $0x0  }
0xa0: {  	[sflag:s7] =	ssyncadd.s32 s5;
	_ =	sdelay $0x1  }
0xa1: {  	s23 =	simm.s32 $0x1B8B  }
0xa2: {  	_ =	swait.ge [sflag:s23], $0x1  }
0xa3: {  	[sflag:s23] =	ssyncset.done $0x0  }
0xa4: {  	[sflag:s23] =	ssyncadd.s32 $0xFFFFFFFF  }
0xa5: {  	s5 =	sld [smem:$0x0]  }
0xa6: {  	s6 =	sand.u32 $0xFFFFFFFE, s1  }
0xa7: {  	p0 =	sne.s32 s1, s6  }
0xa8: {  	s6 =	sshll.u32 @p0 s6, $0xE  }
0xa9: {  	s6 =	sadd.s32 @p0 $0x11B8D, s6;
	s7 =	sshll.u32 @p0 s5, $0x11  }
0xaa: {  	s6 =	sor.u32 @p0 s7, s6  }
0xab: {  	[sflag:s6] =	ssyncadd.remote.s32 @p0 $0x1;
	_ =	sdelay $0x1  }
0xac: {  	s6 =	simm.s32 @p0 $0x1B8D  }
0xad: {  	_ =	swait.eq @p0 [sflag:s6], $0x1  }
0xae: {  	[sflag:s6] =	ssyncadd.s32 @p0 $0xFFFFFFFF  }
0xaf: {  	s7 =	sshll.u32 @!p0 s1, $0xE  }
0xb0: {  	s7 =	sor.u32 @!p0 $0x4000, s7;
	s6 =	simm.s32 @!p0 $0x1B8D  }
0xb1: {  	s5 =	sshll.u32 @!p0 s5, $0x11;
	s7 =	sadd.s32 @!p0 $0x11B8D, s7;
	_ =	swait.eq @!p0 [sflag:s6], $0x1  }
0xb2: {  	s5 =	sor.u32 @!p0 s5, s7;
	[sflag:s6] =	ssyncadd.s32 @!p0 $0xFFFFFFFF  }
0xb3: {  	s25 =	simm.s32 $0x1B8E;
	s24 =	sld [smem:$0x3FFE];
	[sflag:s5] =	ssyncadd.remote.s32 @!p0 $0x1  }
0xb4: {  	s26 =	simm.s32 $execute0_lowered;
	[smem:$0x3FD2] =	sst s25  }
0xb5: {  	s6 =	sshll.u32 s26, $0x1;
	_ =	strace $0x8000004F;
	[dreg:$0x1] =	wrdreg $0xFFFFFFFF  }
0xb6: {  	s28 =	simm.s32 $_size_execute0_lowered;
	s4 =	sadd.s32 s4, s6;
	[dreg:$0x0] =	wrdreg $0x0  }
0xb7: {  	s6 =	sshll.u32 s28, $0x1;
	[dreg:$0x2] =	wrdreg s4  }
0xb8: {  	[dreg:$0x3] =	wrdreg s6  }
0xb9: {  	[dreg:$0x4] =	wrdreg $0xC0  }
0xba: {  	_ =	task [dreg:s22], $0x5FFFF  }
0xbb: {  	[dreg:$0x1] =	wrdreg $0xFFFFFFFF  }
0xbc: {  	[dreg:$0x0] =	wrdreg $0x60  }
0xbd: {  	[dreg:$0x2] =	wrdreg s18  }
0xbe: {  	[dreg:$0x3] =	wrdreg s24  }
0xbf: {  	[dreg:$0x4] =	wrdreg $0x118000  }
0xc0: {  	[dreg:$0x5] =	wrdreg $0x9  }
0xc1: {  	_ =	task.clear_ibuf [dreg:s22], $0x6FFFF;
	_ =	strace $0x9000004F  }
0xc2: {  	s29 =	simm.s32 $0x9;
	_ =	strace $0x80000051  }
0xc3: {  	_ =	swait.ge [sflag:s29], $0x1  }
0xc4: {  	[sflag:s29] =	ssyncadd.s32 $0xFFFFFFFF  }
0xc5: {  	_ =	strace $0x90000051  }
0xc6: {  	_ =	sfence  }
0xc7: {  	s30 =	sld [smem:$0x0];
	_ =	sdelay $0x2  }
0xc8: {  	s31 =	sshll.u32 s1, $0xD;
	s1 =	sshrl.u32 s1, $0x2  }
0xc9: {  	s4 =	sand.u32 $0x4000, s31;
	s1 =	sadd.s32 s1, s30  }
0xca: {  	s0 =	sor.u32 s4, s0;
	s1 =	sshll.u32 s1, $0x11  }
0xcb: {  	s0 =	sor.u32 s1, s0  }
0xcc: {  	s0 =	sadd.s32 $0x8F2B, s0  }
0xcd: {  	[sflag:s0] =	ssyncadd.remote.s32 $0x1  }
0xce: {  	_ =	sfence.sel $0xFFFF  }
0xcf: {  	[dreg:$0x0] =	wrdreg $0xFFFFFFFF;
	(pc) =	sbr.abs _section_cstart, $3  }
0xd0: {  	[dreg:$0x1] =	wrdreg $0xFFFFFFFF  }
0xd1: {  	_ =	task.clear_ibuf [dreg:s22], $0x2FFFF;
	_ =	strace $0x9FFFFFFF  }
0xd2: {  	(tm) =	ssettm $0x7FFFFFFF  }
0xd3: {  	_ =	shalt  }
tec
execute0_lowered:
.L_overlay_start_1:
0x0: {  	(tag) =	ssettag $0x1  }
0x1: {  	s1 =	rddreg [dreg:$0x0]  }
0x2: {  	s2 =	srdreg.scid;
	s6 =	rddreg [dreg:$0x1]  }
0x3: {  	s0 =	stileid.u32;
	s3 =	rddreg [dreg:$0x2];
	s4 =	simm.s32 $0x0  }
0x4: {  	s16 =	simm.s32 $0x80;
	s17 =	simm.s32 $0xA000;
	s18 =	simm.s32 $0xC800  }
0x5: {  	s19 =	simm.s32 $0x1;
	s20 =	simm.s32 $0x100;
	s21 =	simm.s32 $0xF000  }
0x6: {  	s22 =	simm.s32 $0x5080;
	s23 =	simm.s32 $0x2;
	s28 =	simm.s32 $0x9F80  }
0x7: {  	s29 =	simm.s32 $0x0;
	s7 =	sand.u32 $0x1, s2;
	s8 =	smul.u32 $0x31600, s0  }
0x8: {  	s24 =	sshll.u32 s0, $0x1;
	[smem:$0x7FF] =	sst s4;
	s11 =	smul.u32 $0xC580, s0  }
0x9: {  	s12 =	sadd.s32 $0x118A00, s6;
	s15 =	sadd.s32 $0xB9280, s3;
	p0 =	seq.s32 s0, $0xF  }
0xa: {  	s5 =	sor.u32 s7, s24;
	s10 =	smul.u32 $0xC3500, s7;
	s7 =	ssub.s32 $0x2, s7  }
0xb: {  	_ =	strace $0x80000050;
	s24 =	simm.s32 $0x180;
	s25 =	sshrl.u32 s7, $0x1  }
0xc: {  	s5 =	smul.u32 $0xA00, s5;
	s8 =	sshrl.u32 s8, $0x2;
	s13 =	ssub.s32 s7, s25  }
0xd: {  	s14 =	sadd.s32 s8, s3;
	s26 =	sadd.s32 s11, s10;
	s31 =	sshrl.u32 s10, $0x3  }
0xe: {  	s25 =	sadd.s32 s11, s3;
	s11 =	sshrl.u32 @p0 s15, $0x3;
	s15 =	simm.s32 $0x5000  }
0xf: {  	s9 =	sadd.s32 s5, s6;
	s5 =	sadd.s32 $0x7AC00, s6;
	s30 =	sshrl.u32 s26, $0x3  }
0x10: {  	s10 =	smax.u32 s13, $0x1;
	s13 =	sshrl.u32 @!p0 s14, $0x3;
	s14 =	simm.s32 $0x3  }
0x11: {  	s25 =	sshrl.u32 @!p0 s25, $0x3;
	s6 =	sadd.s32 $0x3E600, s9;
	s7 =	sadd.s32 $0x2A600, s9  }
0x12: {  	s8 =	sadd.s32 s12, s30;
	s9 =	sadd.s32 s12, s31;
	s12 =	sshll.u32 @!p0 s0, $0x6  }
0x13: {  	s26 =	simm.s32 $0x5100;
	s9 =	sadd.s32 $0x17250, s9;
	s12 =	sor.u32 @!p0 $0x1C03, s12  }
.LBB2_1:
0x14: {  	s30 =	simm.s32 @p0 $0x1FC3  }
0x15: {  	[spmem:s11], [sflag:s30] =	dma.local @p0 [hbm:s5], $0x1450  }
0x16: {  	s30 =	simm.s32 @p0 $0x3  }
0x17: {  	_ =	swait.ge @p0 [sflag:s30], $0x1450  }
0x18: {  	[sflag:s30] =	ssyncset.done @p0 $0x0  }
0x19: {  	[sflag:s30] =	ssyncadd.s32 @p0 $0xFFFFEBB0;
	s30 =	simm.s32 @!p0 $0x3  }
0x1a: {  	[spmem:s13], [sflag:s12] =	dma.local @!p0 [hbm:s5], $0x18B0  }
0x1b: {  	_ =	swait.ge @!p0 [sflag:s30], $0x18B0  }
0x1c: {  	[sflag:s30] =	ssyncset.done @!p0 $0x0  }
0x1d: {  	[sflag:s30] =	ssyncadd.s32 @!p0 $0xFFFFE750  }
0x1e: {  	[tilespmem:s4], [sflag:$0x3] =	stream.linear.gather [hbm4b:s6+s4], $0x5000, $0x38;
	[tilespmem:$0x1DB50] =	vst v63  }
0x1f: {  	_ =	swait.ge [sflag:s14], $0x5000  }
0x20: {  	[sflag:s14] =	ssyncset.done $0x0  }
0x21: {  	[sflag:s14] =	ssyncadd.s32 $0xFFFFB000  }
0x22: {  	[tilespmem:s15], [sflag:$0x3] =	stream.linear.gather [hbm4b:s7+s4], $0x5000, $0x38;
	[tilespmem:$0x1DB50] =	vst v63  }
0x23: {  	_ =	swait.ge [sflag:s14], $0x5000  }
0x24: {  	[sflag:s14] =	ssyncset.done $0x0  }
0x25: {  	[sflag:s14] =	ssyncadd.s32 $0xFFFFB000  }
0x26: {  	[bflag:$0x0] =	sbarrier.arrive $0xFFFF  }
0x27: {  	[tilespmem:s17], [sflag:$0x1] =	stream.indirect.gather [hbm4b:s1+s16], $0x50, s4, s16, $0xb8;
	[tilespmem:$0x1DB50] =	vst v63  }
0x28: {  	_ = 	snop  }
0x29: {  	[tilespmem:s18], [sflag:$0x1] =	stream.indirect.gather [hbm4b:s1+s16], $0x50, s16, s16, $0xb8;
	[tilespmem:$0x1DB50] =	vst v63  }
0x2a: {  	_ =	swait.ge [sflag:s19], $0x2800  }
0x2b: {  	[sflag:s19] =	ssyncset.done $0x0  }
0x2c: {  	[sflag:s19] =	ssyncadd.s32 $0xFFFFD800  }
0x2d: {  	[spmem:s3] =	stream.indirect.scatter.add.f32 [tilespmem:s17], [sflag:$0x2], $0x50, s15, s16, $0xb8;
	[tilespmem:$0x1DB50] =	vst v63  }
0x2e: {  	_ = 	snop  }
0x2f: {  	[tilespmem:s21], [sflag:$0x1] =	stream.indirect.gather [hbm4b:s1+s16], $0x50, s20, s16, $0xb8;
	[tilespmem:$0x1DB50] =	vst v63  }
0x30: {  	_ =	swait.ge [sflag:s19], $0x2800  }
0x31: {  	[sflag:s19] =	ssyncset.done $0x0  }
0x32: {  	[sflag:s19] =	ssyncadd.s32 $0xFFFFD800  }
0x33: {  	[spmem:s3] =	stream.indirect.scatter.add.f32 [tilespmem:s18], [sflag:$0x2], $0x50, s22, s16, $0xb8;
	[tilespmem:$0x1DB50] =	vst v63  }
0x34: {  	_ =	swait.ge [sflag:s23], $0x2800  }
0x35: {  	[sflag:s23] =	ssyncset.done $0x0  }
0x36: {  	[sflag:s23] =	ssyncadd.s32 $0xFFFFD800  }
0x37: {  	[tilespmem:s17], [sflag:$0x1] =	stream.indirect.gather [hbm4b:s1+s16], $0x50, s24, s16, $0xb8;
	[tilespmem:$0x1DB50] =	vst v63  }
0x38: {  	_ =	swait.ge [sflag:s19], $0x2800  }
0x39: {  	[sflag:s19] =	ssyncset.done $0x0  }
0x3a: {  	[sflag:s19] =	ssyncadd.s32 $0xFFFFD800  }
0x3b: {  	[spmem:s3] =	stream.indirect.scatter.add.f32 [tilespmem:s21], [sflag:$0x2], $0x50, s26, s16, $0xb8;
	[tilespmem:$0x1DB50] =	vst v63  }
0x3c: {  	_ =	swait.ge [sflag:s23], $0x2800  }
0x3d: {  	[sflag:s23] =	ssyncset.done $0x0  }
0x3e: {  	s30 =	simm.s32 $0x200;
	[sflag:s23] =	ssyncadd.s32 $0xFFFFD800  }
0x3f: {  	[tilespmem:s18], [sflag:$0x1] =	stream.indirect.gather [hbm4b:s1+s16], $0x50, s30, s16, $0xb8;
	[tilespmem:$0x1DB50] =	vst v63  }
0x40: {  	_ =	swait.ge [sflag:s19], $0x2800  }
0x41: {  	[sflag:s19] =	ssyncset.done $0x0  }
0x42: {  	s30 =	simm.s32 $0x5180;
	[sflag:s19] =	ssyncadd.s32 $0xFFFFD800  }
0x43: {  	[spmem:s3] =	stream.indirect.scatter.add.f32 [tilespmem:s17], [sflag:$0x2], $0x50, s30, s16, $0xb8;
	[tilespmem:$0x1DB50] =	vst v63  }
0x44: {  	_ =	swait.ge [sflag:s23], $0x2800  }
0x45: {  	[sflag:s23] =	ssyncset.done $0x0  }
0x46: {  	s30 =	simm.s32 $0x280;
	[sflag:s23] =	ssyncadd.s32 $0xFFFFD800  }
0x47: {  	[tilespmem:s21], [sflag:$0x1] =	stream.indirect.gather [hbm4b:s1+s16], $0x50, s30, s16, $0xb8;
	[tilespmem:$0x1DB50] =	vst v63  }
0x48: {  	_ =	swait.ge [sflag:s19], $0x2800  }
0x49: {  	[sflag:s19] =	ssyncset.done $0x0  }
0x4a: {  	s30 =	simm.s32 $0x5200;
	[sflag:s19] =	ssyncadd.s32 $0xFFFFD800  }
0x4b: {  	[spmem:s3] =	stream.indirect.scatter.add.f32 [tilespmem:s18], [sflag:$0x2], $0x50, s30, s16, $0xb8;
	[tilespmem:$0x1DB50] =	vst v63  }
0x4c: {  	_ =	swait.ge [sflag:s23], $0x2800  }
0x4d: {  	[sflag:s23] =	ssyncset.done $0x0  }
0x4e: {  	s30 =	simm.s32 $0x300;
	[sflag:s23] =	ssyncadd.s32 $0xFFFFD800  }
0x4f: {  	[tilespmem:s17], [sflag:$0x1] =	stream.indirect.gather [hbm4b:s1+s16], $0x50, s30, s16, $0xb8;
	[tilespmem:$0x1DB50] =	vst v63  }
0x50: {  	_ =	swait.ge [sflag:s19], $0x2800  }
0x51: {  	[sflag:s19] =	ssyncset.done $0x0  }
0x52: {  	s31 =	simm.s32 $0x5280;
	s30 =	simm.s32 $0x600;
	[sflag:s19] =	ssyncadd.s32 $0xFFFFD800  }
.LBB2_2:
0x53: {  	[spmem:s3] =	stream.indirect.scatter.add.f32 [tilespmem:s21], [sflag:$0x2], $0x50, s31, s16, $0xb8;
	[tilespmem:$0x1DB50] =	vst v63  }
0x54: {  	s31 =	smov.u32 s30  }
0x55: {  	p1 =	sne.s32 s30, $0x13200;
	s30 =	sadd.s32 $0x600, s30;
	_ =	swait.ge [sflag:s23], $0x2800  }
0x56: {  	s31 =	sshra.s32 s31, $0x2;
	[sflag:s23] =	ssyncset.done $0x0  }
0x57: {  	s2 =	sadd.s32 $0x200, s31;
	[sflag:s23] =	ssyncadd.s32 $0xFFFFD800  }
0x58: {  	[tilespmem:s18], [sflag:$0x1] =	stream.indirect.gather [hbm4b:s1+s16], $0x50, s2, s16, $0xb8;
	[tilespmem:$0x1DB50] =	vst v63  }
0x59: {  	_ =	swait.ge [sflag:s19], $0x2800  }
0x5a: {  	[sflag:s19] =	ssyncset.done $0x0  }
0x5b: {  	s2 =	sadd.s32 $0x5180, s31;
	[sflag:s19] =	ssyncadd.s32 $0xFFFFD800  }
0x5c: {  	[spmem:s3] =	stream.indirect.scatter.add.f32 [tilespmem:s17], [sflag:$0x2], $0x50, s2, s16, $0xb8;
	[tilespmem:$0x1DB50] =	vst v63  }
0x5d: {  	_ =	swait.ge [sflag:s23], $0x2800  }
0x5e: {  	[sflag:s23] =	ssyncset.done $0x0  }
0x5f: {  	s2 =	sadd.s32 $0x280, s31;
	[sflag:s23] =	ssyncadd.s32 $0xFFFFD800  }
0x60: {  	[tilespmem:s21], [sflag:$0x1] =	stream.indirect.gather [hbm4b:s1+s16], $0x50, s2, s16, $0xb8;
	[tilespmem:$0x1DB50] =	vst v63  }
0x61: {  	_ =	swait.ge [sflag:s19], $0x2800  }
0x62: {  	[sflag:s19] =	ssyncset.done $0x0  }
0x63: {  	s2 =	sadd.s32 $0x5200, s31;
	[sflag:s19] =	ssyncadd.s32 $0xFFFFD800  }
0x64: {  	[spmem:s3] =	stream.indirect.scatter.add.f32 [tilespmem:s18], [sflag:$0x2], $0x50, s2, s16, $0xb8;
	[tilespmem:$0x1DB50] =	vst v63  }
0x65: {  	_ =	swait.ge [sflag:s23], $0x2800  }
0x66: {  	[sflag:s23] =	ssyncset.done $0x0  }
.Ltmp0:
0x67: {  	s2 =	sadd.s32 $0x300, s31;
	[sflag:s23] =	ssyncadd.s32 $0xFFFFD800;
	(pc) =	sbr.rel @p1 .LBB2_2-.Ltmp0, $4  }
0x68: {  	[tilespmem:s17], [sflag:$0x1] =	stream.indirect.gather [hbm4b:s1+s16], $0x50, s2, s16, $0xb8;
	[tilespmem:$0x1DB50] =	vst v63  }
0x69: {  	_ =	swait.ge [sflag:s19], $0x2800  }
0x6a: {  	[sflag:s19] =	ssyncset.done $0x0  }
0x6b: {  	s31 =	sadd.s32 $0x5280, s31;
	[sflag:s19] =	ssyncadd.s32 $0xFFFFD800  }
0x6c: {  	[spmem:s3] =	stream.indirect.scatter.add.f32 [tilespmem:s21], [sflag:$0x2], $0x50, s31, s16, $0xb8;
	[tilespmem:$0x1DB50] =	vst v63  }
0x6d: {  	_ =	swait.ge [sflag:s23], $0x2800  }
0x6e: {  	[sflag:s23] =	ssyncset.done $0x0  }
0x6f: {  	[sflag:s23] =	ssyncadd.s32 $0xFFFFD800  }
0x70: {  	_ =	swait.ge [sflag:s19], $0x2800  }
0x71: {  	[sflag:s19] =	ssyncset.done $0x0  }
0x72: {  	[sflag:s19] =	ssyncadd.s32 $0xFFFFD800  }
0x73: {  	[spmem:s3] =	stream.indirect.scatter.add.f32 [tilespmem:s17], [sflag:$0x2], $0x50, s28, s16, $0xb8;
	[tilespmem:$0x1DB50] =	vst v63  }
0x74: {  	_ =	swait.ge [sflag:s23], $0x2800  }
0x75: {  	[sflag:s23] =	ssyncset.done $0x0  }
0x76: {  	[sflag:s23] =	ssyncadd.s32 $0xFFFFD800  }
0x77: {  	_ =	swait.ge [sflag:s23], $0x2800  }
0x78: {  	[sflag:s23] =	ssyncset.done $0x0  }
0x79: {  	[sflag:s23] =	ssyncadd.s32 $0xFFFFD800  }
0x7a: {  	s2 =	simm.s32 @p0 $0x1FC3;
	[bflag:$0x0] =	sbarrier.arrive $0xFFFF  }
0x7b: {  	[hbm:s9], [sflag:s2] =	dma.local @p0 [spmem:s11], $0x1450  }
0x7c: {  	s2 =	simm.s32 @p0 $0x3  }
0x7d: {  	s29 =	sadd.s32 $0x1, s29;
	_ =	swait.ge @p0 [sflag:s2], $0x1450  }
0x7e: {  	p1 =	sne.s32 s29, s10;
	[sflag:s2] =	ssyncset.done @p0 $0x0  }
.Ltmp1:
0x7f: {  	[sflag:s2] =	ssyncadd.s32 @p0 $0xFFFFEBB0;
	s2 =	simm.s32 @!p0 $0x3;
	(pc) =	sbr.rel @p1 .LBB2_1-.Ltmp1, $4  }
0x80: {  	[hbm:s8], [sflag:s12] =	dma.local @!p0 [spmem:s25], $0x18B0  }
0x81: {  	_ =	swait.ge @!p0 [sflag:s2], $0x18B0  }
0x82: {  	[sflag:s2] =	ssyncset.done @!p0 $0x0  }
0x83: {  	[sflag:s2] =	ssyncadd.s32 @!p0 $0xFFFFE750  }
0x84: {  	_ =	sfence.sel $0x180000  }
0x85: {  	[bflag:$0x0] =	sbarrier.arrive $0xFFFF  }
0x86: {  	_ =	strace $0x90000050  }
0x87: {  	[bflag:$0x2] =	sbarrier.arrive $0xFFFF  }
0x88: {  	p0 =	sne.s32 s0, $0x0;
	s0 =	rddreg [dreg:$0x3]  }
0x89: {  	s0 =	sadd.s32 @!p0 $0x100000, s0  }
0x8a: {  	[sflag:s0] =	ssyncadd.tile.s32 @!p0 $0x1;
	_ =	shalt  }
.Lfunc_end2:
_tile_overlayer_lowered:
.L_overlay_start_2:
0x8b: {  	(tag) =	ssettag $0x2  }
0x8c: {  	s0 =	rddreg [dreg:$0x0];
	s2 =	stileid.u32  }
0x8d: {  	s1 =	rddreg [dreg:$0x1];
	p0 =	sne.s32 s2, $0x0  }
0x8e: {  	s3 =	rddreg [dreg:$0x2];
	[bflag:$0x3] =	sbarrier.arrive $0xFFFF;
	s2 =	simm.s32 @!p0 $0x1C03  }
0x8f: {  	[timem:s3], [sflag:s2] =	dma.local @!p0 [hbm:s0], s1  }
0x90: {  	s0 =	simm.s32 @!p0 $0x3  }
0x91: {  	_ =	swait.ge @!p0 [sflag:s0], s1  }
0x92: {  	s1 =	ssub.s32 @!p0 $0x0, s1;
	[sflag:s0] =	ssyncset.done @!p0 $0x0  }
0x93: {  	[sflag:s0] =	ssyncadd.s32 @!p0 s1  }
0x94: {  	[bflag:$0x3] =	sbarrier.arrive $0xFFFF  }
0x95: {  	_ =	shalt  }

// kernel: kernel.17.cloned.1.call-start
scs
__scs_entry_jumppad:
0x0: {  	(pc) =	sbr.rel $0x88, $3  }
0x1: {  	(tag) =	ssettag $0x0;
	lr =	simm.s32 $0x1  }
0x2: {  	[smem:$0x3F91] =	sst lr;
	_ =	strace $0xD0000000  }
0x3: {  	_ = 	snop  }
0x4: {  	_ = 	snop  }
0x5: {  	_ = 	snop  }
0x6: {  	_ = 	snop  }
0x7: {  	_ = 	snop  }
__scs_overlays_trampoline_lowered:
0x8: {  	[smem:$0x3FA0] =	sst s0  }
0x9: {  	[smem:$0x3FA1] =	sst s1  }
0xa: {  	[smem:$0x3FA2] =	sst s2  }
0xb: {  	[smem:$0x3FA3] =	sst s3  }
0xc: {  	[smem:$0x3FA4] =	sst s4  }
0xd: {  	[smem:$0x3FA5] =	sst s5  }
0xe: {  	[smem:$0x3FA6] =	sst s6  }
0xf: {  	[smem:$0x3FA7] =	sst s7  }
0x10: {  	[smem:$0x3FA8] =	sst s8  }
0x11: {  	[smem:$0x3FA9] =	sst s9;
	s0 =	simm.s32 @!p0 $0x0  }
0x12: {  	s1 =	sld [smem:$0x3F8F];
	s0 =	simm.s32 @p0 $0x1  }
0x13: {  	[smem:$0x3FAA] =	sst s0;
	s0 =	simm.s32 @!p1 $0x0  }
0x14: {  	s2 =	sld [smem:$0x3F8E];
	s0 =	simm.s32 @p1 $0x1  }
0x15: {  	[smem:$0x3FAB] =	sst s0;
	s0 =	simm.s32 @!p2 $0x0  }
0x16: {  	s3 =	sld [smem:$0x3FDB];
	s0 =	simm.s32 @p2 $0x1  }
0x17: {  	s4 =	simm.s32 $0x1BF5;
	[smem:$0x3FAD] =	sst s0  }
0x18: {  	s0 =	sld [smem:$0x3F90];
	_ =	swait.ge [sflag:s4], $0x0  }
0x19: {  	s7 =	sld [smem:$0x3F91]  }
0x1a: {  	s8 =	sadd.s32 $0xFFFFE003, lr  }
0x1b: {  	s9 =	sadd.s32 $0xFFFFFEF7, lr;
	s5 =	simm.s32 $0xFFFFFFFF;
	p2 =	slt.u32 s8, $0xFFFFF086  }
0x1c: {  	p1 =	slt.u32 s9, $0xF7A;
	s5 =	simm.s32 @!p2 $0x0  }
0x1d: {  	s5 =	simm.s32 @p1 $0x1;
	p0 =	seq.s32 s7, s2  }
0x1e: {  	s7 =	smul.u32 @!p0 $0xF7A, s2;
	p2 =	seq.s32 @!p0 s5, $0x0  }
0x1f: {  	s9 =	smul.u32 $0xF7A, s1;
	s8 =	simm.s32 @!p0 $0x1BF5;
	p2 =	por !p2, p0  }
0x20: {  	[sflag:s8] =	ssyncset.s32 @!p0 $0xFFFFF086;
	s6 =	sadd.s32 @!p0 s3, s7;
	s7 =	simm.s32 @!p0 $0x108  }
0x21: {  	s3 =	sadd.s32 s3, s9;
	s6 =	sadd.s32 @!p0 $0x88, s6;
	s7 =	simm.s32 @p2 $0x1082  }
0x22: {  	[simem:s7], [sflag:s8] =	dma.local @!p0 [hbm:s6], $0xF7A  }
0x23: {  	s9 =	sor.u32 $0xD0000000, s2;
	s6 =	simm.s32 $0x108;
	_ =	swait.ge @!p0 [sflag:s8], $0x0  }
0x24: {  	s3 =	sadd.s32 $0x88, s3;
	s6 =	simm.s32 @!p1 $0x1082;
	[sflag:s4] =	ssyncset.s32 $0xFFFFF086  }
0x25: {  	[simem:s6], [sflag:s4] =	dma.local [hbm:s3], $0xF7A  }
0x26: {  	[smem:$0x3F91] =	sst s1;
	(tag) =	ssettag s2;
	_ =	strace s9  }
0x27: {  	s1 =	sld [smem:$0x3FA1]  }
0x28: {  	s2 =	sld [smem:$0x3FA2]  }
0x29: {  	s4 =	sld [smem:$0x3FA4]  }
0x2a: {  	p0 =	seq.s32 s5, $0x0;
	s5 =	sld [smem:$0x3FA5]  }
0x2b: {  	s6 =	sld [smem:$0x3FA6]  }
0x2c: {  	s7 =	sld [smem:$0x3FA7]  }
0x2d: {  	s3 =	simm.s32 $0x108;
	s8 =	sld [smem:$0x3FA8]  }
0x2e: {  	s3 =	simm.s32 @!p0 $0x1082;
	s9 =	sld [smem:$0x3FA9]  }
0x2f: {  	lr =	sadd.s32 s0, s3;
	s0 =	sld [smem:$0x3FA0]  }
0x30: {  	s3 =	sld [smem:$0x3FA3]  }
0x31: {  	[smem:$0x3FAC] =	sst s10  }
0x32: {  	s10 =	sld [smem:$0x3FAA];
	_ =	sdelay $0x3  }
0x33: {  	p0 =	seq.s32 s10, $0x1;
	s10 =	sld [smem:$0x3FAC];
	_ =	sdelay $0x3  }
0x34: {  	[smem:$0x3FAC] =	sst s10  }
0x35: {  	s10 =	sld [smem:$0x3FAB];
	_ =	sdelay $0x3  }
0x36: {  	p1 =	seq.s32 s10, $0x1;
	s10 =	sld [smem:$0x3FAC];
	_ =	sdelay $0x3  }
0x37: {  	[smem:$0x3FAC] =	sst s10  }
0x38: {  	s10 =	sld [smem:$0x3FAD]  }
0x39: {  	_ = 	snop;
	(pc) =	sbr.ind lr, $3  }
0x3a: {  	_ = 	snop  }
0x3b: {  	_ = 	snop  }
0x3c: {  	p2 =	seq.s32 s10, $0x1;
	s10 =	sld [smem:$0x3FAC]  }
0x3d: {  	_ =	shalt  }
0x3e: {  	_ =	shalt  }
0x3f: {  	_ =	shalt  }
0x40: {  	_ =	shalt  }
0x41: {  	_ =	shalt  }
0x42: {  	_ =	shalt  }
0x43: {  	_ =	shalt  }
0x44: {  	_ =	shalt  }
0x45: {  	_ =	shalt  }
0x46: {  	_ =	shalt  }
0x47: {  	_ =	shalt  }
0x48: {  	_ =	shalt  }
0x49: {  	_ =	shalt  }
0x4a: {  	_ =	shalt  }
0x4b: {  	_ =	shalt  }
0x4c: {  	_ =	shalt  }
0x4d: {  	_ =	shalt  }
0x4e: {  	_ =	shalt  }
0x4f: {  	_ =	shalt  }
0x50: {  	_ =	shalt  }
0x51: {  	_ =	shalt  }
0x52: {  	_ =	shalt  }
0x53: {  	_ =	shalt  }
0x54: {  	_ =	shalt  }
0x55: {  	_ =	shalt  }
0x56: {  	_ =	shalt  }
0x57: {  	_ =	shalt  }
0x58: {  	_ =	shalt  }
0x59: {  	_ =	shalt  }
0x5a: {  	_ =	shalt  }
0x5b: {  	_ =	shalt  }
0x5c: {  	_ =	shalt  }
0x5d: {  	_ =	shalt  }
0x5e: {  	_ =	shalt  }
0x5f: {  	_ =	shalt  }
0x60: {  	_ =	shalt  }
0x61: {  	_ =	shalt  }
0x62: {  	_ =	shalt  }
0x63: {  	_ =	shalt  }
0x64: {  	_ =	shalt  }
0x65: {  	_ =	shalt  }
0x66: {  	_ =	shalt  }
0x67: {  	_ =	shalt  }
0x68: {  	_ =	shalt  }
0x69: {  	_ =	shalt  }
0x6a: {  	_ =	shalt  }
0x6b: {  	_ =	shalt  }
0x6c: {  	_ =	shalt  }
0x6d: {  	_ =	shalt  }
0x6e: {  	_ =	shalt  }
0x6f: {  	_ =	shalt  }
0x70: {  	_ =	shalt  }
0x71: {  	_ =	shalt  }
0x72: {  	_ =	shalt  }
0x73: {  	_ =	shalt  }
0x74: {  	_ =	shalt  }
0x75: {  	_ =	shalt  }
0x76: {  	_ =	shalt  }
0x77: {  	_ =	shalt  }
0x78: {  	_ =	shalt  }
0x79: {  	_ =	shalt  }
0x7a: {  	_ =	shalt  }
0x7b: {  	_ =	shalt  }
0x7c: {  	_ =	shalt  }
0x7d: {  	_ =	shalt  }
0x7e: {  	_ =	shalt  }
0x7f: {  	_ =	shalt  }
0x80: {  	_ =	shalt  }
0x81: {  	_ =	shalt  }
0x82: {  	_ =	shalt  }
0x83: {  	_ =	shalt  }
0x84: {  	_ =	shalt  }
0x85: {  	_ =	shalt  }
0x86: {  	_ =	shalt  }
0x87: {  	_ =	shalt  }
.Lfunc_end0:
.L_simem_size_0:
called_computation.3_lowered:
.L_overlay_start_0:
0x88: {  	s2 =	sld [smem:$0x3FD9]  }
0x89: {  	s3 =	sld [smem:$0x3FFE];
	_ =	sdelay $0x1  }
0x8a: {  	s1 =	srdreg.scid  }
0x8b: {  	s0 =	sand.u32 $0x1, s1  }
0x8c: {  	s16 =	sshll.u32 s0, $0xA;
	s2 =	sadd.s32 s3, s2  }
0x8d: {  	s2 =	sadd.s32 s2, s16  }
0x8e: {  	[smem:$0x3FB8] =	sst s2  }
0x8f: {  	_ = 	snop  }
0x90: {  	(tm) =	ssettm $0x1  }
0x91: {  	s17 =	sld [smem:$0x3FFB];
	_ =	sdelay $0x3  }
0x92: {  	_ =	strace s17  }
0x93: {  	s2 =	sld [smem:$0x3FFC];
	_ =	sdelay $0x3  }
0x94: {  	_ =	strace s2  }
0x95: {  	s2 =	sld [smem:$0x3FFD];
	_ =	sdelay $0x3  }
0x96: {  	_ =	strace s2  }
0x97: {  	_ =	strace $0x8FFFFFFF  }
0x98: {  	s18 =	sld [smem:$0x3FDB];
	_ =	sdelay $0x1  }
0x99: {  	s19 =	simm.s32 $_scs_section_size  }
0x9a: {  	s4 =	simm.s32 $_size__tile_overlayer_lowered;
	s5 =	simm.s32 $_tile_overlayer_lowered  }
0x9b: {  	s22 =	simm.s32 $0x1BFF;
	s21 =	sshll.u32 s5, $0x1;
	s2 =	sadd.s32 s19, s18  }
0x9c: {  	s6 =	simm.s32 $0x0;
	s20 =	sshll.u32 s4, $0x1;
	s4 =	sadd.s32 s21, s2  }
0x9d: {  	[timem:s6], [sflag:s22] =	dma.local [hbm:s4], s20  }
0x9e: {  	_ =	swait.ge [sflag:s22], s20  }
0x9f: {  	s3 =	ssub.s32 $0x0, s20;
	[sflag:s22] =	ssyncset.done $0x0  }
0xa0: {  	[sflag:s22] =	ssyncadd.s32 s3;
	_ =	sdelay $0x1  }
0xa1: {  	s23 =	simm.s32 $0x1B8B  }
0xa2: {  	_ =	swait.ge [sflag:s23], $0x1  }
0xa3: {  	[sflag:s23] =	ssyncset.done $0x0  }
0xa4: {  	s25 =	simm.s32 $0x1B8E;
	s24 =	sld [smem:$0x3FFE];
	[sflag:s23] =	ssyncadd.s32 $0xFFFFFFFF  }
0xa5: {  	s26 =	simm.s32 $execute0_lowered;
	[smem:$0x3FD2] =	sst s25  }
0xa6: {  	s4 =	sshll.u32 s26, $0x1;
	_ =	strace $0x8000004C;
	[dreg:$0x1] =	wrdreg $0xFFFFFFFF  }
0xa7: {  	s28 =	simm.s32 $_size_execute0_lowered;
	s2 =	sadd.s32 s2, s4;
	[dreg:$0x0] =	wrdreg $0x0  }
0xa8: {  	s4 =	sshll.u32 s28, $0x1;
	[dreg:$0x2] =	wrdreg s2  }
0xa9: {  	[dreg:$0x3] =	wrdreg s4  }
0xaa: {  	[dreg:$0x4] =	wrdreg $0xC0  }
0xab: {  	_ =	task [dreg:s6], $0x5FFFF  }
0xac: {  	[dreg:$0x1] =	wrdreg $0xFFFFFFFF  }
0xad: {  	[dreg:$0x0] =	wrdreg $0x60  }
0xae: {  	[dreg:$0x2] =	wrdreg s24  }
0xaf: {  	[dreg:$0x3] =	wrdreg $0x120000  }
0xb0: {  	[dreg:$0x4] =	wrdreg $0xA  }
0xb1: {  	_ =	task.clear_ibuf [dreg:s6], $0x5FFFF;
	_ =	strace $0x9000004C  }
0xb2: {  	s29 =	simm.s32 $0xA;
	_ =	strace $0x8000004E  }
0xb3: {  	_ =	swait.ge [sflag:s29], $0x1  }
0xb4: {  	[sflag:s29] =	ssyncadd.s32 $0xFFFFFFFF  }
0xb5: {  	_ =	strace $0x9000004E  }
0xb6: {  	_ =	sfence  }
0xb7: {  	s30 =	sld [smem:$0x0];
	_ =	sdelay $0x2  }
0xb8: {  	s31 =	sshll.u32 s1, $0xD;
	s1 =	sshrl.u32 s1, $0x2  }
0xb9: {  	s3 =	sand.u32 $0x4000, s31;
	s1 =	sadd.s32 s1, s30  }
0xba: {  	s0 =	sor.u32 s3, s0;
	s1 =	sshll.u32 s1, $0x11  }
0xbb: {  	s0 =	sor.u32 s1, s0  }
0xbc: {  	s0 =	sadd.s32 $0x8F2B, s0  }
0xbd: {  	[sflag:s0] =	ssyncadd.remote.s32 $0x1  }
0xbe: {  	_ =	sfence.sel $0xFFFF  }
0xbf: {  	[dreg:$0x0] =	wrdreg $0xFFFFFFFF;
	(pc) =	sbr.abs _section_cstart, $3  }
0xc0: {  	[dreg:$0x1] =	wrdreg $0xFFFFFFFF  }
0xc1: {  	_ =	task.clear_ibuf [dreg:s6], $0x2FFFF;
	_ =	strace $0x9FFFFFFF  }
0xc2: {  	(tm) =	ssettm $0x7FFFFFFF  }
0xc3: {  	_ =	shalt  }
tec
execute0_lowered:
.L_overlay_start_1:
0x0: {  	(tag) =	ssettag $0x1  }
0x1: {  	s0 =	rddreg [dreg:$0x0];
	s1 =	srdreg.scid  }
0x2: {  	s12 =	stileid.u32;
	s2 =	rddreg [dreg:$0x1]  }
0x3: {  	s3 =	simm.s32 $0x0;
	s14 =	simm.s32 $0x3;
	s15 =	simm.s32 $0x5000  }
0x4: {  	s16 =	simm.s32 $0x80;
	s17 =	simm.s32 $0xA000;
	s18 =	simm.s32 $0xC000  }
0x5: {  	s20 =	simm.s32 $0xE000;
	s21 =	simm.s32 $0x1;
	s23 =	simm.s32 $0x10000  }
0x6: {  	s26 =	simm.s32 $0x2;
	s22 =	simm.s32 $0x9E80;
	s24 =	simm.s32 $0x9F00  }
0x7: {  	s28 =	simm.s32 $0x9F80;
	s29 =	simm.s32 $0x0;
	s1 =	sand.u32 $0x1, s1  }
0x8: {  	s4 =	sshll.u32 s12, $0x1;
	[smem:$0x7FF] =	sst s3;
	s6 =	smul.u32 $0x27800, s12  }
0x9: {  	s10 =	smul.u32 $0x9E00, s12;
	s11 =	sadd.s32 $0x94200, s2;
	p0 =	seq.s32 s12, $0xF  }
0xa: {  	s4 =	sor.u32 s1, s4;
	_ =	strace $0x8000004D;
	s9 =	smul.u32 $0x9C400, s1  }
0xb: {  	s1 =	ssub.s32 $0x2, s1;
	s11 =	sshrl.u32 @p0 s11, $0x3;
	s5 =	smul.u32 $0xA00, s4  }
0xc: {  	s4 =	sadd.s32 $0x3400, s0;
	s8 =	sshrl.u32 s1, $0x1;
	s6 =	sshrl.u32 s6, $0x2  }
0xd: {  	s19 =	sadd.s32 s10, s2;
	s1 =	ssub.s32 s1, s8;
	s13 =	sadd.s32 s6, s2  }
0xe: {  	s31 =	sadd.s32 s10, s9;
	s9 =	sshrl.u32 s9, $0x3;
	s25 =	sshrl.u32 @!p0 s19, $0x3  }
0xf: {  	s19 =	simm.s32 $0x4F80;
	s7 =	sadd.s32 s5, s0;
	s5 =	sadd.s32 $0x52600, s0  }
0x10: {  	s0 =	sadd.s32 $0x53A00, s0;
	s8 =	sshrl.u32 s31, $0x3;
	s10 =	smax.u32 s1, $0x1  }
0x11: {  	s13 =	sshrl.u32 @!p0 s13, $0x3;
	s8 =	sadd.s32 s0, s8;
	s0 =	sadd.s32 s0, s9  }
0x12: {  	s6 =	sadd.s32 $0x3E600, s7;
	s9 =	sadd.s32 $0x12840, s0;
	s0 =	sshll.u32 @!p0 s12, $0x6  }
0x13: {  	s7 =	sadd.s32 $0x2A600, s7;
	s12 =	sor.u32 @!p0 $0x1C03, s0;
	s0 =	simm.s32 $0x9E00  }
.LBB2_1:
0x14: {  	s30 =	simm.s32 @p0 $0x1FC3  }
0x15: {  	[spmem:s11], [sflag:s30] =	dma.local @p0 [hbm:s5], $0x1040  }
0x16: {  	s30 =	simm.s32 @p0 $0x3  }
0x17: {  	_ =	swait.ge @p0 [sflag:s30], $0x1040  }
0x18: {  	[sflag:s30] =	ssyncset.done @p0 $0x0  }
0x19: {  	[sflag:s30] =	ssyncadd.s32 @p0 $0xFFFFEFC0;
	s30 =	simm.s32 @!p0 $0x3  }
0x1a: {  	[spmem:s13], [sflag:s12] =	dma.local @!p0 [hbm:s5], $0x13C0  }
0x1b: {  	_ =	swait.ge @!p0 [sflag:s30], $0x13C0  }
0x1c: {  	[sflag:s30] =	ssyncset.done @!p0 $0x0  }
0x1d: {  	[sflag:s30] =	ssyncadd.s32 @!p0 $0xFFFFEC40  }
0x1e: {  	[tilespmem:s3], [sflag:$0x3] =	stream.linear.gather [hbm4b:s6+s3], $0x5000, $0x38;
	[tilespmem:$0x1BC40] =	vst v63  }
0x1f: {  	_ =	swait.ge [sflag:s14], $0x5000  }
0x20: {  	[sflag:s14] =	ssyncset.done $0x0  }
0x21: {  	[sflag:s14] =	ssyncadd.s32 $0xFFFFB000  }
0x22: {  	[tilespmem:s15], [sflag:$0x3] =	stream.linear.gather [hbm4b:s7+s3], $0x5000, $0x38;
	[tilespmem:$0x1BC40] =	vst v63  }
0x23: {  	_ =	swait.ge [sflag:s14], $0x5000  }
0x24: {  	[sflag:s14] =	ssyncset.done $0x0  }
0x25: {  	[sflag:s14] =	ssyncadd.s32 $0xFFFFB000  }
0x26: {  	[bflag:$0x0] =	sbarrier.arrive $0xFFFF  }
0x27: {  	[tilespmem:s17], [sflag:$0x1] =	stream.indirect.gather [hbm4b:s4+s16], $0x40, s3, s16, $0xb8;
	[tilespmem:$0x1BC40] =	vst v63  }
0x28: {  	_ = 	snop  }
0x29: {  	[tilespmem:s18], [sflag:$0x1] =	stream.indirect.gather [hbm4b:s4+s16], $0x40, s16, s16, $0xb8;
	[tilespmem:$0x1BC40] =	vst v63  }
0x2a: {  	s1 =	simm.s32 $0x100  }
0x2b: {  	[tilespmem:s20], [sflag:$0x1] =	stream.indirect.gather [hbm4b:s4+s16], $0x40, s1, s16, $0xb8;
	[tilespmem:$0x1BC40] =	vst v63  }
0x2c: {  	_ =	swait.ge [sflag:s21], $0x2000  }
0x2d: {  	[sflag:s21] =	ssyncset.done $0x0  }
0x2e: {  	[sflag:s21] =	ssyncadd.s32 $0xFFFFE000  }
0x2f: {  	[spmem:s2] =	stream.indirect.scatter.add.f32 [tilespmem:s17], [sflag:$0x2], $0x40, s15, s16, $0xb8;
	[tilespmem:$0x1BC40] =	vst v63  }
0x30: {  	s1 =	simm.s32 $0x180  }
0x31: {  	[tilespmem:s23], [sflag:$0x1] =	stream.indirect.gather [hbm4b:s4+s16], $0x40, s1, s16, $0xb8;
	[tilespmem:$0x1BC40] =	vst v63  }
0x32: {  	_ =	swait.ge [sflag:s21], $0x2000  }
0x33: {  	[sflag:s21] =	ssyncset.done $0x0  }
0x34: {  	s1 =	simm.s32 $0x5080;
	[sflag:s21] =	ssyncadd.s32 $0xFFFFE000  }
0x35: {  	[spmem:s2] =	stream.indirect.scatter.add.f32 [tilespmem:s18], [sflag:$0x2], $0x40, s1, s16, $0xb8;
	[tilespmem:$0x1BC40] =	vst v63  }
0x36: {  	_ =	swait.ge [sflag:s26], $0x2000  }
0x37: {  	[sflag:s26] =	ssyncset.done $0x0  }
0x38: {  	s1 =	simm.s32 $0x200;
	[sflag:s26] =	ssyncadd.s32 $0xFFFFE000  }
0x39: {  	[tilespmem:s17], [sflag:$0x1] =	stream.indirect.gather [hbm4b:s4+s16], $0x40, s1, s16, $0xb8;
	[tilespmem:$0x1BC40] =	vst v63  }
0x3a: {  	_ =	swait.ge [sflag:s21], $0x2000  }
0x3b: {  	[sflag:s21] =	ssyncset.done $0x0  }
0x3c: {  	s1 =	simm.s32 $0x5100;
	[sflag:s21] =	ssyncadd.s32 $0xFFFFE000  }
0x3d: {  	[spmem:s2] =	stream.indirect.scatter.add.f32 [tilespmem:s20], [sflag:$0x2], $0x40, s1, s16, $0xb8;
	[tilespmem:$0x1BC40] =	vst v63  }
0x3e: {  	_ =	swait.ge [sflag:s26], $0x2000  }
0x3f: {  	[sflag:s26] =	ssyncset.done $0x0  }
0x40: {  	s1 =	simm.s32 $0x280;
	[sflag:s26] =	ssyncadd.s32 $0xFFFFE000  }
0x41: {  	[tilespmem:s18], [sflag:$0x1] =	stream.indirect.gather [hbm4b:s4+s16], $0x40, s1, s16, $0xb8;
	[tilespmem:$0x1BC40] =	vst v63  }
0x42: {  	_ =	swait.ge [sflag:s21], $0x2000  }
0x43: {  	[sflag:s21] =	ssyncset.done $0x0  }
0x44: {  	s1 =	simm.s32 $0x5180;
	[sflag:s21] =	ssyncadd.s32 $0xFFFFE000  }
0x45: {  	[spmem:s2] =	stream.indirect.scatter.add.f32 [tilespmem:s23], [sflag:$0x2], $0x40, s1, s16, $0xb8;
	[tilespmem:$0x1BC40] =	vst v63  }
0x46: {  	_ =	swait.ge [sflag:s26], $0x2000  }
0x47: {  	[sflag:s26] =	ssyncset.done $0x0  }
0x48: {  	s30 =	simm.s32 $0x300;
	[sflag:s26] =	ssyncadd.s32 $0xFFFFE000  }
0x49: {  	[tilespmem:s20], [sflag:$0x1] =	stream.indirect.gather [hbm4b:s4+s16], $0x40, s30, s16, $0xb8;
	[tilespmem:$0x1BC40] =	vst v63  }
0x4a: {  	_ =	swait.ge [sflag:s21], $0x2000  }
0x4b: {  	[sflag:s21] =	ssyncset.done $0x0  }
0x4c: {  	s30 =	simm.s32 $0x5200;
	[sflag:s21] =	ssyncadd.s32 $0xFFFFE000  }
0x4d: {  	[spmem:s2] =	stream.indirect.scatter.add.f32 [tilespmem:s17], [sflag:$0x2], $0x40, s30, s16, $0xb8;
	[tilespmem:$0x1BC40] =	vst v63  }
0x4e: {  	_ =	swait.ge [sflag:s26], $0x2000  }
0x4f: {  	[sflag:s26] =	ssyncset.done $0x0  }
0x50: {  	s30 =	simm.s32 $0x380;
	[sflag:s26] =	ssyncadd.s32 $0xFFFFE000  }
0x51: {  	[tilespmem:s23], [sflag:$0x1] =	stream.indirect.gather [hbm4b:s4+s16], $0x40, s30, s16, $0xb8;
	[tilespmem:$0x1BC40] =	vst v63  }
0x52: {  	_ =	swait.ge [sflag:s21], $0x2000  }
0x53: {  	[sflag:s21] =	ssyncset.done $0x0  }
0x54: {  	s30 =	simm.s32 $0x5280;
	[sflag:s21] =	ssyncadd.s32 $0xFFFFE000  }
0x55: {  	[spmem:s2] =	stream.indirect.scatter.add.f32 [tilespmem:s18], [sflag:$0x2], $0x40, s30, s16, $0xb8;
	[tilespmem:$0x1BC40] =	vst v63  }
0x56: {  	_ =	swait.ge [sflag:s26], $0x2000  }
0x57: {  	[sflag:s26] =	ssyncset.done $0x0  }
0x58: {  	s30 =	simm.s32 $0x400;
	[sflag:s26] =	ssyncadd.s32 $0xFFFFE000  }
0x59: {  	[tilespmem:s17], [sflag:$0x1] =	stream.indirect.gather [hbm4b:s4+s16], $0x40, s30, s16, $0xb8;
	[tilespmem:$0x1BC40] =	vst v63  }
0x5a: {  	_ =	swait.ge [sflag:s21], $0x2000  }
0x5b: {  	[sflag:s21] =	ssyncset.done $0x0  }
0x5c: {  	s30 =	simm.s32 $0x5300;
	[sflag:s21] =	ssyncadd.s32 $0xFFFFE000  }
0x5d: {  	[spmem:s2] =	stream.indirect.scatter.add.f32 [tilespmem:s20], [sflag:$0x2], $0x40, s30, s16, $0xb8;
	[tilespmem:$0x1BC40] =	vst v63  }
0x5e: {  	_ =	swait.ge [sflag:s26], $0x2000  }
0x5f: {  	[sflag:s26] =	ssyncset.done $0x0  }
0x60: {  	s30 =	simm.s32 $0x480;
	[sflag:s26] =	ssyncadd.s32 $0xFFFFE000  }
0x61: {  	[tilespmem:s18], [sflag:$0x1] =	stream.indirect.gather [hbm4b:s4+s16], $0x40, s30, s16, $0xb8;
	[tilespmem:$0x1BC40] =	vst v63  }
0x62: {  	_ =	swait.ge [sflag:s21], $0x2000  }
0x63: {  	[sflag:s21] =	ssyncset.done $0x0  }
0x64: {  	s31 =	simm.s32 $0x5380;
	s30 =	simm.s32 $0x800;
	[sflag:s21] =	ssyncadd.s32 $0xFFFFE000  }
.LBB2_2:
0x65: {  	[spmem:s2] =	stream.indirect.scatter.add.f32 [tilespmem:s23], [sflag:$0x2], $0x40, s31, s16, $0xb8;
	[tilespmem:$0x1BC40] =	vst v63  }
0x66: {  	s31 =	smov.u32 s30  }
0x67: {  	p1 =	sne.s32 s30, $0x12800;
	s30 =	sadd.s32 $0x800, s30;
	_ =	swait.ge [sflag:s26], $0x2000  }
0x68: {  	s31 =	sshra.s32 s31, $0x2;
	[sflag:s26] =	ssyncset.done $0x0  }
0x69: {  	s1 =	sadd.s32 $0x300, s31;
	[sflag:s26] =	ssyncadd.s32 $0xFFFFE000  }
0x6a: {  	[tilespmem:s20], [sflag:$0x1] =	stream.indirect.gather [hbm4b:s4+s16], $0x40, s1, s16, $0xb8;
	[tilespmem:$0x1BC40] =	vst v63  }
0x6b: {  	_ =	swait.ge [sflag:s21], $0x2000  }
0x6c: {  	[sflag:s21] =	ssyncset.done $0x0  }
0x6d: {  	s1 =	sadd.s32 $0x5200, s31;
	[sflag:s21] =	ssyncadd.s32 $0xFFFFE000  }
0x6e: {  	[spmem:s2] =	stream.indirect.scatter.add.f32 [tilespmem:s17], [sflag:$0x2], $0x40, s1, s16, $0xb8;
	[tilespmem:$0x1BC40] =	vst v63  }
0x6f: {  	_ =	swait.ge [sflag:s26], $0x2000  }
0x70: {  	[sflag:s26] =	ssyncset.done $0x0  }
0x71: {  	s1 =	sadd.s32 $0x380, s31;
	[sflag:s26] =	ssyncadd.s32 $0xFFFFE000  }
0x72: {  	[tilespmem:s23], [sflag:$0x1] =	stream.indirect.gather [hbm4b:s4+s16], $0x40, s1, s16, $0xb8;
	[tilespmem:$0x1BC40] =	vst v63  }
0x73: {  	_ =	swait.ge [sflag:s21], $0x2000  }
0x74: {  	[sflag:s21] =	ssyncset.done $0x0  }
0x75: {  	s1 =	sadd.s32 $0x5280, s31;
	[sflag:s21] =	ssyncadd.s32 $0xFFFFE000  }
0x76: {  	[spmem:s2] =	stream.indirect.scatter.add.f32 [tilespmem:s18], [sflag:$0x2], $0x40, s1, s16, $0xb8;
	[tilespmem:$0x1BC40] =	vst v63  }
0x77: {  	_ =	swait.ge [sflag:s26], $0x2000  }
0x78: {  	[sflag:s26] =	ssyncset.done $0x0  }
0x79: {  	s1 =	sadd.s32 $0x400, s31;
	[sflag:s26] =	ssyncadd.s32 $0xFFFFE000  }
0x7a: {  	[tilespmem:s17], [sflag:$0x1] =	stream.indirect.gather [hbm4b:s4+s16], $0x40, s1, s16, $0xb8;
	[tilespmem:$0x1BC40] =	vst v63  }
0x7b: {  	_ =	swait.ge [sflag:s21], $0x2000  }
0x7c: {  	[sflag:s21] =	ssyncset.done $0x0  }
0x7d: {  	s1 =	sadd.s32 $0x5300, s31;
	[sflag:s21] =	ssyncadd.s32 $0xFFFFE000  }
0x7e: {  	[spmem:s2] =	stream.indirect.scatter.add.f32 [tilespmem:s20], [sflag:$0x2], $0x40, s1, s16, $0xb8;
	[tilespmem:$0x1BC40] =	vst v63  }
0x7f: {  	_ =	swait.ge [sflag:s26], $0x2000  }
0x80: {  	[sflag:s26] =	ssyncset.done $0x0  }
.Ltmp0:
0x81: {  	s1 =	sadd.s32 $0x480, s31;
	[sflag:s26] =	ssyncadd.s32 $0xFFFFE000;
	(pc) =	sbr.rel @p1 .LBB2_2-.Ltmp0, $4  }
0x82: {  	[tilespmem:s18], [sflag:$0x1] =	stream.indirect.gather [hbm4b:s4+s16], $0x40, s1, s16, $0xb8;
	[tilespmem:$0x1BC40] =	vst v63  }
0x83: {  	_ =	swait.ge [sflag:s21], $0x2000  }
0x84: {  	[sflag:s21] =	ssyncset.done $0x0  }
0x85: {  	s31 =	sadd.s32 $0x5380, s31;
	[sflag:s21] =	ssyncadd.s32 $0xFFFFE000  }
0x86: {  	[spmem:s2] =	stream.indirect.scatter.add.f32 [tilespmem:s23], [sflag:$0x2], $0x40, s31, s16, $0xb8;
	[tilespmem:$0x1BC40] =	vst v63  }
0x87: {  	_ =	swait.ge [sflag:s26], $0x2000  }
0x88: {  	[sflag:s26] =	ssyncset.done $0x0  }
0x89: {  	s1 =	simm.s32 $0x4F00;
	[sflag:s26] =	ssyncadd.s32 $0xFFFFE000  }
0x8a: {  	[tilespmem:s20], [sflag:$0x1] =	stream.indirect.gather [hbm4b:s4+s16], $0x40, s1, s16, $0xb8;
	[tilespmem:$0x1BC40] =	vst v63  }
0x8b: {  	_ =	swait.ge [sflag:s21], $0x2000  }
0x8c: {  	[sflag:s21] =	ssyncset.done $0x0  }
0x8d: {  	[sflag:s21] =	ssyncadd.s32 $0xFFFFE000  }
0x8e: {  	[spmem:s2] =	stream.indirect.scatter.add.f32 [tilespmem:s17], [sflag:$0x2], $0x40, s0, s16, $0xb8;
	[tilespmem:$0x1BC40] =	vst v63  }
0x8f: {  	_ =	swait.ge [sflag:s26], $0x2000  }
0x90: {  	[sflag:s26] =	ssyncset.done $0x0  }
0x91: {  	[sflag:s26] =	ssyncadd.s32 $0xFFFFE000  }
0x92: {  	[tilespmem:s23], [sflag:$0x1] =	stream.indirect.gather [hbm4b:s4+s16], $0x40, s19, s16, $0xb8;
	[tilespmem:$0x1BC40] =	vst v63  }
0x93: {  	_ =	swait.ge [sflag:s21], $0x2000  }
0x94: {  	[sflag:s21] =	ssyncset.done $0x0  }
0x95: {  	[sflag:s21] =	ssyncadd.s32 $0xFFFFE000  }
0x96: {  	[spmem:s2] =	stream.indirect.scatter.add.f32 [tilespmem:s18], [sflag:$0x2], $0x40, s22, s16, $0xb8;
	[tilespmem:$0x1BC40] =	vst v63  }
0x97: {  	_ =	swait.ge [sflag:s26], $0x2000  }
0x98: {  	[sflag:s26] =	ssyncset.done $0x0  }
0x99: {  	[sflag:s26] =	ssyncadd.s32 $0xFFFFE000  }
0x9a: {  	_ =	swait.ge [sflag:s21], $0x2000  }
0x9b: {  	[sflag:s21] =	ssyncset.done $0x0  }
0x9c: {  	[sflag:s21] =	ssyncadd.s32 $0xFFFFE000  }
0x9d: {  	[spmem:s2] =	stream.indirect.scatter.add.f32 [tilespmem:s20], [sflag:$0x2], $0x40, s24, s16, $0xb8;
	[tilespmem:$0x1BC40] =	vst v63  }
0x9e: {  	_ =	swait.ge [sflag:s26], $0x2000  }
0x9f: {  	[sflag:s26] =	ssyncset.done $0x0  }
0xa0: {  	[sflag:s26] =	ssyncadd.s32 $0xFFFFE000  }
0xa1: {  	_ =	swait.ge [sflag:s21], $0x2000  }
0xa2: {  	[sflag:s21] =	ssyncset.done $0x0  }
0xa3: {  	[sflag:s21] =	ssyncadd.s32 $0xFFFFE000  }
0xa4: {  	[spmem:s2] =	stream.indirect.scatter.add.f32 [tilespmem:s23], [sflag:$0x2], $0x40, s28, s16, $0xb8;
	[tilespmem:$0x1BC40] =	vst v63  }
0xa5: {  	_ =	swait.ge [sflag:s26], $0x2000  }
0xa6: {  	[sflag:s26] =	ssyncset.done $0x0  }
0xa7: {  	[sflag:s26] =	ssyncadd.s32 $0xFFFFE000  }
0xa8: {  	_ =	swait.ge [sflag:s26], $0x2000  }
0xa9: {  	[sflag:s26] =	ssyncset.done $0x0  }
0xaa: {  	[sflag:s26] =	ssyncadd.s32 $0xFFFFE000  }
0xab: {  	s1 =	simm.s32 @p0 $0x1FC3;
	[bflag:$0x0] =	sbarrier.arrive $0xFFFF  }
0xac: {  	[hbm:s9], [sflag:s1] =	dma.local @p0 [spmem:s11], $0x1040  }
0xad: {  	s1 =	simm.s32 @p0 $0x3  }
0xae: {  	s29 =	sadd.s32 $0x1, s29;
	_ =	swait.ge @p0 [sflag:s1], $0x1040  }
0xaf: {  	p1 =	sne.s32 s29, s10;
	[sflag:s1] =	ssyncset.done @p0 $0x0  }
.Ltmp1:
0xb0: {  	[sflag:s1] =	ssyncadd.s32 @p0 $0xFFFFEFC0;
	s1 =	simm.s32 @!p0 $0x3;
	(pc) =	sbr.rel @p1 .LBB2_1-.Ltmp1, $4  }
0xb1: {  	[hbm:s8], [sflag:s12] =	dma.local @!p0 [spmem:s25], $0x13C0  }
0xb2: {  	_ =	swait.ge @!p0 [sflag:s1], $0x13C0  }
0xb3: {  	[sflag:s1] =	ssyncset.done @!p0 $0x0  }
0xb4: {  	[sflag:s1] =	ssyncadd.s32 @!p0 $0xFFFFEC40  }
0xb5: {  	_ =	sfence.sel $0x180000  }
0xb6: {  	[bflag:$0x0] =	sbarrier.arrive $0xFFFF  }
0xb7: {  	_ =	strace $0x9000004D  }
0xb8: {  	s0 =	stileid.u32;
	[bflag:$0x2] =	sbarrier.arrive $0xFFFF  }
0xb9: {  	p0 =	sne.s32 s0, $0x0;
	s0 =	rddreg [dreg:$0x2]  }
0xba: {  	s0 =	sadd.s32 @!p0 $0x100000, s0  }
0xbb: {  	[sflag:s0] =	ssyncadd.tile.s32 @!p0 $0x1;
	_ =	shalt  }
.Lfunc_end2:
_tile_overlayer_lowered:
.L_overlay_start_2:
0xbc: {  	(tag) =	ssettag $0x2  }
0xbd: {  	s0 =	rddreg [dreg:$0x0];
	s2 =	stileid.u32  }
0xbe: {  	s1 =	rddreg [dreg:$0x1];
	p0 =	sne.s32 s2, $0x0  }
0xbf: {  	s3 =	rddreg [dreg:$0x2];
	[bflag:$0x3] =	sbarrier.arrive $0xFFFF;
	s2 =	simm.s32 @!p0 $0x1C03  }
0xc0: {  	[timem:s3], [sflag:s2] =	dma.local @!p0 [hbm:s0], s1  }
0xc1: {  	s0 =	simm.s32 @!p0 $0x3  }
0xc2: {  	_ =	swait.ge @!p0 [sflag:s0], s1  }
0xc3: {  	s1 =	ssub.s32 @!p0 $0x0, s1;
	[sflag:s0] =	ssyncset.done @!p0 $0x0  }
0xc4: {  	[sflag:s0] =	ssyncadd.s32 @!p0 s1  }
0xc5: {  	[bflag:$0x3] =	sbarrier.arrive $0xFFFF  }
0xc6: {  	_ =	shalt  }

// kernel: kernel.8.cloned.1.call-start
scs
__scs_entry_jumppad:
0x0: {  	(pc) =	sbr.rel $0x88, $3  }
0x1: {  	(tag) =	ssettag $0x0;
	lr =	simm.s32 $0x1  }
0x2: {  	[smem:$0x3F91] =	sst lr;
	_ =	strace $0xD0000000  }
0x3: {  	_ = 	snop  }
0x4: {  	_ = 	snop  }
0x5: {  	_ = 	snop  }
0x6: {  	_ = 	snop  }
0x7: {  	_ = 	snop  }
__scs_overlays_trampoline_lowered:
0x8: {  	[smem:$0x3FA0] =	sst s0  }
0x9: {  	[smem:$0x3FA1] =	sst s1  }
0xa: {  	[smem:$0x3FA2] =	sst s2  }
0xb: {  	[smem:$0x3FA3] =	sst s3  }
0xc: {  	[smem:$0x3FA4] =	sst s4  }
0xd: {  	[smem:$0x3FA5] =	sst s5  }
0xe: {  	[smem:$0x3FA6] =	sst s6  }
0xf: {  	[smem:$0x3FA7] =	sst s7  }
0x10: {  	[smem:$0x3FA8] =	sst s8  }
0x11: {  	[smem:$0x3FA9] =	sst s9;
	s0 =	simm.s32 @!p0 $0x0  }
0x12: {  	s1 =	sld [smem:$0x3F8F];
	s0 =	simm.s32 @p0 $0x1  }
0x13: {  	[smem:$0x3FAA] =	sst s0;
	s0 =	simm.s32 @!p1 $0x0  }
0x14: {  	s2 =	sld [smem:$0x3F8E];
	s0 =	simm.s32 @p1 $0x1  }
0x15: {  	[smem:$0x3FAB] =	sst s0;
	s0 =	simm.s32 @!p2 $0x0  }
0x16: {  	s3 =	sld [smem:$0x3FDB];
	s0 =	simm.s32 @p2 $0x1  }
0x17: {  	s4 =	simm.s32 $0x1BF5;
	[smem:$0x3FAD] =	sst s0  }
0x18: {  	s0 =	sld [smem:$0x3F90];
	_ =	swait.ge [sflag:s4], $0x0  }
0x19: {  	s7 =	sld [smem:$0x3F91]  }
0x1a: {  	s8 =	sadd.s32 $0xFFFFE003, lr  }
0x1b: {  	s9 =	sadd.s32 $0xFFFFFEF7, lr;
	s5 =	simm.s32 $0xFFFFFFFF;
	p2 =	slt.u32 s8, $0xFFFFF086  }
0x1c: {  	p1 =	slt.u32 s9, $0xF7A;
	s5 =	simm.s32 @!p2 $0x0  }
0x1d: {  	s5 =	simm.s32 @p1 $0x1;
	p0 =	seq.s32 s7, s2  }
0x1e: {  	s7 =	smul.u32 @!p0 $0xF7A, s2;
	p2 =	seq.s32 @!p0 s5, $0x0  }
0x1f: {  	s9 =	smul.u32 $0xF7A, s1;
	s8 =	simm.s32 @!p0 $0x1BF5;
	p2 =	por !p2, p0  }
0x20: {  	[sflag:s8] =	ssyncset.s32 @!p0 $0xFFFFF086;
	s6 =	sadd.s32 @!p0 s3, s7;
	s7 =	simm.s32 @!p0 $0x108  }
0x21: {  	s3 =	sadd.s32 s3, s9;
	s6 =	sadd.s32 @!p0 $0x88, s6;
	s7 =	simm.s32 @p2 $0x1082  }
0x22: {  	[simem:s7], [sflag:s8] =	dma.local @!p0 [hbm:s6], $0xF7A  }
0x23: {  	s9 =	sor.u32 $0xD0000000, s2;
	s6 =	simm.s32 $0x108;
	_ =	swait.ge @!p0 [sflag:s8], $0x0  }
0x24: {  	s3 =	sadd.s32 $0x88, s3;
	s6 =	simm.s32 @!p1 $0x1082;
	[sflag:s4] =	ssyncset.s32 $0xFFFFF086  }
0x25: {  	[simem:s6], [sflag:s4] =	dma.local [hbm:s3], $0xF7A  }
0x26: {  	[smem:$0x3F91] =	sst s1;
	(tag) =	ssettag s2;
	_ =	strace s9  }
0x27: {  	s1 =	sld [smem:$0x3FA1]  }
0x28: {  	s2 =	sld [smem:$0x3FA2]  }
0x29: {  	s4 =	sld [smem:$0x3FA4]  }
0x2a: {  	p0 =	seq.s32 s5, $0x0;
	s5 =	sld [smem:$0x3FA5]  }
0x2b: {  	s6 =	sld [smem:$0x3FA6]  }
0x2c: {  	s7 =	sld [smem:$0x3FA7]  }
0x2d: {  	s3 =	simm.s32 $0x108;
	s8 =	sld [smem:$0x3FA8]  }
0x2e: {  	s3 =	simm.s32 @!p0 $0x1082;
	s9 =	sld [smem:$0x3FA9]  }
0x2f: {  	lr =	sadd.s32 s0, s3;
	s0 =	sld [smem:$0x3FA0]  }
0x30: {  	s3 =	sld [smem:$0x3FA3]  }
0x31: {  	[smem:$0x3FAC] =	sst s10  }
0x32: {  	s10 =	sld [smem:$0x3FAA];
	_ =	sdelay $0x3  }
0x33: {  	p0 =	seq.s32 s10, $0x1;
	s10 =	sld [smem:$0x3FAC];
	_ =	sdelay $0x3  }
0x34: {  	[smem:$0x3FAC] =	sst s10  }
0x35: {  	s10 =	sld [smem:$0x3FAB];
	_ =	sdelay $0x3  }
0x36: {  	p1 =	seq.s32 s10, $0x1;
	s10 =	sld [smem:$0x3FAC];
	_ =	sdelay $0x3  }
0x37: {  	[smem:$0x3FAC] =	sst s10  }
0x38: {  	s10 =	sld [smem:$0x3FAD]  }
0x39: {  	_ = 	snop;
	(pc) =	sbr.ind lr, $3  }
0x3a: {  	_ = 	snop  }
0x3b: {  	_ = 	snop  }
0x3c: {  	p2 =	seq.s32 s10, $0x1;
	s10 =	sld [smem:$0x3FAC]  }
0x3d: {  	_ =	shalt  }
0x3e: {  	_ =	shalt  }
0x3f: {  	_ =	shalt  }
0x40: {  	_ =	shalt  }
0x41: {  	_ =	shalt  }
0x42: {  	_ =	shalt  }
0x43: {  	_ =	shalt  }
0x44: {  	_ =	shalt  }
0x45: {  	_ =	shalt  }
0x46: {  	_ =	shalt  }
0x47: {  	_ =	shalt  }
0x48: {  	_ =	shalt  }
0x49: {  	_ =	shalt  }
0x4a: {  	_ =	shalt  }
0x4b: {  	_ =	shalt  }
0x4c: {  	_ =	shalt  }
0x4d: {  	_ =	shalt  }
0x4e: {  	_ =	shalt  }
0x4f: {  	_ =	shalt  }
0x50: {  	_ =	shalt  }
0x51: {  	_ =	shalt  }
0x52: {  	_ =	shalt  }
0x53: {  	_ =	shalt  }
0x54: {  	_ =	shalt  }
0x55: {  	_ =	shalt  }
0x56: {  	_ =	shalt  }
0x57: {  	_ =	shalt  }
0x58: {  	_ =	shalt  }
0x59: {  	_ =	shalt  }
0x5a: {  	_ =	shalt  }
0x5b: {  	_ =	shalt  }
0x5c: {  	_ =	shalt  }
0x5d: {  	_ =	shalt  }
0x5e: {  	_ =	shalt  }
0x5f: {  	_ =	shalt  }
0x60: {  	_ =	shalt  }
0x61: {  	_ =	shalt  }
0x62: {  	_ =	shalt  }
0x63: {  	_ =	shalt  }
0x64: {  	_ =	shalt  }
0x65: {  	_ =	shalt  }
0x66: {  	_ =	shalt  }
0x67: {  	_ =	shalt  }
0x68: {  	_ =	shalt  }
0x69: {  	_ =	shalt  }
0x6a: {  	_ =	shalt  }
0x6b: {  	_ =	shalt  }
0x6c: {  	_ =	shalt  }
0x6d: {  	_ =	shalt  }
0x6e: {  	_ =	shalt  }
0x6f: {  	_ =	shalt  }
0x70: {  	_ =	shalt  }
0x71: {  	_ =	shalt  }
0x72: {  	_ =	shalt  }
0x73: {  	_ =	shalt  }
0x74: {  	_ =	shalt  }
0x75: {  	_ =	shalt  }
0x76: {  	_ =	shalt  }
0x77: {  	_ =	shalt  }
0x78: {  	_ =	shalt  }
0x79: {  	_ =	shalt  }
0x7a: {  	_ =	shalt  }
0x7b: {  	_ =	shalt  }
0x7c: {  	_ =	shalt  }
0x7d: {  	_ =	shalt  }
0x7e: {  	_ =	shalt  }
0x7f: {  	_ =	shalt  }
0x80: {  	_ =	shalt  }
0x81: {  	_ =	shalt  }
0x82: {  	_ =	shalt  }
0x83: {  	_ =	shalt  }
0x84: {  	_ =	shalt  }
0x85: {  	_ =	shalt  }
0x86: {  	_ =	shalt  }
0x87: {  	_ =	shalt  }
.Lfunc_end0:
.L_simem_size_0:
called_computation_lowered:
.L_overlay_start_0:
0x88: {  	s2 =	sld [smem:$0x3FD9]  }
0x89: {  	s3 =	sld [smem:$0x3FFE];
	_ =	sdelay $0x1  }
0x8a: {  	s1 =	srdreg.scid  }
0x8b: {  	s0 =	sand.u32 $0x1, s1  }
0x8c: {  	s17 =	sshll.u32 s0, $0xA;
	s2 =	sadd.s32 s3, s2  }
0x8d: {  	s2 =	sadd.s32 s2, s17  }
0x8e: {  	[smem:$0x3FB8] =	sst s2  }
0x8f: {  	_ = 	snop  }
0x90: {  	s18 =	sld [smem:$0x3FD0];
	(tm) =	ssettm $0x1  }
0x91: {  	s19 =	sld [smem:$0x3FFB];
	_ =	sdelay $0x3  }
0x92: {  	_ =	strace s19  }
0x93: {  	s2 =	sld [smem:$0x3FFC];
	_ =	sdelay $0x3  }
0x94: {  	_ =	strace s2  }
0x95: {  	s2 =	sld [smem:$0x3FFD];
	_ =	sdelay $0x3  }
0x96: {  	_ =	strace s2  }
0x97: {  	_ =	strace $0x8FFFFFFF  }
0x98: {  	s20 =	sld [smem:$0x3FDB];
	_ =	sdelay $0x1  }
0x99: {  	s4 =	simm.s32 $_scs_section_size  }
0x9a: {  	s5 =	simm.s32 $_size__tile_overlayer_lowered;
	s6 =	simm.s32 $_tile_overlayer_lowered  }
0x9b: {  	s7 =	simm.s32 $0x1BFF;
	s21 =	sshll.u32 s6, $0x1;
	s4 =	sadd.s32 s4, s20  }
0x9c: {  	s22 =	simm.s32 $0x0;
	s5 =	sshll.u32 s5, $0x1;
	s6 =	sadd.s32 s21, s4  }
0x9d: {  	[timem:s22], [sflag:s7] =	dma.local [hbm:s6], s5  }
0x9e: {  	_ =	swait.ge [sflag:s7], s5  }
0x9f: {  	s5 =	ssub.s32 $0x0, s5;
	[sflag:s7] =	ssyncset.done $0x0  }
0xa0: {  	[sflag:s7] =	ssyncadd.s32 s5;
	_ =	sdelay $0x1  }
0xa1: {  	s23 =	simm.s32 $0x1B8B  }
0xa2: {  	_ =	swait.ge [sflag:s23], $0x1  }
0xa3: {  	[sflag:s23] =	ssyncset.done $0x0  }
0xa4: {  	[sflag:s23] =	ssyncadd.s32 $0xFFFFFFFF  }
0xa5: {  	s5 =	sld [smem:$0x0]  }
0xa6: {  	s6 =	sand.u32 $0xFFFFFFFE, s1  }
0xa7: {  	p0 =	sne.s32 s1, s6  }
0xa8: {  	s6 =	sshll.u32 @p0 s6, $0xE  }
0xa9: {  	s6 =	sadd.s32 @p0 $0x11B8D, s6;
	s7 =	sshll.u32 @p0 s5, $0x11  }
0xaa: {  	s6 =	sor.u32 @p0 s7, s6  }
0xab: {  	[sflag:s6] =	ssyncadd.remote.s32 @p0 $0x1;
	_ =	sdelay $0x1  }
0xac: {  	s6 =	simm.s32 @p0 $0x1B8D  }
0xad: {  	_ =	swait.eq @p0 [sflag:s6], $0x1  }
0xae: {  	[sflag:s6] =	ssyncadd.s32 @p0 $0xFFFFFFFF  }
0xaf: {  	s7 =	sshll.u32 @!p0 s1, $0xE  }
0xb0: {  	s7 =	sor.u32 @!p0 $0x4000, s7;
	s6 =	simm.s32 @!p0 $0x1B8D  }
0xb1: {  	s5 =	sshll.u32 @!p0 s5, $0x11;
	s7 =	sadd.s32 @!p0 $0x11B8D, s7;
	_ =	swait.eq @!p0 [sflag:s6], $0x1  }
0xb2: {  	s5 =	sor.u32 @!p0 s5, s7;
	[sflag:s6] =	ssyncadd.s32 @!p0 $0xFFFFFFFF  }
0xb3: {  	s25 =	simm.s32 $0x1B8E;
	s24 =	sld [smem:$0x3FFE];
	[sflag:s5] =	ssyncadd.remote.s32 @!p0 $0x1  }
0xb4: {  	s26 =	simm.s32 $execute0_lowered;
	[smem:$0x3FD2] =	sst s25  }
0xb5: {  	s6 =	sshll.u32 s26, $0x1;
	_ =	strace $0x80000049;
	[dreg:$0x1] =	wrdreg $0xFFFFFFFF  }
0xb6: {  	s28 =	simm.s32 $_size_execute0_lowered;
	s4 =	sadd.s32 s4, s6;
	[dreg:$0x0] =	wrdreg $0x0  }
0xb7: {  	s6 =	sshll.u32 s28, $0x1;
	[dreg:$0x2] =	wrdreg s4  }
0xb8: {  	[dreg:$0x3] =	wrdreg s6  }
0xb9: {  	[dreg:$0x4] =	wrdreg $0xC0  }
0xba: {  	_ =	task [dreg:s22], $0x5FFFF  }
0xbb: {  	[dreg:$0x1] =	wrdreg $0xFFFFFFFF  }
0xbc: {  	[dreg:$0x0] =	wrdreg $0x60  }
0xbd: {  	[dreg:$0x2] =	wrdreg s18  }
0xbe: {  	[dreg:$0x3] =	wrdreg s24  }
0xbf: {  	[dreg:$0x4] =	wrdreg $0x118000  }
0xc0: {  	[dreg:$0x5] =	wrdreg $0x9  }
0xc1: {  	_ =	task.clear_ibuf [dreg:s22], $0x6FFFF;
	_ =	strace $0x90000049  }
0xc2: {  	s29 =	simm.s32 $0x9;
	_ =	strace $0x8000004B  }
0xc3: {  	_ =	swait.ge [sflag:s29], $0x1  }
0xc4: {  	[sflag:s29] =	ssyncadd.s32 $0xFFFFFFFF  }
0xc5: {  	_ =	strace $0x9000004B  }
0xc6: {  	_ =	sfence  }
0xc7: {  	s30 =	sld [smem:$0x0];
	_ =	sdelay $0x2  }
0xc8: {  	s31 =	sshll.u32 s1, $0xD;
	s1 =	sshrl.u32 s1, $0x2  }
0xc9: {  	s4 =	sand.u32 $0x4000, s31;
	s1 =	sadd.s32 s1, s30  }
0xca: {  	s0 =	sor.u32 s4, s0;
	s1 =	sshll.u32 s1, $0x11  }
0xcb: {  	s0 =	sor.u32 s1, s0  }
0xcc: {  	s0 =	sadd.s32 $0x8F2B, s0  }
0xcd: {  	[sflag:s0] =	ssyncadd.remote.s32 $0x1  }
0xce: {  	_ =	sfence.sel $0xFFFF  }
0xcf: {  	[dreg:$0x0] =	wrdreg $0xFFFFFFFF;
	(pc) =	sbr.abs _section_cstart, $3  }
0xd0: {  	[dreg:$0x1] =	wrdreg $0xFFFFFFFF  }
0xd1: {  	_ =	task.clear_ibuf [dreg:s22], $0x2FFFF;
	_ =	strace $0x9FFFFFFF  }
0xd2: {  	(tm) =	ssettm $0x7FFFFFFF  }
0xd3: {  	_ =	shalt  }
tec
execute0_lowered:
.L_overlay_start_1:
0x0: {  	(tag) =	ssettag $0x1  }
0x1: {  	s1 =	rddreg [dreg:$0x0]  }
0x2: {  	s2 =	srdreg.scid;
	s6 =	rddreg [dreg:$0x1]  }
0x3: {  	s0 =	stileid.u32;
	s3 =	rddreg [dreg:$0x2];
	s4 =	simm.s32 $0x0  }
0x4: {  	s16 =	simm.s32 $0x80;
	s17 =	simm.s32 $0xA000;
	s18 =	simm.s32 $0xC800  }
0x5: {  	s19 =	simm.s32 $0x1;
	s20 =	simm.s32 $0x100;
	s21 =	simm.s32 $0xF000  }
0x6: {  	s22 =	simm.s32 $0x5080;
	s23 =	simm.s32 $0x2;
	s28 =	simm.s32 $0x9F80  }
0x7: {  	s29 =	simm.s32 $0x0;
	s7 =	sand.u32 $0x1, s2;
	s8 =	smul.u32 $0x31600, s0  }
0x8: {  	s24 =	sshll.u32 s0, $0x1;
	[smem:$0x7FF] =	sst s4;
	s11 =	smul.u32 $0xC580, s0  }
0x9: {  	s12 =	sadd.s32 $0x7C600, s6;
	s15 =	sadd.s32 $0xB9280, s3;
	p0 =	seq.s32 s0, $0xF  }
0xa: {  	s5 =	sor.u32 s7, s24;
	s10 =	smul.u32 $0xC3500, s7;
	s7 =	ssub.s32 $0x2, s7  }
0xb: {  	_ =	strace $0x8000004A;
	s24 =	simm.s32 $0x180;
	s25 =	sshrl.u32 s7, $0x1  }
0xc: {  	s5 =	smul.u32 $0xA00, s5;
	s8 =	sshrl.u32 s8, $0x2;
	s13 =	ssub.s32 s7, s25  }
0xd: {  	s14 =	sadd.s32 s8, s3;
	s26 =	sadd.s32 s11, s10;
	s31 =	sshrl.u32 s10, $0x3  }
0xe: {  	s25 =	sadd.s32 s11, s3;
	s11 =	sshrl.u32 @p0 s15, $0x3;
	s15 =	simm.s32 $0x5000  }
0xf: {  	s9 =	sadd.s32 s5, s6;
	s5 =	sadd.s32 $0x7AC00, s6;
	s30 =	sshrl.u32 s26, $0x3  }
0x10: {  	s10 =	smax.u32 s13, $0x1;
	s13 =	sshrl.u32 @!p0 s14, $0x3;
	s14 =	simm.s32 $0x3  }
0x11: {  	s25 =	sshrl.u32 @!p0 s25, $0x3;
	s6 =	sadd.s32 $0x3E600, s9;
	s7 =	sadd.s32 $0x2A600, s9  }
0x12: {  	s8 =	sadd.s32 s12, s30;
	s9 =	sadd.s32 s12, s31;
	s12 =	sshll.u32 @!p0 s0, $0x6  }
0x13: {  	s26 =	simm.s32 $0x5100;
	s9 =	sadd.s32 $0x17250, s9;
	s12 =	sor.u32 @!p0 $0x1C03, s12  }
.LBB2_1:
0x14: {  	s30 =	simm.s32 @p0 $0x1FC3  }
0x15: {  	[spmem:s11], [sflag:s30] =	dma.local @p0 [hbm:s5], $0x1450  }
0x16: {  	s30 =	simm.s32 @p0 $0x3  }
0x17: {  	_ =	swait.ge @p0 [sflag:s30], $0x1450  }
0x18: {  	[sflag:s30] =	ssyncset.done @p0 $0x0  }
0x19: {  	[sflag:s30] =	ssyncadd.s32 @p0 $0xFFFFEBB0;
	s30 =	simm.s32 @!p0 $0x3  }
0x1a: {  	[spmem:s13], [sflag:s12] =	dma.local @!p0 [hbm:s5], $0x18B0  }
0x1b: {  	_ =	swait.ge @!p0 [sflag:s30], $0x18B0  }
0x1c: {  	[sflag:s30] =	ssyncset.done @!p0 $0x0  }
0x1d: {  	[sflag:s30] =	ssyncadd.s32 @!p0 $0xFFFFE750  }
0x1e: {  	[tilespmem:s4], [sflag:$0x3] =	stream.linear.gather [hbm4b:s6+s4], $0x5000, $0x38;
	[tilespmem:$0x1DB50] =	vst v63  }
0x1f: {  	_ =	swait.ge [sflag:s14], $0x5000  }
0x20: {  	[sflag:s14] =	ssyncset.done $0x0  }
0x21: {  	[sflag:s14] =	ssyncadd.s32 $0xFFFFB000  }
0x22: {  	[tilespmem:s15], [sflag:$0x3] =	stream.linear.gather [hbm4b:s7+s4], $0x5000, $0x38;
	[tilespmem:$0x1DB50] =	vst v63  }
0x23: {  	_ =	swait.ge [sflag:s14], $0x5000  }
0x24: {  	[sflag:s14] =	ssyncset.done $0x0  }
0x25: {  	[sflag:s14] =	ssyncadd.s32 $0xFFFFB000  }
0x26: {  	[bflag:$0x0] =	sbarrier.arrive $0xFFFF  }
0x27: {  	[tilespmem:s17], [sflag:$0x1] =	stream.indirect.gather [hbm4b:s1+s16], $0x50, s4, s16, $0xb8;
	[tilespmem:$0x1DB50] =	vst v63  }
0x28: {  	_ = 	snop  }
0x29: {  	[tilespmem:s18], [sflag:$0x1] =	stream.indirect.gather [hbm4b:s1+s16], $0x50, s16, s16, $0xb8;
	[tilespmem:$0x1DB50] =	vst v63  }
0x2a: {  	_ =	swait.ge [sflag:s19], $0x2800  }
0x2b: {  	[sflag:s19] =	ssyncset.done $0x0  }
0x2c: {  	[sflag:s19] =	ssyncadd.s32 $0xFFFFD800  }
0x2d: {  	[spmem:s3] =	stream.indirect.scatter.add.f32 [tilespmem:s17], [sflag:$0x2], $0x50, s15, s16, $0xb8;
	[tilespmem:$0x1DB50] =	vst v63  }
0x2e: {  	_ = 	snop  }
0x2f: {  	[tilespmem:s21], [sflag:$0x1] =	stream.indirect.gather [hbm4b:s1+s16], $0x50, s20, s16, $0xb8;
	[tilespmem:$0x1DB50] =	vst v63  }
0x30: {  	_ =	swait.ge [sflag:s19], $0x2800  }
0x31: {  	[sflag:s19] =	ssyncset.done $0x0  }
0x32: {  	[sflag:s19] =	ssyncadd.s32 $0xFFFFD800  }
0x33: {  	[spmem:s3] =	stream.indirect.scatter.add.f32 [tilespmem:s18], [sflag:$0x2], $0x50, s22, s16, $0xb8;
	[tilespmem:$0x1DB50] =	vst v63  }
0x34: {  	_ =	swait.ge [sflag:s23], $0x2800  }
0x35: {  	[sflag:s23] =	ssyncset.done $0x0  }
0x36: {  	[sflag:s23] =	ssyncadd.s32 $0xFFFFD800  }
0x37: {  	[tilespmem:s17], [sflag:$0x1] =	stream.indirect.gather [hbm4b:s1+s16], $0x50, s24, s16, $0xb8;
	[tilespmem:$0x1DB50] =	vst v63  }
0x38: {  	_ =	swait.ge [sflag:s19], $0x2800  }
0x39: {  	[sflag:s19] =	ssyncset.done $0x0  }
0x3a: {  	[sflag:s19] =	ssyncadd.s32 $0xFFFFD800  }
0x3b: {  	[spmem:s3] =	stream.indirect.scatter.add.f32 [tilespmem:s21], [sflag:$0x2], $0x50, s26, s16, $0xb8;
	[tilespmem:$0x1DB50] =	vst v63  }
0x3c: {  	_ =	swait.ge [sflag:s23], $0x2800  }
0x3d: {  	[sflag:s23] =	ssyncset.done $0x0  }
0x3e: {  	s30 =	simm.s32 $0x200;
	[sflag:s23] =	ssyncadd.s32 $0xFFFFD800  }
0x3f: {  	[tilespmem:s18], [sflag:$0x1] =	stream.indirect.gather [hbm4b:s1+s16], $0x50, s30, s16, $0xb8;
	[tilespmem:$0x1DB50] =	vst v63  }
0x40: {  	_ =	swait.ge [sflag:s19], $0x2800  }
0x41: {  	[sflag:s19] =	ssyncset.done $0x0  }
0x42: {  	s30 =	simm.s32 $0x5180;
	[sflag:s19] =	ssyncadd.s32 $0xFFFFD800  }
0x43: {  	[spmem:s3] =	stream.indirect.scatter.add.f32 [tilespmem:s17], [sflag:$0x2], $0x50, s30, s16, $0xb8;
	[tilespmem:$0x1DB50] =	vst v63  }
0x44: {  	_ =	swait.ge [sflag:s23], $0x2800  }
0x45: {  	[sflag:s23] =	ssyncset.done $0x0  }
0x46: {  	s30 =	simm.s32 $0x280;
	[sflag:s23] =	ssyncadd.s32 $0xFFFFD800  }
0x47: {  	[tilespmem:s21], [sflag:$0x1] =	stream.indirect.gather [hbm4b:s1+s16], $0x50, s30, s16, $0xb8;
	[tilespmem:$0x1DB50] =	vst v63  }
0x48: {  	_ =	swait.ge [sflag:s19], $0x2800  }
0x49: {  	[sflag:s19] =	ssyncset.done $0x0  }
0x4a: {  	s30 =	simm.s32 $0x5200;
	[sflag:s19] =	ssyncadd.s32 $0xFFFFD800  }
0x4b: {  	[spmem:s3] =	stream.indirect.scatter.add.f32 [tilespmem:s18], [sflag:$0x2], $0x50, s30, s16, $0xb8;
	[tilespmem:$0x1DB50] =	vst v63  }
0x4c: {  	_ =	swait.ge [sflag:s23], $0x2800  }
0x4d: {  	[sflag:s23] =	ssyncset.done $0x0  }
0x4e: {  	s30 =	simm.s32 $0x300;
	[sflag:s23] =	ssyncadd.s32 $0xFFFFD800  }
0x4f: {  	[tilespmem:s17], [sflag:$0x1] =	stream.indirect.gather [hbm4b:s1+s16], $0x50, s30, s16, $0xb8;
	[tilespmem:$0x1DB50] =	vst v63  }
0x50: {  	_ =	swait.ge [sflag:s19], $0x2800  }
0x51: {  	[sflag:s19] =	ssyncset.done $0x0  }
0x52: {  	s31 =	simm.s32 $0x5280;
	s30 =	simm.s32 $0x600;
	[sflag:s19] =	ssyncadd.s32 $0xFFFFD800  }
.LBB2_2:
0x53: {  	[spmem:s3] =	stream.indirect.scatter.add.f32 [tilespmem:s21], [sflag:$0x2], $0x50, s31, s16, $0xb8;
	[tilespmem:$0x1DB50] =	vst v63  }
0x54: {  	s31 =	smov.u32 s30  }
0x55: {  	p1 =	sne.s32 s30, $0x13200;
	s30 =	sadd.s32 $0x600, s30;
	_ =	swait.ge [sflag:s23], $0x2800  }
0x56: {  	s31 =	sshra.s32 s31, $0x2;
	[sflag:s23] =	ssyncset.done $0x0  }
0x57: {  	s2 =	sadd.s32 $0x200, s31;
	[sflag:s23] =	ssyncadd.s32 $0xFFFFD800  }
0x58: {  	[tilespmem:s18], [sflag:$0x1] =	stream.indirect.gather [hbm4b:s1+s16], $0x50, s2, s16, $0xb8;
	[tilespmem:$0x1DB50] =	vst v63  }
0x59: {  	_ =	swait.ge [sflag:s19], $0x2800  }
0x5a: {  	[sflag:s19] =	ssyncset.done $0x0  }
0x5b: {  	s2 =	sadd.s32 $0x5180, s31;
	[sflag:s19] =	ssyncadd.s32 $0xFFFFD800  }
0x5c: {  	[spmem:s3] =	stream.indirect.scatter.add.f32 [tilespmem:s17], [sflag:$0x2], $0x50, s2, s16, $0xb8;
	[tilespmem:$0x1DB50] =	vst v63  }
0x5d: {  	_ =	swait.ge [sflag:s23], $0x2800  }
0x5e: {  	[sflag:s23] =	ssyncset.done $0x0  }
0x5f: {  	s2 =	sadd.s32 $0x280, s31;
	[sflag:s23] =	ssyncadd.s32 $0xFFFFD800  }
0x60: {  	[tilespmem:s21], [sflag:$0x1] =	stream.indirect.gather [hbm4b:s1+s16], $0x50, s2, s16, $0xb8;
	[tilespmem:$0x1DB50] =	vst v63  }
0x61: {  	_ =	swait.ge [sflag:s19], $0x2800  }
0x62: {  	[sflag:s19] =	ssyncset.done $0x0  }
0x63: {  	s2 =	sadd.s32 $0x5200, s31;
	[sflag:s19] =	ssyncadd.s32 $0xFFFFD800  }
0x64: {  	[spmem:s3] =	stream.indirect.scatter.add.f32 [tilespmem:s18], [sflag:$0x2], $0x50, s2, s16, $0xb8;
	[tilespmem:$0x1DB50] =	vst v63  }
0x65: {  	_ =	swait.ge [sflag:s23], $0x2800  }
0x66: {  	[sflag:s23] =	ssyncset.done $0x0  }
.Ltmp0:
0x67: {  	s2 =	sadd.s32 $0x300, s31;
	[sflag:s23] =	ssyncadd.s32 $0xFFFFD800;
	(pc) =	sbr.rel @p1 .LBB2_2-.Ltmp0, $4  }
0x68: {  	[tilespmem:s17], [sflag:$0x1] =	stream.indirect.gather [hbm4b:s1+s16], $0x50, s2, s16, $0xb8;
	[tilespmem:$0x1DB50] =	vst v63  }
0x69: {  	_ =	swait.ge [sflag:s19], $0x2800  }
0x6a: {  	[sflag:s19] =	ssyncset.done $0x0  }
0x6b: {  	s31 =	sadd.s32 $0x5280, s31;
	[sflag:s19] =	ssyncadd.s32 $0xFFFFD800  }
0x6c: {  	[spmem:s3] =	stream.indirect.scatter.add.f32 [tilespmem:s21], [sflag:$0x2], $0x50, s31, s16, $0xb8;
	[tilespmem:$0x1DB50] =	vst v63  }
0x6d: {  	_ =	swait.ge [sflag:s23], $0x2800  }
0x6e: {  	[sflag:s23] =	ssyncset.done $0x0  }
0x6f: {  	[sflag:s23] =	ssyncadd.s32 $0xFFFFD800  }
0x70: {  	_ =	swait.ge [sflag:s19], $0x2800  }
0x71: {  	[sflag:s19] =	ssyncset.done $0x0  }
0x72: {  	[sflag:s19] =	ssyncadd.s32 $0xFFFFD800  }
0x73: {  	[spmem:s3] =	stream.indirect.scatter.add.f32 [tilespmem:s17], [sflag:$0x2], $0x50, s28, s16, $0xb8;
	[tilespmem:$0x1DB50] =	vst v63  }
0x74: {  	_ =	swait.ge [sflag:s23], $0x2800  }
0x75: {  	[sflag:s23] =	ssyncset.done $0x0  }
0x76: {  	[sflag:s23] =	ssyncadd.s32 $0xFFFFD800  }
0x77: {  	_ =	swait.ge [sflag:s23], $0x2800  }
0x78: {  	[sflag:s23] =	ssyncset.done $0x0  }
0x79: {  	[sflag:s23] =	ssyncadd.s32 $0xFFFFD800  }
0x7a: {  	s2 =	simm.s32 @p0 $0x1FC3;
	[bflag:$0x0] =	sbarrier.arrive $0xFFFF  }
0x7b: {  	[hbm:s9], [sflag:s2] =	dma.local @p0 [spmem:s11], $0x1450  }
0x7c: {  	s2 =	simm.s32 @p0 $0x3  }
0x7d: {  	s29 =	sadd.s32 $0x1, s29;
	_ =	swait.ge @p0 [sflag:s2], $0x1450  }
0x7e: {  	p1 =	sne.s32 s29, s10;
	[sflag:s2] =	ssyncset.done @p0 $0x0  }
.Ltmp1:
0x7f: {  	[sflag:s2] =	ssyncadd.s32 @p0 $0xFFFFEBB0;
	s2 =	simm.s32 @!p0 $0x3;
	(pc) =	sbr.rel @p1 .LBB2_1-.Ltmp1, $4  }
0x80: {  	[hbm:s8], [sflag:s12] =	dma.local @!p0 [spmem:s25], $0x18B0  }
0x81: {  	_ =	swait.ge @!p0 [sflag:s2], $0x18B0  }
0x82: {  	[sflag:s2] =	ssyncset.done @!p0 $0x0  }
0x83: {  	[sflag:s2] =	ssyncadd.s32 @!p0 $0xFFFFE750  }
0x84: {  	_ =	sfence.sel $0x180000  }
0x85: {  	[bflag:$0x0] =	sbarrier.arrive $0xFFFF  }
0x86: {  	_ =	strace $0x9000004A  }
0x87: {  	[bflag:$0x2] =	sbarrier.arrive $0xFFFF  }
0x88: {  	p0 =	sne.s32 s0, $0x0;
	s0 =	rddreg [dreg:$0x3]  }
0x89: {  	s0 =	sadd.s32 @!p0 $0x100000, s0  }
0x8a: {  	[sflag:s0] =	ssyncadd.tile.s32 @!p0 $0x1;
	_ =	shalt  }
.Lfunc_end2:
_tile_overlayer_lowered:
.L_overlay_start_2:
0x8b: {  	(tag) =	ssettag $0x2  }
0x8c: {  	s0 =	rddreg [dreg:$0x0];
	s2 =	stileid.u32  }
0x8d: {  	s1 =	rddreg [dreg:$0x1];
	p0 =	sne.s32 s2, $0x0  }
0x8e: {  	s3 =	rddreg [dreg:$0x2];
	[bflag:$0x3] =	sbarrier.arrive $0xFFFF;
	s2 =	simm.s32 @!p0 $0x1C03  }
0x8f: {  	[timem:s3], [sflag:s2] =	dma.local @!p0 [hbm:s0], s1  }
0x90: {  	s0 =	simm.s32 @!p0 $0x3  }
0x91: {  	_ =	swait.ge @!p0 [sflag:s0], s1  }
0x92: {  	s1 =	ssub.s32 @!p0 $0x0, s1;
	[sflag:s0] =	ssyncset.done @!p0 $0x0  }
0x93: {  	[sflag:s0] =	ssyncadd.s32 @!p0 s1  }
0x94: {  	[bflag:$0x3] =	sbarrier.arrive $0xFFFF  }
0x95: {  	_ =	shalt  }

</sc_bundles>
